<compile_context>
chip_gen: v7x
topology: tpu7x:2x2x1
jax: 0.10.2.dev20260603
libtpu: 0.0.44.dev20260713+nightly
codegen_flags: <defaults>
</compile_context>

<pallas_src>
import functools

import jax
import jax.numpy as jnp
from jax import lax
from jax.experimental import pallas as pl
from jax.experimental.pallas import tpu as pltpu
from jax.experimental.pallas import tpu_sc as plsc

V = 4096
N = 32 * 512
NC, NS, L = 2, 16, 16
NW = NC * NS
SHARD = V // NW
SUB = 8
NSUB = SHARD // SUB
SCCH = 2048


def _sc_gather_loss(ix_flat, tg_flat, emb):
    mesh = plsc.VectorSubcoreMesh(core_axis_name="c", subcore_axis_name="s")

    @functools.partial(
        pl.kernel,
        out_type=(
            jax.ShapeDtypeStruct((N, V), jnp.float32),
            jax.ShapeDtypeStruct((V,), jnp.float32),
            jax.ShapeDtypeStruct((V,), jnp.int32),
            jax.ShapeDtypeStruct((NW, L), jnp.float32),
        ),
        mesh=mesh,
        scratch_types=[
            pltpu.VMEM((SCCH,), jnp.int32),
            pltpu.VMEM((N,), jnp.int32),
            pltpu.VMEM((N,), jnp.int32),
            pltpu.VMEM((N,), jnp.int32),
            pltpu.VMEM((SUB, V), jnp.float32),
            pltpu.VMEM((SUB, V), jnp.float32),
            pltpu.VMEM((SHARD + 16,), jnp.float32),
            pltpu.VMEM((SHARD + 16,), jnp.int32),
            pltpu.VMEM((L,), jnp.float32),
            pltpu.SemaphoreType.DMA,
            pltpu.SemaphoreType.DMA,
            pltpu.SemaphoreType.DMA,
            pltpu.SemaphoreType.DMA,
        ],
        compiler_params=pltpu.CompilerParams(needs_layout_passes=False),
    )
    def k(ix_hbm, tg_hbm, emb_hbm, out_hbm, s_hbm, c_hbm, t_hbm,
          scan_v, tgt_v, marena, sarena, slab0, slab1,
          s_all, c_all, tacc_v, sg0, sg1, so0, so1):
        wid = lax.axis_index("s") * NC + lax.axis_index("c")
        lo = wid * SHARD
        iota = lax.iota(jnp.int32, L)
        zero = jnp.zeros((L,), jnp.float32)
        izero = jnp.zeros((L,), jnp.int32)

        def lane_i32(vec, lane):
            return jnp.sum(jnp.where(iota == lane, vec, 0))

        pltpu.sync_copy(tg_hbm, tgt_v)

        def scan_chunk(cc, mcnt):
            pltpu.sync_copy(ix_hbm.at[pl.ds(cc * SCCH, SCCH)], scan_v)

            def scan_vec(q, mc):
                ixv = scan_v[pl.ds(q * L, L)]
                d = ixv - lo
                mask = (d >= 0) & (d < SHARD)
                ranks = plsc.cumsum(jnp.where(mask, 1, 0))
                pos = jnp.where(mask, mc + ranks - 1, 0)
                n_glb = cc * SCCH + q * L + iota
                plsc.store_scatter(marena, [pos],
                                   (d << 14) | n_glb, mask=mask)
                return mc + lane_i32(ranks, 15)

            return lax.fori_loop(0, SCCH // L, scan_vec, mcnt)

        mcnt = lax.fori_loop(0, N // SCCH, scan_chunk, 0)
        mvecs = (mcnt + 15) >> 4

        def filter_batch(sub):
            def fvec(j, sc):
                vec = marena[pl.ds(j * L, L)]
                d = vec >> 14
                mask = ((d >> 3) == sub) & ((j * L + iota) < mcnt)
                ranks = plsc.cumsum(jnp.where(mask, 1, 0))
                pos = jnp.where(mask, sc + ranks - 1, 0)
                plsc.store_scatter(sarena, [pos], vec, mask=mask)
                return sc + lane_i32(ranks, 15)

            return lax.fori_loop(0, mvecs, fvec, 0)

        def stats_batch(slab, sub):
            def row_body(r, svec):
                def col_body(kk, s):
                    cb = kk * 128
                    vs = [jnp.exp(slab[r, pl.ds(cb + u * L, L)])
                          for u in range(8)]
                    e = (((vs[0] + vs[1]) + (vs[2] + vs[3]))
                         + ((vs[4] + vs[5]) + (vs[6] + vs[7])))
                    return s + e

                s = lax.fori_loop(0, V // 128, col_body, zero)
                return jnp.where(iota == r, jnp.sum(s), svec)

            svec = lax.fori_loop(0, SUB, row_body, zero)
            s_all[pl.ds(sub * SUB, L)] = svec

        def entries_batch(slab, sub, scnt, so):
            def vbody(j, carry):
                tacc, cvec = carry
                vec = sarena[pl.ds(j * L, L)]
                valid = (j * L + iota) < scnt
                n = vec & 16383
                rb = (vec >> 14) & 7
                tcol = plsc.load_gather(tgt_v, [n])
                tv = plsc.load_gather(slab, [rb, tcol])
                tacc = tacc + jnp.where(valid, tv, jnp.float32(0))
                for r in range(SUB):
                    cvec = cvec + jnp.where(
                        iota == r,
                        jnp.sum(jnp.where(valid & (rb == r), 1, 0)), cvec * 0)

                def ebody(e, _):
                    nn = lane_i32(n, e - j * L)
                    rr = lane_i32(rb, e - j * L)
                    pltpu.async_copy(slab.at[pl.ds(rr, 1)],
                                     out_hbm.at[pl.ds(nn, 1)], so)
                    return 0

                lax.fori_loop(j * L, jnp.minimum(scnt, (j + 1) * L),
                              ebody, 0)
                return tacc, cvec

            nvec = (scnt + 15) >> 4
            tacc0 = tacc_v[...]
            tacc, cvec = lax.fori_loop(0, nvec, vbody, (tacc0, izero))
            tacc_v[...] = tacc
            c_all[pl.ds(sub * SUB, L)] = cvec

        def drain(cnt, buf, so):
            def dbody(i, _):
                pltpu.make_async_copy(
                    buf.at[pl.ds(0, 1)], out_hbm.at[pl.ds(0, 1)], so).wait()
                return 0

            lax.fori_loop(0, cnt, dbody, 0)

        def start_slab(sub, buf, sg):
            pltpu.async_copy(emb_hbm.at[pl.ds(lo + sub * SUB, SUB)], buf, sg)

        def wait_slab(buf, sg):
            pltpu.make_async_copy(
                emb_hbm.at[pl.ds(0, SUB)], buf, sg).wait()

        tacc_v[...] = zero
        start_slab(0, slab0, sg0)

        def pair_body(g, c1_prev):
            sub0 = 2 * g
            wait_slab(slab0, sg0)
            scnt0 = filter_batch(sub0)
            stats_batch(slab0, sub0)
            drain(c1_prev, slab1, so1)
            start_slab(sub0 + 1, slab1, sg1)
            entries_batch(slab0, sub0, scnt0, so0)
            wait_slab(slab1, sg1)
            scnt1 = filter_batch(sub0 + 1)
            stats_batch(slab1, sub0 + 1)
            drain(scnt0, slab0, so0)

            @pl.when(g < NSUB // 2 - 1)
            def _():
                start_slab(sub0 + 2, slab0, sg0)

            entries_batch(slab1, sub0 + 1, scnt1, so1)
            return scnt1

        c1_last = lax.fori_loop(0, NSUB // 2, pair_body, 0)
        drain(c1_last, slab1, so1)

        pltpu.sync_copy(s_all.at[pl.ds(0, SHARD)],
                        s_hbm.at[pl.ds(lo, SHARD)])
        pltpu.sync_copy(c_all.at[pl.ds(0, SHARD)],
                        c_hbm.at[pl.ds(lo, SHARD)])
        pltpu.sync_copy(tacc_v, t_hbm.at[wid])

    return k(ix_flat, tg_flat, emb)


def _finalize_body(s_ref, c_ref, t_ref, o_ref):
    lse = jnp.sum(c_ref[...].astype(jnp.float32) * jnp.log(s_ref[...]))
    o_ref[0, 0] = (lse - jnp.sum(t_ref[...])) * (1.0 / N)


def _tc_finalize(s, c, t):
    return pl.pallas_call(
        _finalize_body,
        out_shape=jax.ShapeDtypeStruct((1, 1), jnp.float32),
        out_specs=pl.BlockSpec(memory_space=pltpu.SMEM),
    )(s.reshape(32, 128), c.reshape(32, 128), t)


def kernel(ix, targt, emb):
    ix_flat = ix.reshape(-1).astype(jnp.int32)
    tg_flat = targt.reshape(-1).astype(jnp.int32)
    logits2, s, c, t = _sc_gather_loss(ix_flat, tg_flat, emb)
    loss = _tc_finalize(s, c, t).reshape(())
    return (logits2, loss)

# --- scband reference (transcript-rebuilt; emitter-appended) ---
"""Pipeline reference for scband-bigram-language-model-18090402251475 (READ-ONLY COPY).

The authoritative reference and input builder live on the scoring server;
editing this copy changes nothing except your own understanding.
"""

import jax, jax.numpy as jnp
import numpy as np

VOCAB = 4096
B, T = 32, 512

def setup_inputs(seed: int = 0) -> dict:
    key = jax.random.key(seed)
    k1, k2, k3 = jax.random.split(key, 3)
    ix = jax.random.randint(k1, (B, T), 0, VOCAB, dtype=jnp.int64)
    targt = jax.random.randint(k2, (B, T), 0, VOCAB, dtype=jnp.int64)
    # nn.Embedding default init: N(0, 1)
    emb = jax.random.normal(k3, (VOCAB, VOCAB), dtype=jnp.float32)
    return {"ix": ix, "targt": targt, "emb": emb}

def reference(ix, targt, emb):
    # logits = self.tokenEmbTable(ix)
    logits = jnp.take(emb, ix, axis=0)  # [B, T, V]
    Bv, Tv, C = logits.shape
    logits2 = logits.reshape(Bv * Tv, C)
    t = targt.reshape(Bv * Tv)
    # F.cross_entropy(logits2, t)
    logp = jax.nn.log_softmax(logits2, axis=-1)
    nll = -jnp.take_along_axis(logp, t[:, None], axis=1)[:, 0]
    loss = jnp.mean(nll)
    return (logits2, loss)

if __name__ == "__main__":
    import jax
    _d = setup_inputs()
    print(jax.jit(kernel)(*tuple(_d.values())))

</pallas_src>

<mosaic_0001>
#map = affine_map<(d0, d1) -> (0)>
#map1 = affine_map<(d0, d1) -> (0, 0)>
module attributes {stable_mosaic.version = 14 : i64} {
  func.func @k(%arg0: i32, %arg1: i32, %arg2: memref<16384xi32, #tpu.memory_space<hbm>>, %arg3: memref<16384xi32, #tpu.memory_space<hbm>>, %arg4: memref<4096x4096xf32, #tpu.memory_space<hbm>>, %arg5: memref<16384x4096xf32, #tpu.memory_space<hbm>>, %arg6: memref<4096xf32, #tpu.memory_space<hbm>>, %arg7: memref<4096xi32, #tpu.memory_space<hbm>>, %arg8: memref<32x16xf32, #tpu.memory_space<hbm>>, %arg9: memref<2048xi32, #tpu.memory_space<vmem>>, %arg10: memref<16384xi32, #tpu.memory_space<vmem>>, %arg11: memref<16384xi32, #tpu.memory_space<vmem>>, %arg12: memref<16384xi32, #tpu.memory_space<vmem>>, %arg13: memref<8x4096xf32, #tpu.memory_space<vmem>>, %arg14: memref<8x4096xf32, #tpu.memory_space<vmem>>, %arg15: memref<144xf32, #tpu.memory_space<vmem>>, %arg16: memref<144xi32, #tpu.memory_space<vmem>>, %arg17: memref<16xf32, #tpu.memory_space<vmem>>, %arg18: memref<!tpu.dma_semaphore, #tpu.memory_space<semaphore_mem>>, %arg19: memref<!tpu.dma_semaphore, #tpu.memory_space<semaphore_mem>>, %arg20: memref<!tpu.dma_semaphore, #tpu.memory_space<semaphore_mem>>, %arg21: memref<!tpu.dma_semaphore, #tpu.memory_space<semaphore_mem>>) attributes {dimension_semantics = [#tpu.dimension_semantics<core_parallel>, #tpu.dimension_semantics<subcore_parallel>], iteration_bounds = array<i64: 2, 16>, scalar_prefetch = 0 : i64, scratch_operands = 13 : i64, tpu.core_type = #tpu.core_type<sc_vector_subcore>, window_params = [{transform_indices = #map}, {transform_indices = #map}, {transform_indices = #map1}, {transform_indices = #map1}, {transform_indices = #map}, {transform_indices = #map}, {transform_indices = #map1}]} {
    %mul3A = arith.constant 2 : i32
    %mul3A_0 = arith.muli %arg1, %mul3A : i32
    %add3A = arith.addi %mul3A_0, %arg0 : i32
    %mul3A_1 = arith.constant 128 : i32
    %mul3A_2 = arith.muli %add3A, %mul3A_1 : i32
    %iota3A = tpu.iota {dimensions = array<i32: 0>} : vector<16xi32>
    %broadcast_in_dim3A = arith.constant 0.000000e+00 : f32
    %broadcast_in_dim3A_3 = vector.broadcast %broadcast_in_dim3A : f32 to vector<16xf32>
    %broadcast_in_dim3A_4 = arith.constant 0 : i32
    %broadcast_in_dim3A_5 = vector.broadcast %broadcast_in_dim3A_4 : i32 to vector<16xi32>
    "tpu.region"() ({
      %run_scoped3A = tpu.sem_alloc : memref<!tpu.dma_semaphore, #tpu.memory_space<semaphore_mem>>
      tpu.enqueue_dma source(%arg3 : memref<16384xi32, #tpu.memory_space<hbm>>) target(%arg10 : memref<16384xi32, #tpu.memory_space<vmem>>) target_semaphore(%run_scoped3A : memref<!tpu.dma_semaphore, #tpu.memory_space<semaphore_mem>>)
      tpu.wait_dma2 semaphore(%run_scoped3A : memref<!tpu.dma_semaphore, #tpu.memory_space<semaphore_mem>>) src(%arg3 : memref<16384xi32, #tpu.memory_space<hbm>>) dst(%arg10 : memref<16384xi32, #tpu.memory_space<vmem>>)
      tpu.yield
    }) : () -> ()
    %scan3A = arith.constant 0 : i32
    %scan3A_6 = arith.constant 0 : i32
    %scan3A_7 = arith.constant 8 : i32
    %scan3A_8 = arith.addi %scan3A_6, %scan3A_7 : i32
    %scan3A_9 = arith.constant 1 : i32
    %scan3A_10 = scf.for %scan3A_39 = %scan3A_6 to %scan3A_8 step %scan3A_9 iter_args(%scan3A_40 = %scan3A) -> (i32)  : i32 {
      %mul3A_41 = arith.constant 2048 : i32
      %mul3A_42 = arith.muli %scan3A_39, %mul3A_41 : i32
      "tpu.region"() ({
        %run_scoped3A = tpu.sem_alloc : memref<!tpu.dma_semaphore, #tpu.memory_space<semaphore_mem>>
        %dma_start3A_49 = tpu.memref_slice %arg2[%mul3A_42] : memref<16384xi32, #tpu.memory_space<hbm>> -> memref<2048xi32, #tpu.memory_space<hbm>>
        %dma_start3A_50 = tpu.memref_slice %arg2[%mul3A_42] : memref<16384xi32, #tpu.memory_space<hbm>> -> memref<2048xi32, #tpu.memory_space<hbm>>
        tpu.enqueue_dma source(%dma_start3A_50 : memref<2048xi32, #tpu.memory_space<hbm>>) target(%arg9 : memref<2048xi32, #tpu.memory_space<vmem>>) target_semaphore(%run_scoped3A : memref<!tpu.dma_semaphore, #tpu.memory_space<semaphore_mem>>)
        %dma_wait3A = tpu.memref_slice %arg2[%mul3A_42] : memref<16384xi32, #tpu.memory_space<hbm>> -> memref<2048xi32, #tpu.memory_space<hbm>>
        %dma_wait3A_51 = tpu.memref_slice %arg2[%mul3A_42] : memref<16384xi32, #tpu.memory_space<hbm>> -> memref<2048xi32, #tpu.memory_space<hbm>>
        tpu.wait_dma2 semaphore(%run_scoped3A : memref<!tpu.dma_semaphore, #tpu.memory_space<semaphore_mem>>) src(%dma_wait3A_51 : memref<2048xi32, #tpu.memory_space<hbm>>) dst(%arg9 : memref<2048xi32, #tpu.memory_space<vmem>>)
        tpu.yield
      }) : () -> ()
      %scan3A_43 = arith.constant 0 : i32
      %scan3A_44 = arith.constant 128 : i32
      %scan3A_45 = arith.addi %scan3A_43, %scan3A_44 : i32
      %scan3A_46 = arith.constant 1 : i32
      %scan3A_47 = scf.for %scan3A_49 = %scan3A_43 to %scan3A_45 step %scan3A_46 iter_args(%scan3A_50 = %scan3A_40) -> (i32)  : i32 {
        %mul3A_51 = arith.constant 16 : i32
        %mul3A_52 = arith.muli %scan3A_49, %mul3A_51 : i32
        %get3A = arith.index_cast %mul3A_52 : i32 to index
        %get3A_53 = tpu.vector_load %arg9[%get3A] {strides = array<i32>} : memref<2048xi32, #tpu.memory_space<vmem>>, vector<16xi32>,
        %sub3A = vector.broadcast %mul3A_2 : i32 to vector<16xi32>
        %sub3A_54 = arith.subi %get3A_53, %sub3A : vector<16xi32>
        %ge3A = arith.constant 0 : i32
        %ge3A_55 = vector.broadcast %ge3A : i32 to vector<16xi32>
        %ge3A_56 = arith.cmpi sge, %sub3A_54, %ge3A_55 : vector<16xi32>
        %lt3A = arith.constant 128 : i32
        %lt3A_57 = vector.broadcast %lt3A : i32 to vector<16xi32>
        %lt3A_58 = arith.cmpi slt, %sub3A_54, %lt3A_57 : vector<16xi32>
        %and3A = arith.andi %ge3A_56, %lt3A_58 : vector<16xi1>
        %jit3A = arith.constant 1 : i32
        %jit3A_59 = arith.constant 0 : i32
        %broadcast_in_dim3A_60 = vector.broadcast %jit3A : i32 to vector<16xi32>
        %broadcast_in_dim3A_61 = vector.broadcast %jit3A_59 : i32 to vector<16xi32>
        %select_n3A = arith.select %and3A, %broadcast_in_dim3A_60, %broadcast_in_dim3A_61 : vector<16xi1>, vector<16xi32>
        %broadcast_in_dim3A_62 = arith.constant true
        %broadcast_in_dim3A_63 = vector.broadcast %broadcast_in_dim3A_62 : i1 to vector<16xi1>
        %masked_cumsum3A = tpu.scan <sum>, %select_n3A masked %broadcast_in_dim3A_63 : vector<16xi32>, vector<16xi1> -> vector<16xi32>
        %add3A_64 = vector.broadcast %scan3A_50 : i32 to vector<16xi32>
        %add3A_65 = arith.addi %add3A_64, %masked_cumsum3A : vector<16xi32>
        %sub3A_66 = arith.constant 1 : i32
        %sub3A_67 = vector.broadcast %sub3A_66 : i32 to vector<16xi32>
        %sub3A_68 = arith.subi %add3A_65, %sub3A_67 : vector<16xi32>
        %jit3A_69 = arith.constant 0 : i32
        %broadcast_in_dim3A_70 = vector.broadcast %jit3A_69 : i32 to vector<16xi32>
        %select_n3A_71 = arith.select %and3A, %sub3A_68, %broadcast_in_dim3A_70 : vector<16xi1>, vector<16xi32>
        %mul3A_72 = arith.constant 2048 : i32
        %mul3A_73 = arith.muli %scan3A_39, %mul3A_72 : i32
        %mul3A_74 = arith.constant 16 : i32
        %mul3A_75 = arith.muli %scan3A_49, %mul3A_74 : i32
        %add3A_76 = arith.addi %mul3A_73, %mul3A_75 : i32
        %add3A_77 = vector.broadcast %add3A_76 : i32 to vector<16xi32>
        %add3A_78 = arith.addi %add3A_77, %iota3A : vector<16xi32>
        %shift_left3A = arith.constant 14 : i32
        %shift_left3A_79 = vector.broadcast %shift_left3A : i32 to vector<16xi32>
        %shift_left3A_80 = arith.shli %sub3A_54, %shift_left3A_79 : vector<16xi32>
        %or3A = arith.ori %shift_left3A_80, %add3A_78 : vector<16xi32>
        tpu.vector_store_idx %arg11[%select_n3A_71], %or3A masked %and3A : memref<16384xi32, #tpu.memory_space<vmem>>[vector<16xi32>], vector<16xi32>, vector<16xi1>
        %eq3A = arith.constant 15 : i32
        %eq3A_81 = vector.broadcast %eq3A : i32 to vector<16xi32>
        %eq3A_82 = arith.cmpi eq, %iota3A, %eq3A_81 : vector<16xi32>
        %jit3A_83 = arith.constant 0 : i32
        %broadcast_in_dim3A_84 = vector.broadcast %jit3A_83 : i32 to vector<16xi32>
        %select_n3A_85 = arith.select %eq3A_82, %masked_cumsum3A, %broadcast_in_dim3A_84 : vector<16xi1>, vector<16xi32>
        %reduce_sum3A = arith.constant true
        %reduce_sum3A_86 = vector.broadcast %reduce_sum3A : i1 to vector<16xi1>
        %reduce_sum3A_87 = tpu.scan <sum>, %select_n3A_85 masked %reduce_sum3A_86 : vector<16xi32>, vector<16xi1> -> vector<16xi32>
        %reduce_sum3A_88 = vector.extract %reduce_sum3A_87[15] : i32 from vector<16xi32>
        %add3A_89 = arith.addi %scan3A_50, %reduce_sum3A_88 : i32
        scf.yield %add3A_89 : i32
      }
      %scan3A_48 = arith.constant 128 : i32
      scf.yield %scan3A_47 : i32
    }
    %scan3A_11 = arith.constant 8 : i32
    %add3A_12 = arith.constant 15 : i32
    %add3A_13 = arith.addi %scan3A_10, %add3A_12 : i32
    %shift_right_arithmetic3A = arith.constant 4 : i32
    %shift_right_arithmetic3A_14 = arith.shrsi %add3A_13, %shift_right_arithmetic3A : i32
    %swap3A = arith.constant 0 : index
    %swap3A_15 = tpu.vector_load %arg17[%swap3A] {strides = array<i32>} : memref<16xf32, #tpu.memory_space<vmem>>, vector<16xf32>,
    tpu.vector_store %arg17[%swap3A], %broadcast_in_dim3A_3 {strides = array<i32>} : memref<16xf32, #tpu.memory_space<vmem>>, vector<16xf32>,
    %add3A_16 = arith.constant 0 : i32
    %add3A_17 = arith.addi %mul3A_2, %add3A_16 : i32
    %dma_start3A = arith.constant 0 : i32
    %dma_start3A_18 = tpu.memref_slice %arg4[%add3A_17, %dma_start3A] : memref<4096x4096xf32, #tpu.memory_space<hbm>> -> memref<8x4096xf32, #tpu.memory_space<hbm>>
    %dma_start3A_19 = arith.constant 0 : i32
    %dma_start3A_20 = tpu.memref_slice %arg4[%add3A_17, %dma_start3A_19] : memref<4096x4096xf32, #tpu.memory_space<hbm>> -> memref<8x4096xf32, #tpu.memory_space<hbm>>
    tpu.enqueue_dma source(%dma_start3A_20 : memref<8x4096xf32, #tpu.memory_space<hbm>>) target(%arg13 : memref<8x4096xf32, #tpu.memory_space<vmem>>) target_semaphore(%arg18 : memref<!tpu.dma_semaphore, #tpu.memory_space<semaphore_mem>>)
    %scan3A_21 = arith.constant 0 : i32
    %scan3A_22 = arith.constant 0 : i32
    %scan3A_23 = arith.constant 8 : i32
    %scan3A_24 = arith.addi %scan3A_22, %scan3A_23 : i32
    %scan3A_25 = arith.constant 1 : i32
    %scan3A_26 = scf.for %scan3A_39 = %scan3A_22 to %scan3A_24 step %scan3A_25 iter_args(%scan3A_40 = %scan3A_21) -> (i32)  : i32 {
      %mul3A_41 = arith.constant 2 : i32
      %mul3A_42 = arith.muli %mul3A_41, %scan3A_39 : i32
      %dma_wait3A = arith.constant 0 : i32
      %dma_wait3A_43 = arith.constant 0 : i32
      %dma_wait3A_44 = tpu.memref_slice %arg4[%dma_wait3A, %dma_wait3A_43] : memref<4096x4096xf32, #tpu.memory_space<hbm>> -> memref<8x4096xf32, #tpu.memory_space<hbm>>
      %dma_wait3A_45 = arith.constant 0 : i32
      %dma_wait3A_46 = arith.constant 0 : i32
      %dma_wait3A_47 = tpu.memref_slice %arg4[%dma_wait3A_45, %dma_wait3A_46] : memref<4096x4096xf32, #tpu.memory_space<hbm>> -> memref<8x4096xf32, #tpu.memory_space<hbm>>
      tpu.wait_dma2 semaphore(%arg18 : memref<!tpu.dma_semaphore, #tpu.memory_space<semaphore_mem>>) src(%dma_wait3A_47 : memref<8x4096xf32, #tpu.memory_space<hbm>>) dst(%arg13 : memref<8x4096xf32, #tpu.memory_space<vmem>>)
      %while3A_48 = arith.constant 0 : i32
      %while3A_49 = arith.constant 0 : i32
      %while3A_50 = arith.subi %shift_right_arithmetic3A_14, %while3A_48 : i32
      %while3A_51 = arith.addi %while3A_48, %while3A_50 : i32
      %while3A_52 = arith.constant 1 : i32
      %while3A_53 = arith.divsi %while3A_50, %while3A_52 : i32
      %while3A_54 = arith.muli %while3A_53, %while3A_52 : i32
      %while3A_55 = arith.addi %while3A_48, %while3A_54 : i32
      %while3A_56 = arith.constant 1 : i32
      %while3A_57 = scf.for %while3A_184 = %while3A_48 to %while3A_55 step %while3A_56 iter_args(%while3A_185 = %while3A_49) -> (i32)  : i32 {
        %mul3A_186 = arith.constant 16 : i32
        %mul3A_187 = arith.muli %while3A_184, %mul3A_186 : i32
        %get3A_188 = arith.index_cast %mul3A_187 : i32 to index
        %get3A_189 = tpu.vector_load %arg11[%get3A_188] {strides = array<i32>} : memref<16384xi32, #tpu.memory_space<vmem>>, vector<16xi32>,
        %shift_right_arithmetic3A_190 = arith.constant 14 : i32
        %shift_right_arithmetic3A_191 = vector.broadcast %shift_right_arithmetic3A_190 : i32 to vector<16xi32>
        %shift_right_arithmetic3A_192 = arith.shrsi %get3A_189, %shift_right_arithmetic3A_191 : vector<16xi32>
        %shift_right_arithmetic3A_193 = arith.constant 3 : i32
        %shift_right_arithmetic3A_194 = vector.broadcast %shift_right_arithmetic3A_193 : i32 to vector<16xi32>
        %shift_right_arithmetic3A_195 = arith.shrsi %shift_right_arithmetic3A_192, %shift_right_arithmetic3A_194 : vector<16xi32>
        %eq3A = vector.broadcast %mul3A_42 : i32 to vector<16xi32>
        %eq3A_196 = arith.cmpi eq, %shift_right_arithmetic3A_195, %eq3A : vector<16xi32>
        %mul3A_197 = arith.constant 16 : i32
        %mul3A_198 = arith.muli %while3A_184, %mul3A_197 : i32
        %add3A_199 = vector.broadcast %mul3A_198 : i32 to vector<16xi32>
        %add3A_200 = arith.addi %add3A_199, %iota3A : vector<16xi32>
        %lt3A_201 = vector.broadcast %scan3A_10 : i32 to vector<16xi32>
        %lt3A_202 = arith.cmpi slt, %add3A_200, %lt3A_201 : vector<16xi32>
        %and3A = arith.andi %eq3A_196, %lt3A_202 : vector<16xi1>
        %jit3A = arith.constant 1 : i32
        %jit3A_203 = arith.constant 0 : i32
        %broadcast_in_dim3A_204 = vector.broadcast %jit3A : i32 to vector<16xi32>
        %broadcast_in_dim3A_205 = vector.broadcast %jit3A_203 : i32 to vector<16xi32>
        %select_n3A = arith.select %and3A, %broadcast_in_dim3A_204, %broadcast_in_dim3A_205 : vector<16xi1>, vector<16xi32>
        %broadcast_in_dim3A_206 = arith.constant true
        %broadcast_in_dim3A_207 = vector.broadcast %broadcast_in_dim3A_206 : i1 to vector<16xi1>
        %masked_cumsum3A = tpu.scan <sum>, %select_n3A masked %broadcast_in_dim3A_207 : vector<16xi32>, vector<16xi1> -> vector<16xi32>
        %add3A_208 = vector.broadcast %while3A_185 : i32 to vector<16xi32>
        %add3A_209 = arith.addi %add3A_208, %masked_cumsum3A : vector<16xi32>
        %sub3A = arith.constant 1 : i32
        %sub3A_210 = vector.broadcast %sub3A : i32 to vector<16xi32>
        %sub3A_211 = arith.subi %add3A_209, %sub3A_210 : vector<16xi32>
        %jit3A_212 = arith.constant 0 : i32
        %broadcast_in_dim3A_213 = vector.broadcast %jit3A_212 : i32 to vector<16xi32>
        %select_n3A_214 = arith.select %and3A, %sub3A_211, %broadcast_in_dim3A_213 : vector<16xi1>, vector<16xi32>
        tpu.vector_store_idx %arg12[%select_n3A_214], %get3A_189 masked %and3A : memref<16384xi32, #tpu.memory_space<vmem>>[vector<16xi32>], vector<16xi32>, vector<16xi1>
        %eq3A_215 = arith.constant 15 : i32
        %eq3A_216 = vector.broadcast %eq3A_215 : i32 to vector<16xi32>
        %eq3A_217 = arith.cmpi eq, %iota3A, %eq3A_216 : vector<16xi32>
        %jit3A_218 = arith.constant 0 : i32
        %broadcast_in_dim3A_219 = vector.broadcast %jit3A_218 : i32 to vector<16xi32>
        %select_n3A_220 = arith.select %eq3A_217, %masked_cumsum3A, %broadcast_in_dim3A_219 : vector<16xi1>, vector<16xi32>
        %reduce_sum3A = arith.constant true
        %reduce_sum3A_221 = vector.broadcast %reduce_sum3A : i1 to vector<16xi1>
        %reduce_sum3A_222 = tpu.scan <sum>, %select_n3A_220 masked %reduce_sum3A_221 : vector<16xi32>, vector<16xi1> -> vector<16xi32>
        %reduce_sum3A_223 = vector.extract %reduce_sum3A_222[15] : i32 from vector<16xi32>
        %add3A_224 = arith.addi %while3A_185, %reduce_sum3A_223 : i32
        scf.yield %add3A_224 : i32
      }
      %while3A_58 = arith.constant 1 : i32
      %while3A_59 = scf.for %while3A_184 = %while3A_55 to %while3A_51 step %while3A_58 iter_args(%while3A_185 = %while3A_57) -> (i32)  : i32 {
        %mul3A_186 = arith.constant 16 : i32
        %mul3A_187 = arith.muli %while3A_184, %mul3A_186 : i32
        %get3A_188 = arith.index_cast %mul3A_187 : i32 to index
        %get3A_189 = tpu.vector_load %arg11[%get3A_188] {strides = array<i32>} : memref<16384xi32, #tpu.memory_space<vmem>>, vector<16xi32>,
        %shift_right_arithmetic3A_190 = arith.constant 14 : i32
        %shift_right_arithmetic3A_191 = vector.broadcast %shift_right_arithmetic3A_190 : i32 to vector<16xi32>
        %shift_right_arithmetic3A_192 = arith.shrsi %get3A_189, %shift_right_arithmetic3A_191 : vector<16xi32>
        %shift_right_arithmetic3A_193 = arith.constant 3 : i32
        %shift_right_arithmetic3A_194 = vector.broadcast %shift_right_arithmetic3A_193 : i32 to vector<16xi32>
        %shift_right_arithmetic3A_195 = arith.shrsi %shift_right_arithmetic3A_192, %shift_right_arithmetic3A_194 : vector<16xi32>
        %eq3A = vector.broadcast %mul3A_42 : i32 to vector<16xi32>
        %eq3A_196 = arith.cmpi eq, %shift_right_arithmetic3A_195, %eq3A : vector<16xi32>
        %mul3A_197 = arith.constant 16 : i32
        %mul3A_198 = arith.muli %while3A_184, %mul3A_197 : i32
        %add3A_199 = vector.broadcast %mul3A_198 : i32 to vector<16xi32>
        %add3A_200 = arith.addi %add3A_199, %iota3A : vector<16xi32>
        %lt3A_201 = vector.broadcast %scan3A_10 : i32 to vector<16xi32>
        %lt3A_202 = arith.cmpi slt, %add3A_200, %lt3A_201 : vector<16xi32>
        %and3A = arith.andi %eq3A_196, %lt3A_202 : vector<16xi1>
        %jit3A = arith.constant 1 : i32
        %jit3A_203 = arith.constant 0 : i32
        %broadcast_in_dim3A_204 = vector.broadcast %jit3A : i32 to vector<16xi32>
        %broadcast_in_dim3A_205 = vector.broadcast %jit3A_203 : i32 to vector<16xi32>
        %select_n3A = arith.select %and3A, %broadcast_in_dim3A_204, %broadcast_in_dim3A_205 : vector<16xi1>, vector<16xi32>
        %broadcast_in_dim3A_206 = arith.constant true
        %broadcast_in_dim3A_207 = vector.broadcast %broadcast_in_dim3A_206 : i1 to vector<16xi1>
        %masked_cumsum3A = tpu.scan <sum>, %select_n3A masked %broadcast_in_dim3A_207 : vector<16xi32>, vector<16xi1> -> vector<16xi32>
        %add3A_208 = vector.broadcast %while3A_185 : i32 to vector<16xi32>
        %add3A_209 = arith.addi %add3A_208, %masked_cumsum3A : vector<16xi32>
        %sub3A = arith.constant 1 : i32
        %sub3A_210 = vector.broadcast %sub3A : i32 to vector<16xi32>
        %sub3A_211 = arith.subi %add3A_209, %sub3A_210 : vector<16xi32>
        %jit3A_212 = arith.constant 0 : i32
        %broadcast_in_dim3A_213 = vector.broadcast %jit3A_212 : i32 to vector<16xi32>
        %select_n3A_214 = arith.select %and3A, %sub3A_211, %broadcast_in_dim3A_213 : vector<16xi1>, vector<16xi32>
        tpu.vector_store_idx %arg12[%select_n3A_214], %get3A_189 masked %and3A : memref<16384xi32, #tpu.memory_space<vmem>>[vector<16xi32>], vector<16xi32>, vector<16xi1>
        %eq3A_215 = arith.constant 15 : i32
        %eq3A_216 = vector.broadcast %eq3A_215 : i32 to vector<16xi32>
        %eq3A_217 = arith.cmpi eq, %iota3A, %eq3A_216 : vector<16xi32>
        %jit3A_218 = arith.constant 0 : i32
        %broadcast_in_dim3A_219 = vector.broadcast %jit3A_218 : i32 to vector<16xi32>
        %select_n3A_220 = arith.select %eq3A_217, %masked_cumsum3A, %broadcast_in_dim3A_219 : vector<16xi1>, vector<16xi32>
        %reduce_sum3A = arith.constant true
        %reduce_sum3A_221 = vector.broadcast %reduce_sum3A : i1 to vector<16xi1>
        %reduce_sum3A_222 = tpu.scan <sum>, %select_n3A_220 masked %reduce_sum3A_221 : vector<16xi32>, vector<16xi1> -> vector<16xi32>
        %reduce_sum3A_223 = vector.extract %reduce_sum3A_222[15] : i32 from vector<16xi32>
        %add3A_224 = arith.addi %while3A_185, %reduce_sum3A_223 : i32
        scf.yield %add3A_224 : i32
      }
      %scan3A_60 = arith.constant 0 : i32
      %scan3A_61 = arith.constant 8 : i32
      %scan3A_62 = arith.addi %scan3A_60, %scan3A_61 : i32
      %scan3A_63 = arith.constant 1 : i32
      %scan3A_64 = scf.for %scan3A_184 = %scan3A_60 to %scan3A_62 step %scan3A_63 iter_args(%scan3A_185 = %broadcast_in_dim3A_3) -> (vector<16xf32>)  : i32 {
        %scan3A_186 = arith.constant 0 : i32
        %scan3A_187 = arith.constant 32 : i32
        %scan3A_188 = arith.addi %scan3A_186, %scan3A_187 : i32
        %scan3A_189 = arith.constant 1 : i32
        %scan3A_190 = scf.for %scan3A_197 = %scan3A_186 to %scan3A_188 step %scan3A_189 iter_args(%scan3A_198 = %broadcast_in_dim3A_3) -> (vector<16xf32>)  : i32 {
          %mul3A_199 = arith.constant 128 : i32
          %mul3A_200 = arith.muli %scan3A_197, %mul3A_199 : i32
          %add3A_201 = arith.constant 0 : i32
          %add3A_202 = arith.addi %mul3A_200, %add3A_201 : i32
          %get3A_203 = arith.index_cast %scan3A_184 : i32 to index
          %get3A_204 = arith.index_cast %add3A_202 : i32 to index
          %get3A_205 = tpu.vector_load %arg13[%get3A_203, %get3A_204] {strides = array<i32>} : memref<8x4096xf32, #tpu.memory_space<vmem>>, vector<16xf32>,
          %exp3A = math.exp %get3A_205 : vector<16xf32>
          %add3A_206 = arith.constant 16 : i32
          %add3A_207 = arith.addi %mul3A_200, %add3A_206 : i32
          %get3A_208 = arith.index_cast %scan3A_184 : i32 to index
          %get3A_209 = arith.index_cast %add3A_207 : i32 to index
          %get3A_210 = tpu.vector_load %arg13[%get3A_208, %get3A_209] {strides = array<i32>} : memref<8x4096xf32, #tpu.memory_space<vmem>>, vector<16xf32>,
          %exp3A_211 = math.exp %get3A_210 : vector<16xf32>
          %add3A_212 = arith.constant 32 : i32
          %add3A_213 = arith.addi %mul3A_200, %add3A_212 : i32
          %get3A_214 = arith.index_cast %scan3A_184 : i32 to index
          %get3A_215 = arith.index_cast %add3A_213 : i32 to index
          %get3A_216 = tpu.vector_load %arg13[%get3A_214, %get3A_215] {strides = array<i32>} : memref<8x4096xf32, #tpu.memory_space<vmem>>, vector<16xf32>,
          %exp3A_217 = math.exp %get3A_216 : vector<16xf32>
          %add3A_218 = arith.constant 48 : i32
          %add3A_219 = arith.addi %mul3A_200, %add3A_218 : i32
          %get3A_220 = arith.index_cast %scan3A_184 : i32 to index
          %get3A_221 = arith.index_cast %add3A_219 : i32 to index
          %get3A_222 = tpu.vector_load %arg13[%get3A_220, %get3A_221] {strides = array<i32>} : memref<8x4096xf32, #tpu.memory_space<vmem>>, vector<16xf32>,
          %exp3A_223 = math.exp %get3A_222 : vector<16xf32>
          %add3A_224 = arith.constant 64 : i32
          %add3A_225 = arith.addi %mul3A_200, %add3A_224 : i32
          %get3A_226 = arith.index_cast %scan3A_184 : i32 to index
          %get3A_227 = arith.index_cast %add3A_225 : i32 to index
          %get3A_228 = tpu.vector_load %arg13[%get3A_226, %get3A_227] {strides = array<i32>} : memref<8x4096xf32, #tpu.memory_space<vmem>>, vector<16xf32>,
          %exp3A_229 = math.exp %get3A_228 : vector<16xf32>
          %add3A_230 = arith.constant 80 : i32
          %add3A_231 = arith.addi %mul3A_200, %add3A_230 : i32
          %get3A_232 = arith.index_cast %scan3A_184 : i32 to index
          %get3A_233 = arith.index_cast %add3A_231 : i32 to index
          %get3A_234 = tpu.vector_load %arg13[%get3A_232, %get3A_233] {strides = array<i32>} : memref<8x4096xf32, #tpu.memory_space<vmem>>, vector<16xf32>,
          %exp3A_235 = math.exp %get3A_234 : vector<16xf32>
          %add3A_236 = arith.constant 96 : i32
          %add3A_237 = arith.addi %mul3A_200, %add3A_236 : i32
          %get3A_238 = arith.index_cast %scan3A_184 : i32 to index
          %get3A_239 = arith.index_cast %add3A_237 : i32 to index
          %get3A_240 = tpu.vector_load %arg13[%get3A_238, %get3A_239] {strides = array<i32>} : memref<8x4096xf32, #tpu.memory_space<vmem>>, vector<16xf32>,
          %exp3A_241 = math.exp %get3A_240 : vector<16xf32>
          %add3A_242 = arith.constant 112 : i32
          %add3A_243 = arith.addi %mul3A_200, %add3A_242 : i32
          %get3A_244 = arith.index_cast %scan3A_184 : i32 to index
          %get3A_245 = arith.index_cast %add3A_243 : i32 to index
          %get3A_246 = tpu.vector_load %arg13[%get3A_244, %get3A_245] {strides = array<i32>} : memref<8x4096xf32, #tpu.memory_space<vmem>>, vector<16xf32>,
          %exp3A_247 = math.exp %get3A_246 : vector<16xf32>
          %add3A_248 = arith.addf %exp3A, %exp3A_211 : vector<16xf32>
          %add3A_249 = arith.addf %exp3A_217, %exp3A_223 : vector<16xf32>
          %add3A_250 = arith.addf %add3A_248, %add3A_249 : vector<16xf32>
          %add3A_251 = arith.addf %exp3A_229, %exp3A_235 : vector<16xf32>
          %add3A_252 = arith.addf %exp3A_241, %exp3A_247 : vector<16xf32>
          %add3A_253 = arith.addf %add3A_251, %add3A_252 : vector<16xf32>
          %add3A_254 = arith.addf %add3A_250, %add3A_253 : vector<16xf32>
          %add3A_255 = arith.addf %scan3A_198, %add3A_254 : vector<16xf32>
          scf.yield %add3A_255 : vector<16xf32>
        }
        %scan3A_191 = arith.constant 32 : i32
        %eq3A = vector.broadcast %scan3A_184 : i32 to vector<16xi32>
        %eq3A_192 = arith.cmpi eq, %iota3A, %eq3A : vector<16xi32>
        %reduce_sum3A = arith.constant true
        %reduce_sum3A_193 = vector.broadcast %reduce_sum3A : i1 to vector<16xi1>
        %reduce_sum3A_194 = tpu.scan <sum>, %scan3A_190 masked %reduce_sum3A_193 : vector<16xf32>, vector<16xi1> -> vector<16xf32>
        %reduce_sum3A_195 = vector.extract %reduce_sum3A_194[15] : f32 from vector<16xf32>
        %broadcast_in_dim3A_196 = vector.broadcast %reduce_sum3A_195 : f32 to vector<16xf32>
        %select_n3A = arith.select %eq3A_192, %broadcast_in_dim3A_196, %scan3A_185 : vector<16xi1>, vector<16xf32>
        scf.yield %select_n3A : vector<16xf32>
      }
      %scan3A_65 = arith.constant 8 : i32
      %mul3A_66 = arith.constant 8 : i32
      %mul3A_67 = arith.muli %mul3A_42, %mul3A_66 : i32
      %swap3A_68 = arith.index_cast %mul3A_67 : i32 to index
      %swap3A_69 = tpu.vector_load %arg15[%swap3A_68] {strides = array<i32>} : memref<144xf32, #tpu.memory_space<vmem>>, vector<16xf32>,
      tpu.vector_store %arg15[%swap3A_68], %scan3A_64 {strides = array<i32>} : memref<144xf32, #tpu.memory_space<vmem>>, vector<16xf32>,
      %while3A_70 = arith.constant 0 : i32
      %while3A_71 = arith.constant 0 : i32
      %while3A_72 = arith.subi %scan3A_40, %while3A_70 : i32
      %while3A_73 = arith.addi %while3A_70, %while3A_72 : i32
      %while3A_74 = arith.constant 1 : i32
      %while3A_75 = arith.divsi %while3A_72, %while3A_74 : i32
      %while3A_76 = arith.muli %while3A_75, %while3A_74 : i32
      %while3A_77 = arith.addi %while3A_70, %while3A_76 : i32
      %while3A_78 = arith.constant 1 : i32
      %while3A_79 = scf.for %while3A_184 = %while3A_70 to %while3A_77 step %while3A_78 iter_args(%while3A_185 = %while3A_71) -> (i32)  : i32 {
        %dma_wait3A_186 = arith.constant 0 : i32
        %dma_wait3A_187 = arith.constant 0 : i32
        %dma_wait3A_188 = tpu.memref_slice %arg14[%dma_wait3A_186, %dma_wait3A_187] : memref<8x4096xf32, #tpu.memory_space<vmem>> -> memref<1x4096xf32, #tpu.memory_space<vmem>>
        %dma_wait3A_189 = arith.constant 0 : i32
        %dma_wait3A_190 = arith.constant 0 : i32
        %dma_wait3A_191 = tpu.memref_slice %arg5[%dma_wait3A_189, %dma_wait3A_190] : memref<16384x4096xf32, #tpu.memory_space<hbm>> -> memref<1x4096xf32, #tpu.memory_space<hbm>>
        %dma_wait3A_192 = arith.constant 0 : i32
        %dma_wait3A_193 = arith.constant 0 : i32
        %dma_wait3A_194 = tpu.memref_slice %arg5[%dma_wait3A_192, %dma_wait3A_193] : memref<16384x4096xf32, #tpu.memory_space<hbm>> -> memref<1x4096xf32, #tpu.memory_space<hbm>>
        %dma_wait3A_195 = arith.constant 0 : i32
        %dma_wait3A_196 = arith.constant 0 : i32
        %dma_wait3A_197 = tpu.memref_slice %arg14[%dma_wait3A_195, %dma_wait3A_196] : memref<8x4096xf32, #tpu.memory_space<vmem>> -> memref<1x4096xf32, #tpu.memory_space<vmem>>
        tpu.wait_dma2 semaphore(%arg21 : memref<!tpu.dma_semaphore, #tpu.memory_space<semaphore_mem>>) src(%dma_wait3A_197 : memref<1x4096xf32, #tpu.memory_space<vmem>>) dst(%dma_wait3A_194 : memref<1x4096xf32, #tpu.memory_space<hbm>>)
        %while3A_198 = arith.constant 0 : i32
        scf.yield %while3A_198 : i32
      }
      %while3A_80 = arith.constant 1 : i32
      %while3A_81 = scf.for %while3A_184 = %while3A_77 to %while3A_73 step %while3A_80 iter_args(%while3A_185 = %while3A_79) -> (i32)  : i32 {
        %dma_wait3A_186 = arith.constant 0 : i32
        %dma_wait3A_187 = arith.constant 0 : i32
        %dma_wait3A_188 = tpu.memref_slice %arg14[%dma_wait3A_186, %dma_wait3A_187] : memref<8x4096xf32, #tpu.memory_space<vmem>> -> memref<1x4096xf32, #tpu.memory_space<vmem>>
        %dma_wait3A_189 = arith.constant 0 : i32
        %dma_wait3A_190 = arith.constant 0 : i32
        %dma_wait3A_191 = tpu.memref_slice %arg5[%dma_wait3A_189, %dma_wait3A_190] : memref<16384x4096xf32, #tpu.memory_space<hbm>> -> memref<1x4096xf32, #tpu.memory_space<hbm>>
        %dma_wait3A_192 = arith.constant 0 : i32
        %dma_wait3A_193 = arith.constant 0 : i32
        %dma_wait3A_194 = tpu.memref_slice %arg5[%dma_wait3A_192, %dma_wait3A_193] : memref<16384x4096xf32, #tpu.memory_space<hbm>> -> memref<1x4096xf32, #tpu.memory_space<hbm>>
        %dma_wait3A_195 = arith.constant 0 : i32
        %dma_wait3A_196 = arith.constant 0 : i32
        %dma_wait3A_197 = tpu.memref_slice %arg14[%dma_wait3A_195, %dma_wait3A_196] : memref<8x4096xf32, #tpu.memory_space<vmem>> -> memref<1x4096xf32, #tpu.memory_space<vmem>>
        tpu.wait_dma2 semaphore(%arg21 : memref<!tpu.dma_semaphore, #tpu.memory_space<semaphore_mem>>) src(%dma_wait3A_197 : memref<1x4096xf32, #tpu.memory_space<vmem>>) dst(%dma_wait3A_194 : memref<1x4096xf32, #tpu.memory_space<hbm>>)
        %while3A_198 = arith.constant 0 : i32
        scf.yield %while3A_198 : i32
      }
      %add3A_82 = arith.constant 1 : i32
      %add3A_83 = arith.addi %mul3A_42, %add3A_82 : i32
      %mul3A_84 = arith.constant 8 : i32
      %mul3A_85 = arith.muli %add3A_83, %mul3A_84 : i32
      %add3A_86 = arith.addi %mul3A_2, %mul3A_85 : i32
      %dma_start3A_87 = arith.constant 0 : i32
      %dma_start3A_88 = tpu.memref_slice %arg4[%add3A_86, %dma_start3A_87] : memref<4096x4096xf32, #tpu.memory_space<hbm>> -> memref<8x4096xf32, #tpu.memory_space<hbm>>
      %dma_start3A_89 = arith.constant 0 : i32
      %dma_start3A_90 = tpu.memref_slice %arg4[%add3A_86, %dma_start3A_89] : memref<4096x4096xf32, #tpu.memory_space<hbm>> -> memref<8x4096xf32, #tpu.memory_space<hbm>>
      tpu.enqueue_dma source(%dma_start3A_90 : memref<8x4096xf32, #tpu.memory_space<hbm>>) target(%arg14 : memref<8x4096xf32, #tpu.memory_space<vmem>>) target_semaphore(%arg19 : memref<!tpu.dma_semaphore, #tpu.memory_space<semaphore_mem>>)
      %add3A_91 = arith.constant 15 : i32
      %add3A_92 = arith.addi %while3A_59, %add3A_91 : i32
      %shift_right_arithmetic3A_93 = arith.constant 4 : i32
      %shift_right_arithmetic3A_94 = arith.shrsi %add3A_92, %shift_right_arithmetic3A_93 : i32
      %get3A = arith.constant 0 : index
      %get3A_95 = tpu.vector_load %arg17[%get3A] {strides = array<i32>} : memref<16xf32, #tpu.memory_space<vmem>>, vector<16xf32>,
      %while3A_96 = arith.constant 0 : i32
      %while3A_97 = arith.subi %shift_right_arithmetic3A_94, %while3A_96 : i32
      %while3A_98 = arith.addi %while3A_96, %while3A_97 : i32
      %while3A_99 = arith.constant 1 : i32
      %while3A_100 = arith.divsi %while3A_97, %while3A_99 : i32
      %while3A_101 = arith.muli %while3A_100, %while3A_99 : i32
      %while3A_102 = arith.addi %while3A_96, %while3A_101 : i32
      %while3A_103 = arith.constant 1 : i32
      %while3A_104:2 = scf.for %while3A_184 = %while3A_96 to %while3A_102 step %while3A_103 iter_args(%while3A_185 = %get3A_95, %while3A_186 = %broadcast_in_dim3A_5) -> (vector<16xf32>, vector<16xi32>)  : i32 {
        %mul3A_187 = arith.constant 16 : i32
        %mul3A_188 = arith.muli %while3A_184, %mul3A_187 : i32
        %get3A_189 = arith.index_cast %mul3A_188 : i32 to index
        %get3A_190 = tpu.vector_load %arg12[%get3A_189] {strides = array<i32>} : memref<16384xi32, #tpu.memory_space<vmem>>, vector<16xi32>,
        %mul3A_191 = arith.constant 16 : i32
        %mul3A_192 = arith.muli %while3A_184, %mul3A_191 : i32
        %add3A_193 = vector.broadcast %mul3A_192 : i32 to vector<16xi32>
        %add3A_194 = arith.addi %add3A_193, %iota3A : vector<16xi32>
        %lt3A_195 = vector.broadcast %while3A_59 : i32 to vector<16xi32>
        %lt3A_196 = arith.cmpi slt, %add3A_194, %lt3A_195 : vector<16xi32>
        %and3A = arith.constant 16383 : i32
        %and3A_197 = vector.broadcast %and3A : i32 to vector<16xi32>
        %and3A_198 = arith.andi %get3A_190, %and3A_197 : vector<16xi32>
        %shift_right_arithmetic3A_199 = arith.constant 14 : i32
        %shift_right_arithmetic3A_200 = vector.broadcast %shift_right_arithmetic3A_199 : i32 to vector<16xi32>
        %shift_right_arithmetic3A_201 = arith.shrsi %get3A_190, %shift_right_arithmetic3A_200 : vector<16xi32>
        %and3A_202 = arith.constant 7 : i32
        %and3A_203 = vector.broadcast %and3A_202 : i32 to vector<16xi32>
        %and3A_204 = arith.andi %shift_right_arithmetic3A_201, %and3A_203 : vector<16xi32>
        %gather3A = tpu.vector_load_idx %arg10[%and3A_198] : memref<16384xi32, #tpu.memory_space<vmem>>[vector<16xi32>], vector<16xi32>,
        %gather3A_205 = tpu.vector_load_idx %arg13[%and3A_204, %gather3A] : memref<8x4096xf32, #tpu.memory_space<vmem>>[vector<16xi32>, vector<16xi32>], vector<16xf32>,
        %jit3A = arith.constant 0.000000e+00 : f32
        %broadcast_in_dim3A_206 = vector.broadcast %jit3A : f32 to vector<16xf32>
        %select_n3A = arith.select %lt3A_196, %gather3A_205, %broadcast_in_dim3A_206 : vector<16xi1>, vector<16xf32>
        %add3A_207 = arith.addf %while3A_185, %select_n3A : vector<16xf32>
        %eq3A = arith.constant 0 : i32
        %eq3A_208 = vector.broadcast %eq3A : i32 to vector<16xi32>
        %eq3A_209 = arith.cmpi eq, %iota3A, %eq3A_208 : vector<16xi32>
        %eq3A_210 = arith.constant 0 : i32
        %eq3A_211 = vector.broadcast %eq3A_210 : i32 to vector<16xi32>
        %eq3A_212 = arith.cmpi eq, %and3A_204, %eq3A_211 : vector<16xi32>
        %and3A_213 = arith.andi %lt3A_196, %eq3A_212 : vector<16xi1>
        %jit3A_214 = arith.constant 1 : i32
        %jit3A_215 = arith.constant 0 : i32
        %broadcast_in_dim3A_216 = vector.broadcast %jit3A_214 : i32 to vector<16xi32>
        %broadcast_in_dim3A_217 = vector.broadcast %jit3A_215 : i32 to vector<16xi32>
        %select_n3A_218 = arith.select %and3A_213, %broadcast_in_dim3A_216, %broadcast_in_dim3A_217 : vector<16xi1>, vector<16xi32>
        %reduce_sum3A = arith.constant true
        %reduce_sum3A_219 = vector.broadcast %reduce_sum3A : i1 to vector<16xi1>
        %reduce_sum3A_220 = tpu.scan <sum>, %select_n3A_218 masked %reduce_sum3A_219 : vector<16xi32>, vector<16xi1> -> vector<16xi32>
        %reduce_sum3A_221 = vector.extract %reduce_sum3A_220[15] : i32 from vector<16xi32>
        %mul3A_222 = arith.constant 0 : i32
        %mul3A_223 = vector.broadcast %mul3A_222 : i32 to vector<16xi32>
        %mul3A_224 = arith.muli %while3A_186, %mul3A_223 : vector<16xi32>
        %broadcast_in_dim3A_225 = vector.broadcast %reduce_sum3A_221 : i32 to vector<16xi32>
        %select_n3A_226 = arith.select %eq3A_209, %broadcast_in_dim3A_225, %mul3A_224 : vector<16xi1>, vector<16xi32>
        %add3A_227 = arith.addi %while3A_186, %select_n3A_226 : vector<16xi32>
        %eq3A_228 = arith.constant 1 : i32
        %eq3A_229 = vector.broadcast %eq3A_228 : i32 to vector<16xi32>
        %eq3A_230 = arith.cmpi eq, %iota3A, %eq3A_229 : vector<16xi32>
        %eq3A_231 = arith.constant 1 : i32
        %eq3A_232 = vector.broadcast %eq3A_231 : i32 to vector<16xi32>
        %eq3A_233 = arith.cmpi eq, %and3A_204, %eq3A_232 : vector<16xi32>
        %and3A_234 = arith.andi %lt3A_196, %eq3A_233 : vector<16xi1>
        %jit3A_235 = arith.constant 1 : i32
        %jit3A_236 = arith.constant 0 : i32
        %broadcast_in_dim3A_237 = vector.broadcast %jit3A_235 : i32 to vector<16xi32>
        %broadcast_in_dim3A_238 = vector.broadcast %jit3A_236 : i32 to vector<16xi32>
        %select_n3A_239 = arith.select %and3A_234, %broadcast_in_dim3A_237, %broadcast_in_dim3A_238 : vector<16xi1>, vector<16xi32>
        %reduce_sum3A_240 = arith.constant true
        %reduce_sum3A_241 = vector.broadcast %reduce_sum3A_240 : i1 to vector<16xi1>
        %reduce_sum3A_242 = tpu.scan <sum>, %select_n3A_239 masked %reduce_sum3A_241 : vector<16xi32>, vector<16xi1> -> vector<16xi32>
        %reduce_sum3A_243 = vector.extract %reduce_sum3A_242[15] : i32 from vector<16xi32>
        %mul3A_244 = arith.constant 0 : i32
        %mul3A_245 = vector.broadcast %mul3A_244 : i32 to vector<16xi32>
        %mul3A_246 = arith.muli %add3A_227, %mul3A_245 : vector<16xi32>
        %broadcast_in_dim3A_247 = vector.broadcast %reduce_sum3A_243 : i32 to vector<16xi32>
        %select_n3A_248 = arith.select %eq3A_230, %broadcast_in_dim3A_247, %mul3A_246 : vector<16xi1>, vector<16xi32>
        %add3A_249 = arith.addi %add3A_227, %select_n3A_248 : vector<16xi32>
        %eq3A_250 = arith.constant 2 : i32
        %eq3A_251 = vector.broadcast %eq3A_250 : i32 to vector<16xi32>
        %eq3A_252 = arith.cmpi eq, %iota3A, %eq3A_251 : vector<16xi32>
        %eq3A_253 = arith.constant 2 : i32
        %eq3A_254 = vector.broadcast %eq3A_253 : i32 to vector<16xi32>
        %eq3A_255 = arith.cmpi eq, %and3A_204, %eq3A_254 : vector<16xi32>
        %and3A_256 = arith.andi %lt3A_196, %eq3A_255 : vector<16xi1>
        %jit3A_257 = arith.constant 1 : i32
        %jit3A_258 = arith.constant 0 : i32
        %broadcast_in_dim3A_259 = vector.broadcast %jit3A_257 : i32 to vector<16xi32>
        %broadcast_in_dim3A_260 = vector.broadcast %jit3A_258 : i32 to vector<16xi32>
        %select_n3A_261 = arith.select %and3A_256, %broadcast_in_dim3A_259, %broadcast_in_dim3A_260 : vector<16xi1>, vector<16xi32>
        %reduce_sum3A_262 = arith.constant true
        %reduce_sum3A_263 = vector.broadcast %reduce_sum3A_262 : i1 to vector<16xi1>
        %reduce_sum3A_264 = tpu.scan <sum>, %select_n3A_261 masked %reduce_sum3A_263 : vector<16xi32>, vector<16xi1> -> vector<16xi32>
        %reduce_sum3A_265 = vector.extract %reduce_sum3A_264[15] : i32 from vector<16xi32>
        %mul3A_266 = arith.constant 0 : i32
        %mul3A_267 = vector.broadcast %mul3A_266 : i32 to vector<16xi32>
        %mul3A_268 = arith.muli %add3A_249, %mul3A_267 : vector<16xi32>
        %broadcast_in_dim3A_269 = vector.broadcast %reduce_sum3A_265 : i32 to vector<16xi32>
        %select_n3A_270 = arith.select %eq3A_252, %broadcast_in_dim3A_269, %mul3A_268 : vector<16xi1>, vector<16xi32>
        %add3A_271 = arith.addi %add3A_249, %select_n3A_270 : vector<16xi32>
        %eq3A_272 = arith.constant 3 : i32
        %eq3A_273 = vector.broadcast %eq3A_272 : i32 to vector<16xi32>
        %eq3A_274 = arith.cmpi eq, %iota3A, %eq3A_273 : vector<16xi32>
        %eq3A_275 = arith.constant 3 : i32
        %eq3A_276 = vector.broadcast %eq3A_275 : i32 to vector<16xi32>
        %eq3A_277 = arith.cmpi eq, %and3A_204, %eq3A_276 : vector<16xi32>
        %and3A_278 = arith.andi %lt3A_196, %eq3A_277 : vector<16xi1>
        %jit3A_279 = arith.constant 1 : i32
        %jit3A_280 = arith.constant 0 : i32
        %broadcast_in_dim3A_281 = vector.broadcast %jit3A_279 : i32 to vector<16xi32>
        %broadcast_in_dim3A_282 = vector.broadcast %jit3A_280 : i32 to vector<16xi32>
        %select_n3A_283 = arith.select %and3A_278, %broadcast_in_dim3A_281, %broadcast_in_dim3A_282 : vector<16xi1>, vector<16xi32>
        %reduce_sum3A_284 = arith.constant true
        %reduce_sum3A_285 = vector.broadcast %reduce_sum3A_284 : i1 to vector<16xi1>
        %reduce_sum3A_286 = tpu.scan <sum>, %select_n3A_283 masked %reduce_sum3A_285 : vector<16xi32>, vector<16xi1> -> vector<16xi32>
        %reduce_sum3A_287 = vector.extract %reduce_sum3A_286[15] : i32 from vector<16xi32>
        %mul3A_288 = arith.constant 0 : i32
        %mul3A_289 = vector.broadcast %mul3A_288 : i32 to vector<16xi32>
        %mul3A_290 = arith.muli %add3A_271, %mul3A_289 : vector<16xi32>
        %broadcast_in_dim3A_291 = vector.broadcast %reduce_sum3A_287 : i32 to vector<16xi32>
        %select_n3A_292 = arith.select %eq3A_274, %broadcast_in_dim3A_291, %mul3A_290 : vector<16xi1>, vector<16xi32>
        %add3A_293 = arith.addi %add3A_271, %select_n3A_292 : vector<16xi32>
        %eq3A_294 = arith.constant 4 : i32
        %eq3A_295 = vector.broadcast %eq3A_294 : i32 to vector<16xi32>
        %eq3A_296 = arith.cmpi eq, %iota3A, %eq3A_295 : vector<16xi32>
        %eq3A_297 = arith.constant 4 : i32
        %eq3A_298 = vector.broadcast %eq3A_297 : i32 to vector<16xi32>
        %eq3A_299 = arith.cmpi eq, %and3A_204, %eq3A_298 : vector<16xi32>
        %and3A_300 = arith.andi %lt3A_196, %eq3A_299 : vector<16xi1>
        %jit3A_301 = arith.constant 1 : i32
        %jit3A_302 = arith.constant 0 : i32
        %broadcast_in_dim3A_303 = vector.broadcast %jit3A_301 : i32 to vector<16xi32>
        %broadcast_in_dim3A_304 = vector.broadcast %jit3A_302 : i32 to vector<16xi32>
        %select_n3A_305 = arith.select %and3A_300, %broadcast_in_dim3A_303, %broadcast_in_dim3A_304 : vector<16xi1>, vector<16xi32>
        %reduce_sum3A_306 = arith.constant true
        %reduce_sum3A_307 = vector.broadcast %reduce_sum3A_306 : i1 to vector<16xi1>
        %reduce_sum3A_308 = tpu.scan <sum>, %select_n3A_305 masked %reduce_sum3A_307 : vector<16xi32>, vector<16xi1> -> vector<16xi32>
        %reduce_sum3A_309 = vector.extract %reduce_sum3A_308[15] : i32 from vector<16xi32>
        %mul3A_310 = arith.constant 0 : i32
        %mul3A_311 = vector.broadcast %mul3A_310 : i32 to vector<16xi32>
        %mul3A_312 = arith.muli %add3A_293, %mul3A_311 : vector<16xi32>
        %broadcast_in_dim3A_313 = vector.broadcast %reduce_sum3A_309 : i32 to vector<16xi32>
        %select_n3A_314 = arith.select %eq3A_296, %broadcast_in_dim3A_313, %mul3A_312 : vector<16xi1>, vector<16xi32>
        %add3A_315 = arith.addi %add3A_293, %select_n3A_314 : vector<16xi32>
        %eq3A_316 = arith.constant 5 : i32
        %eq3A_317 = vector.broadcast %eq3A_316 : i32 to vector<16xi32>
        %eq3A_318 = arith.cmpi eq, %iota3A, %eq3A_317 : vector<16xi32>
        %eq3A_319 = arith.constant 5 : i32
        %eq3A_320 = vector.broadcast %eq3A_319 : i32 to vector<16xi32>
        %eq3A_321 = arith.cmpi eq, %and3A_204, %eq3A_320 : vector<16xi32>
        %and3A_322 = arith.andi %lt3A_196, %eq3A_321 : vector<16xi1>
        %jit3A_323 = arith.constant 1 : i32
        %jit3A_324 = arith.constant 0 : i32
        %broadcast_in_dim3A_325 = vector.broadcast %jit3A_323 : i32 to vector<16xi32>
        %broadcast_in_dim3A_326 = vector.broadcast %jit3A_324 : i32 to vector<16xi32>
        %select_n3A_327 = arith.select %and3A_322, %broadcast_in_dim3A_325, %broadcast_in_dim3A_326 : vector<16xi1>, vector<16xi32>
        %reduce_sum3A_328 = arith.constant true
        %reduce_sum3A_329 = vector.broadcast %reduce_sum3A_328 : i1 to vector<16xi1>
        %reduce_sum3A_330 = tpu.scan <sum>, %select_n3A_327 masked %reduce_sum3A_329 : vector<16xi32>, vector<16xi1> -> vector<16xi32>
        %reduce_sum3A_331 = vector.extract %reduce_sum3A_330[15] : i32 from vector<16xi32>
        %mul3A_332 = arith.constant 0 : i32
        %mul3A_333 = vector.broadcast %mul3A_332 : i32 to vector<16xi32>
        %mul3A_334 = arith.muli %add3A_315, %mul3A_333 : vector<16xi32>
        %broadcast_in_dim3A_335 = vector.broadcast %reduce_sum3A_331 : i32 to vector<16xi32>
        %select_n3A_336 = arith.select %eq3A_318, %broadcast_in_dim3A_335, %mul3A_334 : vector<16xi1>, vector<16xi32>
        %add3A_337 = arith.addi %add3A_315, %select_n3A_336 : vector<16xi32>
        %eq3A_338 = arith.constant 6 : i32
        %eq3A_339 = vector.broadcast %eq3A_338 : i32 to vector<16xi32>
        %eq3A_340 = arith.cmpi eq, %iota3A, %eq3A_339 : vector<16xi32>
        %eq3A_341 = arith.constant 6 : i32
        %eq3A_342 = vector.broadcast %eq3A_341 : i32 to vector<16xi32>
        %eq3A_343 = arith.cmpi eq, %and3A_204, %eq3A_342 : vector<16xi32>
        %and3A_344 = arith.andi %lt3A_196, %eq3A_343 : vector<16xi1>
        %jit3A_345 = arith.constant 1 : i32
        %jit3A_346 = arith.constant 0 : i32
        %broadcast_in_dim3A_347 = vector.broadcast %jit3A_345 : i32 to vector<16xi32>
        %broadcast_in_dim3A_348 = vector.broadcast %jit3A_346 : i32 to vector<16xi32>
        %select_n3A_349 = arith.select %and3A_344, %broadcast_in_dim3A_347, %broadcast_in_dim3A_348 : vector<16xi1>, vector<16xi32>
        %reduce_sum3A_350 = arith.constant true
        %reduce_sum3A_351 = vector.broadcast %reduce_sum3A_350 : i1 to vector<16xi1>
        %reduce_sum3A_352 = tpu.scan <sum>, %select_n3A_349 masked %reduce_sum3A_351 : vector<16xi32>, vector<16xi1> -> vector<16xi32>
        %reduce_sum3A_353 = vector.extract %reduce_sum3A_352[15] : i32 from vector<16xi32>
        %mul3A_354 = arith.constant 0 : i32
        %mul3A_355 = vector.broadcast %mul3A_354 : i32 to vector<16xi32>
        %mul3A_356 = arith.muli %add3A_337, %mul3A_355 : vector<16xi32>
        %broadcast_in_dim3A_357 = vector.broadcast %reduce_sum3A_353 : i32 to vector<16xi32>
        %select_n3A_358 = arith.select %eq3A_340, %broadcast_in_dim3A_357, %mul3A_356 : vector<16xi1>, vector<16xi32>
        %add3A_359 = arith.addi %add3A_337, %select_n3A_358 : vector<16xi32>
        %eq3A_360 = arith.constant 7 : i32
        %eq3A_361 = vector.broadcast %eq3A_360 : i32 to vector<16xi32>
        %eq3A_362 = arith.cmpi eq, %iota3A, %eq3A_361 : vector<16xi32>
        %eq3A_363 = arith.constant 7 : i32
        %eq3A_364 = vector.broadcast %eq3A_363 : i32 to vector<16xi32>
        %eq3A_365 = arith.cmpi eq, %and3A_204, %eq3A_364 : vector<16xi32>
        %and3A_366 = arith.andi %lt3A_196, %eq3A_365 : vector<16xi1>
        %jit3A_367 = arith.constant 1 : i32
        %jit3A_368 = arith.constant 0 : i32
        %broadcast_in_dim3A_369 = vector.broadcast %jit3A_367 : i32 to vector<16xi32>
        %broadcast_in_dim3A_370 = vector.broadcast %jit3A_368 : i32 to vector<16xi32>
        %select_n3A_371 = arith.select %and3A_366, %broadcast_in_dim3A_369, %broadcast_in_dim3A_370 : vector<16xi1>, vector<16xi32>
        %reduce_sum3A_372 = arith.constant true
        %reduce_sum3A_373 = vector.broadcast %reduce_sum3A_372 : i1 to vector<16xi1>
        %reduce_sum3A_374 = tpu.scan <sum>, %select_n3A_371 masked %reduce_sum3A_373 : vector<16xi32>, vector<16xi1> -> vector<16xi32>
        %reduce_sum3A_375 = vector.extract %reduce_sum3A_374[15] : i32 from vector<16xi32>
        %mul3A_376 = arith.constant 0 : i32
        %mul3A_377 = vector.broadcast %mul3A_376 : i32 to vector<16xi32>
        %mul3A_378 = arith.muli %add3A_359, %mul3A_377 : vector<16xi32>
        %broadcast_in_dim3A_379 = vector.broadcast %reduce_sum3A_375 : i32 to vector<16xi32>
        %select_n3A_380 = arith.select %eq3A_362, %broadcast_in_dim3A_379, %mul3A_378 : vector<16xi1>, vector<16xi32>
        %add3A_381 = arith.addi %add3A_359, %select_n3A_380 : vector<16xi32>
        %mul3A_382 = arith.constant 16 : i32
        %mul3A_383 = arith.muli %while3A_184, %mul3A_382 : i32
        %add3A_384 = arith.constant 1 : i32
        %add3A_385 = arith.addi %while3A_184, %add3A_384 : i32
        %mul3A_386 = arith.constant 16 : i32
        %mul3A_387 = arith.muli %add3A_385, %mul3A_386 : i32
        %min3A = arith.minsi %while3A_59, %mul3A_387 : i32
        %while3A_388 = arith.constant 0 : i32
        %while3A_389 = arith.subi %min3A, %mul3A_383 : i32
        %while3A_390 = arith.addi %mul3A_383, %while3A_389 : i32
        %while3A_391 = arith.constant 1 : i32
        %while3A_392 = arith.divsi %while3A_389, %while3A_391 : i32
        %while3A_393 = arith.muli %while3A_392, %while3A_391 : i32
        %while3A_394 = arith.addi %mul3A_383, %while3A_393 : i32
        %while3A_395 = arith.constant 1 : i32
        %while3A_396 = scf.for %while3A_399 = %mul3A_383 to %while3A_394 step %while3A_395 iter_args(%while3A_400 = %while3A_388) -> (i32)  : i32 {
          %mul3A_401 = arith.constant 16 : i32
          %mul3A_402 = arith.muli %while3A_184, %mul3A_401 : i32
          %sub3A = arith.subi %while3A_399, %mul3A_402 : i32
          %eq3A_403 = vector.broadcast %sub3A : i32 to vector<16xi32>
          %eq3A_404 = arith.cmpi eq, %iota3A, %eq3A_403 : vector<16xi32>
          %jit3A_405 = arith.constant 0 : i32
          %broadcast_in_dim3A_406 = vector.broadcast %jit3A_405 : i32 to vector<16xi32>
          %select_n3A_407 = arith.select %eq3A_404, %and3A_198, %broadcast_in_dim3A_406 : vector<16xi1>, vector<16xi32>
          %reduce_sum3A_408 = arith.constant true
          %reduce_sum3A_409 = vector.broadcast %reduce_sum3A_408 : i1 to vector<16xi1>
          %reduce_sum3A_410 = tpu.scan <sum>, %select_n3A_407 masked %reduce_sum3A_409 : vector<16xi32>, vector<16xi1> -> vector<16xi32>
          %reduce_sum3A_411 = vector.extract %reduce_sum3A_410[15] : i32 from vector<16xi32>
          %mul3A_412 = arith.constant 16 : i32
          %mul3A_413 = arith.muli %while3A_184, %mul3A_412 : i32
          %sub3A_414 = arith.subi %while3A_399, %mul3A_413 : i32
          %eq3A_415 = vector.broadcast %sub3A_414 : i32 to vector<16xi32>
          %eq3A_416 = arith.cmpi eq, %iota3A, %eq3A_415 : vector<16xi32>
          %jit3A_417 = arith.constant 0 : i32
          %broadcast_in_dim3A_418 = vector.broadcast %jit3A_417 : i32 to vector<16xi32>
          %select_n3A_419 = arith.select %eq3A_416, %and3A_204, %broadcast_in_dim3A_418 : vector<16xi1>, vector<16xi32>
          %reduce_sum3A_420 = arith.constant true
          %reduce_sum3A_421 = vector.broadcast %reduce_sum3A_420 : i1 to vector<16xi1>
          %reduce_sum3A_422 = tpu.scan <sum>, %select_n3A_419 masked %reduce_sum3A_421 : vector<16xi32>, vector<16xi1> -> vector<16xi32>
          %reduce_sum3A_423 = vector.extract %reduce_sum3A_422[15] : i32 from vector<16xi32>
          %dma_start3A_424 = arith.constant 0 : i32
          %dma_start3A_425 = tpu.memref_slice %arg13[%reduce_sum3A_423, %dma_start3A_424] : memref<8x4096xf32, #tpu.memory_space<vmem>> -> memref<1x4096xf32, #tpu.memory_space<vmem>>
          %dma_start3A_426 = arith.constant 0 : i32
          %dma_start3A_427 = tpu.memref_slice %arg5[%reduce_sum3A_411, %dma_start3A_426] : memref<16384x4096xf32, #tpu.memory_space<hbm>> -> memref<1x4096xf32, #tpu.memory_space<hbm>>
          %dma_start3A_428 = arith.constant 0 : i32
          %dma_start3A_429 = tpu.memref_slice %arg5[%reduce_sum3A_411, %dma_start3A_428] : memref<16384x4096xf32, #tpu.memory_space<hbm>> -> memref<1x4096xf32, #tpu.memory_space<hbm>>
          %dma_start3A_430 = arith.constant 0 : i32
          %dma_start3A_431 = tpu.memref_slice %arg13[%reduce_sum3A_423, %dma_start3A_430] : memref<8x4096xf32, #tpu.memory_space<vmem>> -> memref<1x4096xf32, #tpu.memory_space<vmem>>
          tpu.enqueue_dma source(%dma_start3A_431 : memref<1x4096xf32, #tpu.memory_space<vmem>>) target(%dma_start3A_429 : memref<1x4096xf32, #tpu.memory_space<hbm>>) target_semaphore(%arg20 : memref<!tpu.dma_semaphore, #tpu.memory_space<semaphore_mem>>)
          %while3A_432 = arith.constant 0 : i32
          scf.yield %while3A_432 : i32
        }
        %while3A_397 = arith.constant 1 : i32
        %while3A_398 = scf.for %while3A_399 = %while3A_394 to %while3A_390 step %while3A_397 iter_args(%while3A_400 = %while3A_396) -> (i32)  : i32 {
          %mul3A_401 = arith.constant 16 : i32
          %mul3A_402 = arith.muli %while3A_184, %mul3A_401 : i32
          %sub3A = arith.subi %while3A_399, %mul3A_402 : i32
          %eq3A_403 = vector.broadcast %sub3A : i32 to vector<16xi32>
          %eq3A_404 = arith.cmpi eq, %iota3A, %eq3A_403 : vector<16xi32>
          %jit3A_405 = arith.constant 0 : i32
          %broadcast_in_dim3A_406 = vector.broadcast %jit3A_405 : i32 to vector<16xi32>
          %select_n3A_407 = arith.select %eq3A_404, %and3A_198, %broadcast_in_dim3A_406 : vector<16xi1>, vector<16xi32>
          %reduce_sum3A_408 = arith.constant true
          %reduce_sum3A_409 = vector.broadcast %reduce_sum3A_408 : i1 to vector<16xi1>
          %reduce_sum3A_410 = tpu.scan <sum>, %select_n3A_407 masked %reduce_sum3A_409 : vector<16xi32>, vector<16xi1> -> vector<16xi32>
          %reduce_sum3A_411 = vector.extract %reduce_sum3A_410[15] : i32 from vector<16xi32>
          %mul3A_412 = arith.constant 16 : i32
          %mul3A_413 = arith.muli %while3A_184, %mul3A_412 : i32
          %sub3A_414 = arith.subi %while3A_399, %mul3A_413 : i32
          %eq3A_415 = vector.broadcast %sub3A_414 : i32 to vector<16xi32>
          %eq3A_416 = arith.cmpi eq, %iota3A, %eq3A_415 : vector<16xi32>
          %jit3A_417 = arith.constant 0 : i32
          %broadcast_in_dim3A_418 = vector.broadcast %jit3A_417 : i32 to vector<16xi32>
          %select_n3A_419 = arith.select %eq3A_416, %and3A_204, %broadcast_in_dim3A_418 : vector<16xi1>, vector<16xi32>
          %reduce_sum3A_420 = arith.constant true
          %reduce_sum3A_421 = vector.broadcast %reduce_sum3A_420 : i1 to vector<16xi1>
          %reduce_sum3A_422 = tpu.scan <sum>, %select_n3A_419 masked %reduce_sum3A_421 : vector<16xi32>, vector<16xi1> -> vector<16xi32>
          %reduce_sum3A_423 = vector.extract %reduce_sum3A_422[15] : i32 from vector<16xi32>
          %dma_start3A_424 = arith.constant 0 : i32
          %dma_start3A_425 = tpu.memref_slice %arg13[%reduce_sum3A_423, %dma_start3A_424] : memref<8x4096xf32, #tpu.memory_space<vmem>> -> memref<1x4096xf32, #tpu.memory_space<vmem>>
          %dma_start3A_426 = arith.constant 0 : i32
          %dma_start3A_427 = tpu.memref_slice %arg5[%reduce_sum3A_411, %dma_start3A_426] : memref<16384x4096xf32, #tpu.memory_space<hbm>> -> memref<1x4096xf32, #tpu.memory_space<hbm>>
          %dma_start3A_428 = arith.constant 0 : i32
          %dma_start3A_429 = tpu.memref_slice %arg5[%reduce_sum3A_411, %dma_start3A_428] : memref<16384x4096xf32, #tpu.memory_space<hbm>> -> memref<1x4096xf32, #tpu.memory_space<hbm>>
          %dma_start3A_430 = arith.constant 0 : i32
          %dma_start3A_431 = tpu.memref_slice %arg13[%reduce_sum3A_423, %dma_start3A_430] : memref<8x4096xf32, #tpu.memory_space<vmem>> -> memref<1x4096xf32, #tpu.memory_space<vmem>>
          tpu.enqueue_dma source(%dma_start3A_431 : memref<1x4096xf32, #tpu.memory_space<vmem>>) target(%dma_start3A_429 : memref<1x4096xf32, #tpu.memory_space<hbm>>) target_semaphore(%arg20 : memref<!tpu.dma_semaphore, #tpu.memory_space<semaphore_mem>>)
          %while3A_432 = arith.constant 0 : i32
          scf.yield %while3A_432 : i32
        }
        scf.yield %add3A_207, %add3A_381 : vector<16xf32>, vector<16xi32>
      }
      %while3A_105 = arith.constant 1 : i32
      %while3A_106:2 = scf.for %while3A_184 = %while3A_102 to %while3A_98 step %while3A_105 iter_args(%while3A_185 = %while3A_104#0, %while3A_186 = %while3A_104#1) -> (vector<16xf32>, vector<16xi32>)  : i32 {
        %mul3A_187 = arith.constant 16 : i32
        %mul3A_188 = arith.muli %while3A_184, %mul3A_187 : i32
        %get3A_189 = arith.index_cast %mul3A_188 : i32 to index
        %get3A_190 = tpu.vector_load %arg12[%get3A_189] {strides = array<i32>} : memref<16384xi32, #tpu.memory_space<vmem>>, vector<16xi32>,
        %mul3A_191 = arith.constant 16 : i32
        %mul3A_192 = arith.muli %while3A_184, %mul3A_191 : i32
        %add3A_193 = vector.broadcast %mul3A_192 : i32 to vector<16xi32>
        %add3A_194 = arith.addi %add3A_193, %iota3A : vector<16xi32>
        %lt3A_195 = vector.broadcast %while3A_59 : i32 to vector<16xi32>
        %lt3A_196 = arith.cmpi slt, %add3A_194, %lt3A_195 : vector<16xi32>
        %and3A = arith.constant 16383 : i32
        %and3A_197 = vector.broadcast %and3A : i32 to vector<16xi32>
        %and3A_198 = arith.andi %get3A_190, %and3A_197 : vector<16xi32>
        %shift_right_arithmetic3A_199 = arith.constant 14 : i32
        %shift_right_arithmetic3A_200 = vector.broadcast %shift_right_arithmetic3A_199 : i32 to vector<16xi32>
        %shift_right_arithmetic3A_201 = arith.shrsi %get3A_190, %shift_right_arithmetic3A_200 : vector<16xi32>
        %and3A_202 = arith.constant 7 : i32
        %and3A_203 = vector.broadcast %and3A_202 : i32 to vector<16xi32>
        %and3A_204 = arith.andi %shift_right_arithmetic3A_201, %and3A_203 : vector<16xi32>
        %gather3A = tpu.vector_load_idx %arg10[%and3A_198] : memref<16384xi32, #tpu.memory_space<vmem>>[vector<16xi32>], vector<16xi32>,
        %gather3A_205 = tpu.vector_load_idx %arg13[%and3A_204, %gather3A] : memref<8x4096xf32, #tpu.memory_space<vmem>>[vector<16xi32>, vector<16xi32>], vector<16xf32>,
        %jit3A = arith.constant 0.000000e+00 : f32
        %broadcast_in_dim3A_206 = vector.broadcast %jit3A : f32 to vector<16xf32>
        %select_n3A = arith.select %lt3A_196, %gather3A_205, %broadcast_in_dim3A_206 : vector<16xi1>, vector<16xf32>
        %add3A_207 = arith.addf %while3A_185, %select_n3A : vector<16xf32>
        %eq3A = arith.constant 0 : i32
        %eq3A_208 = vector.broadcast %eq3A : i32 to vector<16xi32>
        %eq3A_209 = arith.cmpi eq, %iota3A, %eq3A_208 : vector<16xi32>
        %eq3A_210 = arith.constant 0 : i32
        %eq3A_211 = vector.broadcast %eq3A_210 : i32 to vector<16xi32>
        %eq3A_212 = arith.cmpi eq, %and3A_204, %eq3A_211 : vector<16xi32>
        %and3A_213 = arith.andi %lt3A_196, %eq3A_212 : vector<16xi1>
        %jit3A_214 = arith.constant 1 : i32
        %jit3A_215 = arith.constant 0 : i32
        %broadcast_in_dim3A_216 = vector.broadcast %jit3A_214 : i32 to vector<16xi32>
        %broadcast_in_dim3A_217 = vector.broadcast %jit3A_215 : i32 to vector<16xi32>
        %select_n3A_218 = arith.select %and3A_213, %broadcast_in_dim3A_216, %broadcast_in_dim3A_217 : vector<16xi1>, vector<16xi32>
        %reduce_sum3A = arith.constant true
        %reduce_sum3A_219 = vector.broadcast %reduce_sum3A : i1 to vector<16xi1>
        %reduce_sum3A_220 = tpu.scan <sum>, %select_n3A_218 masked %reduce_sum3A_219 : vector<16xi32>, vector<16xi1> -> vector<16xi32>
        %reduce_sum3A_221 = vector.extract %reduce_sum3A_220[15] : i32 from vector<16xi32>
        %mul3A_222 = arith.constant 0 : i32
        %mul3A_223 = vector.broadcast %mul3A_222 : i32 to vector<16xi32>
        %mul3A_224 = arith.muli %while3A_186, %mul3A_223 : vector<16xi32>
        %broadcast_in_dim3A_225 = vector.broadcast %reduce_sum3A_221 : i32 to vector<16xi32>
        %select_n3A_226 = arith.select %eq3A_209, %broadcast_in_dim3A_225, %mul3A_224 : vector<16xi1>, vector<16xi32>
        %add3A_227 = arith.addi %while3A_186, %select_n3A_226 : vector<16xi32>
        %eq3A_228 = arith.constant 1 : i32
        %eq3A_229 = vector.broadcast %eq3A_228 : i32 to vector<16xi32>
        %eq3A_230 = arith.cmpi eq, %iota3A, %eq3A_229 : vector<16xi32>
        %eq3A_231 = arith.constant 1 : i32
        %eq3A_232 = vector.broadcast %eq3A_231 : i32 to vector<16xi32>
        %eq3A_233 = arith.cmpi eq, %and3A_204, %eq3A_232 : vector<16xi32>
        %and3A_234 = arith.andi %lt3A_196, %eq3A_233 : vector<16xi1>
        %jit3A_235 = arith.constant 1 : i32
        %jit3A_236 = arith.constant 0 : i32
        %broadcast_in_dim3A_237 = vector.broadcast %jit3A_235 : i32 to vector<16xi32>
        %broadcast_in_dim3A_238 = vector.broadcast %jit3A_236 : i32 to vector<16xi32>
        %select_n3A_239 = arith.select %and3A_234, %broadcast_in_dim3A_237, %broadcast_in_dim3A_238 : vector<16xi1>, vector<16xi32>
        %reduce_sum3A_240 = arith.constant true
        %reduce_sum3A_241 = vector.broadcast %reduce_sum3A_240 : i1 to vector<16xi1>
        %reduce_sum3A_242 = tpu.scan <sum>, %select_n3A_239 masked %reduce_sum3A_241 : vector<16xi32>, vector<16xi1> -> vector<16xi32>
        %reduce_sum3A_243 = vector.extract %reduce_sum3A_242[15] : i32 from vector<16xi32>
        %mul3A_244 = arith.constant 0 : i32
        %mul3A_245 = vector.broadcast %mul3A_244 : i32 to vector<16xi32>
        %mul3A_246 = arith.muli %add3A_227, %mul3A_245 : vector<16xi32>
        %broadcast_in_dim3A_247 = vector.broadcast %reduce_sum3A_243 : i32 to vector<16xi32>
        %select_n3A_248 = arith.select %eq3A_230, %broadcast_in_dim3A_247, %mul3A_246 : vector<16xi1>, vector<16xi32>
        %add3A_249 = arith.addi %add3A_227, %select_n3A_248 : vector<16xi32>
        %eq3A_250 = arith.constant 2 : i32
        %eq3A_251 = vector.broadcast %eq3A_250 : i32 to vector<16xi32>
        %eq3A_252 = arith.cmpi eq, %iota3A, %eq3A_251 : vector<16xi32>
        %eq3A_253 = arith.constant 2 : i32
        %eq3A_254 = vector.broadcast %eq3A_253 : i32 to vector<16xi32>
        %eq3A_255 = arith.cmpi eq, %and3A_204, %eq3A_254 : vector<16xi32>
        %and3A_256 = arith.andi %lt3A_196, %eq3A_255 : vector<16xi1>
        %jit3A_257 = arith.constant 1 : i32
        %jit3A_258 = arith.constant 0 : i32
        %broadcast_in_dim3A_259 = vector.broadcast %jit3A_257 : i32 to vector<16xi32>
        %broadcast_in_dim3A_260 = vector.broadcast %jit3A_258 : i32 to vector<16xi32>
        %select_n3A_261 = arith.select %and3A_256, %broadcast_in_dim3A_259, %broadcast_in_dim3A_260 : vector<16xi1>, vector<16xi32>
        %reduce_sum3A_262 = arith.constant true
        %reduce_sum3A_263 = vector.broadcast %reduce_sum3A_262 : i1 to vector<16xi1>
        %reduce_sum3A_264 = tpu.scan <sum>, %select_n3A_261 masked %reduce_sum3A_263 : vector<16xi32>, vector<16xi1> -> vector<16xi32>
        %reduce_sum3A_265 = vector.extract %reduce_sum3A_264[15] : i32 from vector<16xi32>
        %mul3A_266 = arith.constant 0 : i32
        %mul3A_267 = vector.broadcast %mul3A_266 : i32 to vector<16xi32>
        %mul3A_268 = arith.muli %add3A_249, %mul3A_267 : vector<16xi32>
        %broadcast_in_dim3A_269 = vector.broadcast %reduce_sum3A_265 : i32 to vector<16xi32>
        %select_n3A_270 = arith.select %eq3A_252, %broadcast_in_dim3A_269, %mul3A_268 : vector<16xi1>, vector<16xi32>
        %add3A_271 = arith.addi %add3A_249, %select_n3A_270 : vector<16xi32>
        %eq3A_272 = arith.constant 3 : i32
        %eq3A_273 = vector.broadcast %eq3A_272 : i32 to vector<16xi32>
        %eq3A_274 = arith.cmpi eq, %iota3A, %eq3A_273 : vector<16xi32>
        %eq3A_275 = arith.constant 3 : i32
        %eq3A_276 = vector.broadcast %eq3A_275 : i32 to vector<16xi32>
        %eq3A_277 = arith.cmpi eq, %and3A_204, %eq3A_276 : vector<16xi32>
        %and3A_278 = arith.andi %lt3A_196, %eq3A_277 : vector<16xi1>
        %jit3A_279 = arith.constant 1 : i32
        %jit3A_280 = arith.constant 0 : i32
        %broadcast_in_dim3A_281 = vector.broadcast %jit3A_279 : i32 to vector<16xi32>
        %broadcast_in_dim3A_282 = vector.broadcast %jit3A_280 : i32 to vector<16xi32>
        %select_n3A_283 = arith.select %and3A_278, %broadcast_in_dim3A_281, %broadcast_in_dim3A_282 : vector<16xi1>, vector<16xi32>
        %reduce_sum3A_284 = arith.constant true
        %reduce_sum3A_285 = vector.broadcast %reduce_sum3A_284 : i1 to vector<16xi1>
        %reduce_sum3A_286 = tpu.scan <sum>, %select_n3A_283 masked %reduce_sum3A_285 : vector<16xi32>, vector<16xi1> -> vector<16xi32>
        %reduce_sum3A_287 = vector.extract %reduce_sum3A_286[15] : i32 from vector<16xi32>
        %mul3A_288 = arith.constant 0 : i32
        %mul3A_289 = vector.broadcast %mul3A_288 : i32 to vector<16xi32>
        %mul3A_290 = arith.muli %add3A_271, %mul3A_289 : vector<16xi32>
        %broadcast_in_dim3A_291 = vector.broadcast %reduce_sum3A_287 : i32 to vector<16xi32>
        %select_n3A_292 = arith.select %eq3A_274, %broadcast_in_dim3A_291, %mul3A_290 : vector<16xi1>, vector<16xi32>
        %add3A_293 = arith.addi %add3A_271, %select_n3A_292 : vector<16xi32>
        %eq3A_294 = arith.constant 4 : i32
        %eq3A_295 = vector.broadcast %eq3A_294 : i32 to vector<16xi32>
        %eq3A_296 = arith.cmpi eq, %iota3A, %eq3A_295 : vector<16xi32>
        %eq3A_297 = arith.constant 4 : i32
        %eq3A_298 = vector.broadcast %eq3A_297 : i32 to vector<16xi32>
        %eq3A_299 = arith.cmpi eq, %and3A_204, %eq3A_298 : vector<16xi32>
        %and3A_300 = arith.andi %lt3A_196, %eq3A_299 : vector<16xi1>
        %jit3A_301 = arith.constant 1 : i32
        %jit3A_302 = arith.constant 0 : i32
        %broadcast_in_dim3A_303 = vector.broadcast %jit3A_301 : i32 to vector<16xi32>
        %broadcast_in_dim3A_304 = vector.broadcast %jit3A_302 : i32 to vector<16xi32>
        %select_n3A_305 = arith.select %and3A_300, %broadcast_in_dim3A_303, %broadcast_in_dim3A_304 : vector<16xi1>, vector<16xi32>
        %reduce_sum3A_306 = arith.constant true
        %reduce_sum3A_307 = vector.broadcast %reduce_sum3A_306 : i1 to vector<16xi1>
        %reduce_sum3A_308 = tpu.scan <sum>, %select_n3A_305 masked %reduce_sum3A_307 : vector<16xi32>, vector<16xi1> -> vector<16xi32>
        %reduce_sum3A_309 = vector.extract %reduce_sum3A_308[15] : i32 from vector<16xi32>
        %mul3A_310 = arith.constant 0 : i32
        %mul3A_311 = vector.broadcast %mul3A_310 : i32 to vector<16xi32>
        %mul3A_312 = arith.muli %add3A_293, %mul3A_311 : vector<16xi32>
        %broadcast_in_dim3A_313 = vector.broadcast %reduce_sum3A_309 : i32 to vector<16xi32>
        %select_n3A_314 = arith.select %eq3A_296, %broadcast_in_dim3A_313, %mul3A_312 : vector<16xi1>, vector<16xi32>
        %add3A_315 = arith.addi %add3A_293, %select_n3A_314 : vector<16xi32>
        %eq3A_316 = arith.constant 5 : i32
        %eq3A_317 = vector.broadcast %eq3A_316 : i32 to vector<16xi32>
        %eq3A_318 = arith.cmpi eq, %iota3A, %eq3A_317 : vector<16xi32>
        %eq3A_319 = arith.constant 5 : i32
        %eq3A_320 = vector.broadcast %eq3A_319 : i32 to vector<16xi32>
        %eq3A_321 = arith.cmpi eq, %and3A_204, %eq3A_320 : vector<16xi32>
        %and3A_322 = arith.andi %lt3A_196, %eq3A_321 : vector<16xi1>
        %jit3A_323 = arith.constant 1 : i32
        %jit3A_324 = arith.constant 0 : i32
        %broadcast_in_dim3A_325 = vector.broadcast %jit3A_323 : i32 to vector<16xi32>
        %broadcast_in_dim3A_326 = vector.broadcast %jit3A_324 : i32 to vector<16xi32>
        %select_n3A_327 = arith.select %and3A_322, %broadcast_in_dim3A_325, %broadcast_in_dim3A_326 : vector<16xi1>, vector<16xi32>
        %reduce_sum3A_328 = arith.constant true
        %reduce_sum3A_329 = vector.broadcast %reduce_sum3A_328 : i1 to vector<16xi1>
        %reduce_sum3A_330 = tpu.scan <sum>, %select_n3A_327 masked %reduce_sum3A_329 : vector<16xi32>, vector<16xi1> -> vector<16xi32>
        %reduce_sum3A_331 = vector.extract %reduce_sum3A_330[15] : i32 from vector<16xi32>
        %mul3A_332 = arith.constant 0 : i32
        %mul3A_333 = vector.broadcast %mul3A_332 : i32 to vector<16xi32>
        %mul3A_334 = arith.muli %add3A_315, %mul3A_333 : vector<16xi32>
        %broadcast_in_dim3A_335 = vector.broadcast %reduce_sum3A_331 : i32 to vector<16xi32>
        %select_n3A_336 = arith.select %eq3A_318, %broadcast_in_dim3A_335, %mul3A_334 : vector<16xi1>, vector<16xi32>
        %add3A_337 = arith.addi %add3A_315, %select_n3A_336 : vector<16xi32>
        %eq3A_338 = arith.constant 6 : i32
        %eq3A_339 = vector.broadcast %eq3A_338 : i32 to vector<16xi32>
        %eq3A_340 = arith.cmpi eq, %iota3A, %eq3A_339 : vector<16xi32>
        %eq3A_341 = arith.constant 6 : i32
        %eq3A_342 = vector.broadcast %eq3A_341 : i32 to vector<16xi32>
        %eq3A_343 = arith.cmpi eq, %and3A_204, %eq3A_342 : vector<16xi32>
        %and3A_344 = arith.andi %lt3A_196, %eq3A_343 : vector<16xi1>
        %jit3A_345 = arith.constant 1 : i32
        %jit3A_346 = arith.constant 0 : i32
        %broadcast_in_dim3A_347 = vector.broadcast %jit3A_345 : i32 to vector<16xi32>
        %broadcast_in_dim3A_348 = vector.broadcast %jit3A_346 : i32 to vector<16xi32>
        %select_n3A_349 = arith.select %and3A_344, %broadcast_in_dim3A_347, %broadcast_in_dim3A_348 : vector<16xi1>, vector<16xi32>
        %reduce_sum3A_350 = arith.constant true
        %reduce_sum3A_351 = vector.broadcast %reduce_sum3A_350 : i1 to vector<16xi1>
        %reduce_sum3A_352 = tpu.scan <sum>, %select_n3A_349 masked %reduce_sum3A_351 : vector<16xi32>, vector<16xi1> -> vector<16xi32>
        %reduce_sum3A_353 = vector.extract %reduce_sum3A_352[15] : i32 from vector<16xi32>
        %mul3A_354 = arith.constant 0 : i32
        %mul3A_355 = vector.broadcast %mul3A_354 : i32 to vector<16xi32>
        %mul3A_356 = arith.muli %add3A_337, %mul3A_355 : vector<16xi32>
        %broadcast_in_dim3A_357 = vector.broadcast %reduce_sum3A_353 : i32 to vector<16xi32>
        %select_n3A_358 = arith.select %eq3A_340, %broadcast_in_dim3A_357, %mul3A_356 : vector<16xi1>, vector<16xi32>
        %add3A_359 = arith.addi %add3A_337, %select_n3A_358 : vector<16xi32>
        %eq3A_360 = arith.constant 7 : i32
        %eq3A_361 = vector.broadcast %eq3A_360 : i32 to vector<16xi32>
        %eq3A_362 = arith.cmpi eq, %iota3A, %eq3A_361 : vector<16xi32>
        %eq3A_363 = arith.constant 7 : i32
        %eq3A_364 = vector.broadcast %eq3A_363 : i32 to vector<16xi32>
        %eq3A_365 = arith.cmpi eq, %and3A_204, %eq3A_364 : vector<16xi32>
        %and3A_366 = arith.andi %lt3A_196, %eq3A_365 : vector<16xi1>
        %jit3A_367 = arith.constant 1 : i32
        %jit3A_368 = arith.constant 0 : i32
        %broadcast_in_dim3A_369 = vector.broadcast %jit3A_367 : i32 to vector<16xi32>
        %broadcast_in_dim3A_370 = vector.broadcast %jit3A_368 : i32 to vector<16xi32>
        %select_n3A_371 = arith.select %and3A_366, %broadcast_in_dim3A_369, %broadcast_in_dim3A_370 : vector<16xi1>, vector<16xi32>
        %reduce_sum3A_372 = arith.constant true
        %reduce_sum3A_373 = vector.broadcast %reduce_sum3A_372 : i1 to vector<16xi1>
        %reduce_sum3A_374 = tpu.scan <sum>, %select_n3A_371 masked %reduce_sum3A_373 : vector<16xi32>, vector<16xi1> -> vector<16xi32>
        %reduce_sum3A_375 = vector.extract %reduce_sum3A_374[15] : i32 from vector<16xi32>
        %mul3A_376 = arith.constant 0 : i32
        %mul3A_377 = vector.broadcast %mul3A_376 : i32 to vector<16xi32>
        %mul3A_378 = arith.muli %add3A_359, %mul3A_377 : vector<16xi32>
        %broadcast_in_dim3A_379 = vector.broadcast %reduce_sum3A_375 : i32 to vector<16xi32>
        %select_n3A_380 = arith.select %eq3A_362, %broadcast_in_dim3A_379, %mul3A_378 : vector<16xi1>, vector<16xi32>
        %add3A_381 = arith.addi %add3A_359, %select_n3A_380 : vector<16xi32>
        %mul3A_382 = arith.constant 16 : i32
        %mul3A_383 = arith.muli %while3A_184, %mul3A_382 : i32
        %add3A_384 = arith.constant 1 : i32
        %add3A_385 = arith.addi %while3A_184, %add3A_384 : i32
        %mul3A_386 = arith.constant 16 : i32
        %mul3A_387 = arith.muli %add3A_385, %mul3A_386 : i32
        %min3A = arith.minsi %while3A_59, %mul3A_387 : i32
        %while3A_388 = arith.constant 0 : i32
        %while3A_389 = arith.subi %min3A, %mul3A_383 : i32
        %while3A_390 = arith.addi %mul3A_383, %while3A_389 : i32
        %while3A_391 = arith.constant 1 : i32
        %while3A_392 = arith.divsi %while3A_389, %while3A_391 : i32
        %while3A_393 = arith.muli %while3A_392, %while3A_391 : i32
        %while3A_394 = arith.addi %mul3A_383, %while3A_393 : i32
        %while3A_395 = arith.constant 1 : i32
        %while3A_396 = scf.for %while3A_399 = %mul3A_383 to %while3A_394 step %while3A_395 iter_args(%while3A_400 = %while3A_388) -> (i32)  : i32 {
          %mul3A_401 = arith.constant 16 : i32
          %mul3A_402 = arith.muli %while3A_184, %mul3A_401 : i32
          %sub3A = arith.subi %while3A_399, %mul3A_402 : i32
          %eq3A_403 = vector.broadcast %sub3A : i32 to vector<16xi32>
          %eq3A_404 = arith.cmpi eq, %iota3A, %eq3A_403 : vector<16xi32>
          %jit3A_405 = arith.constant 0 : i32
          %broadcast_in_dim3A_406 = vector.broadcast %jit3A_405 : i32 to vector<16xi32>
          %select_n3A_407 = arith.select %eq3A_404, %and3A_198, %broadcast_in_dim3A_406 : vector<16xi1>, vector<16xi32>
          %reduce_sum3A_408 = arith.constant true
          %reduce_sum3A_409 = vector.broadcast %reduce_sum3A_408 : i1 to vector<16xi1>
          %reduce_sum3A_410 = tpu.scan <sum>, %select_n3A_407 masked %reduce_sum3A_409 : vector<16xi32>, vector<16xi1> -> vector<16xi32>
          %reduce_sum3A_411 = vector.extract %reduce_sum3A_410[15] : i32 from vector<16xi32>
          %mul3A_412 = arith.constant 16 : i32
          %mul3A_413 = arith.muli %while3A_184, %mul3A_412 : i32
          %sub3A_414 = arith.subi %while3A_399, %mul3A_413 : i32
          %eq3A_415 = vector.broadcast %sub3A_414 : i32 to vector<16xi32>
          %eq3A_416 = arith.cmpi eq, %iota3A, %eq3A_415 : vector<16xi32>
          %jit3A_417 = arith.constant 0 : i32
          %broadcast_in_dim3A_418 = vector.broadcast %jit3A_417 : i32 to vector<16xi32>
          %select_n3A_419 = arith.select %eq3A_416, %and3A_204, %broadcast_in_dim3A_418 : vector<16xi1>, vector<16xi32>
          %reduce_sum3A_420 = arith.constant true
          %reduce_sum3A_421 = vector.broadcast %reduce_sum3A_420 : i1 to vector<16xi1>
          %reduce_sum3A_422 = tpu.scan <sum>, %select_n3A_419 masked %reduce_sum3A_421 : vector<16xi32>, vector<16xi1> -> vector<16xi32>
          %reduce_sum3A_423 = vector.extract %reduce_sum3A_422[15] : i32 from vector<16xi32>
          %dma_start3A_424 = arith.constant 0 : i32
          %dma_start3A_425 = tpu.memref_slice %arg13[%reduce_sum3A_423, %dma_start3A_424] : memref<8x4096xf32, #tpu.memory_space<vmem>> -> memref<1x4096xf32, #tpu.memory_space<vmem>>
          %dma_start3A_426 = arith.constant 0 : i32
          %dma_start3A_427 = tpu.memref_slice %arg5[%reduce_sum3A_411, %dma_start3A_426] : memref<16384x4096xf32, #tpu.memory_space<hbm>> -> memref<1x4096xf32, #tpu.memory_space<hbm>>
          %dma_start3A_428 = arith.constant 0 : i32
          %dma_start3A_429 = tpu.memref_slice %arg5[%reduce_sum3A_411, %dma_start3A_428] : memref<16384x4096xf32, #tpu.memory_space<hbm>> -> memref<1x4096xf32, #tpu.memory_space<hbm>>
          %dma_start3A_430 = arith.constant 0 : i32
          %dma_start3A_431 = tpu.memref_slice %arg13[%reduce_sum3A_423, %dma_start3A_430] : memref<8x4096xf32, #tpu.memory_space<vmem>> -> memref<1x4096xf32, #tpu.memory_space<vmem>>
          tpu.enqueue_dma source(%dma_start3A_431 : memref<1x4096xf32, #tpu.memory_space<vmem>>) target(%dma_start3A_429 : memref<1x4096xf32, #tpu.memory_space<hbm>>) target_semaphore(%arg20 : memref<!tpu.dma_semaphore, #tpu.memory_space<semaphore_mem>>)
          %while3A_432 = arith.constant 0 : i32
          scf.yield %while3A_432 : i32
        }
        %while3A_397 = arith.constant 1 : i32
        %while3A_398 = scf.for %while3A_399 = %while3A_394 to %while3A_390 step %while3A_397 iter_args(%while3A_400 = %while3A_396) -> (i32)  : i32 {
          %mul3A_401 = arith.constant 16 : i32
          %mul3A_402 = arith.muli %while3A_184, %mul3A_401 : i32
          %sub3A = arith.subi %while3A_399, %mul3A_402 : i32
          %eq3A_403 = vector.broadcast %sub3A : i32 to vector<16xi32>
          %eq3A_404 = arith.cmpi eq, %iota3A, %eq3A_403 : vector<16xi32>
          %jit3A_405 = arith.constant 0 : i32
          %broadcast_in_dim3A_406 = vector.broadcast %jit3A_405 : i32 to vector<16xi32>
          %select_n3A_407 = arith.select %eq3A_404, %and3A_198, %broadcast_in_dim3A_406 : vector<16xi1>, vector<16xi32>
          %reduce_sum3A_408 = arith.constant true
          %reduce_sum3A_409 = vector.broadcast %reduce_sum3A_408 : i1 to vector<16xi1>
          %reduce_sum3A_410 = tpu.scan <sum>, %select_n3A_407 masked %reduce_sum3A_409 : vector<16xi32>, vector<16xi1> -> vector<16xi32>
          %reduce_sum3A_411 = vector.extract %reduce_sum3A_410[15] : i32 from vector<16xi32>
          %mul3A_412 = arith.constant 16 : i32
          %mul3A_413 = arith.muli %while3A_184, %mul3A_412 : i32
          %sub3A_414 = arith.subi %while3A_399, %mul3A_413 : i32
          %eq3A_415 = vector.broadcast %sub3A_414 : i32 to vector<16xi32>
          %eq3A_416 = arith.cmpi eq, %iota3A, %eq3A_415 : vector<16xi32>
          %jit3A_417 = arith.constant 0 : i32
          %broadcast_in_dim3A_418 = vector.broadcast %jit3A_417 : i32 to vector<16xi32>
          %select_n3A_419 = arith.select %eq3A_416, %and3A_204, %broadcast_in_dim3A_418 : vector<16xi1>, vector<16xi32>
          %reduce_sum3A_420 = arith.constant true
          %reduce_sum3A_421 = vector.broadcast %reduce_sum3A_420 : i1 to vector<16xi1>
          %reduce_sum3A_422 = tpu.scan <sum>, %select_n3A_419 masked %reduce_sum3A_421 : vector<16xi32>, vector<16xi1> -> vector<16xi32>
          %reduce_sum3A_423 = vector.extract %reduce_sum3A_422[15] : i32 from vector<16xi32>
          %dma_start3A_424 = arith.constant 0 : i32
          %dma_start3A_425 = tpu.memref_slice %arg13[%reduce_sum3A_423, %dma_start3A_424] : memref<8x4096xf32, #tpu.memory_space<vmem>> -> memref<1x4096xf32, #tpu.memory_space<vmem>>
          %dma_start3A_426 = arith.constant 0 : i32
          %dma_start3A_427 = tpu.memref_slice %arg5[%reduce_sum3A_411, %dma_start3A_426] : memref<16384x4096xf32, #tpu.memory_space<hbm>> -> memref<1x4096xf32, #tpu.memory_space<hbm>>
          %dma_start3A_428 = arith.constant 0 : i32
          %dma_start3A_429 = tpu.memref_slice %arg5[%reduce_sum3A_411, %dma_start3A_428] : memref<16384x4096xf32, #tpu.memory_space<hbm>> -> memref<1x4096xf32, #tpu.memory_space<hbm>>
          %dma_start3A_430 = arith.constant 0 : i32
          %dma_start3A_431 = tpu.memref_slice %arg13[%reduce_sum3A_423, %dma_start3A_430] : memref<8x4096xf32, #tpu.memory_space<vmem>> -> memref<1x4096xf32, #tpu.memory_space<vmem>>
          tpu.enqueue_dma source(%dma_start3A_431 : memref<1x4096xf32, #tpu.memory_space<vmem>>) target(%dma_start3A_429 : memref<1x4096xf32, #tpu.memory_space<hbm>>) target_semaphore(%arg20 : memref<!tpu.dma_semaphore, #tpu.memory_space<semaphore_mem>>)
          %while3A_432 = arith.constant 0 : i32
          scf.yield %while3A_432 : i32
        }
        scf.yield %add3A_207, %add3A_381 : vector<16xf32>, vector<16xi32>
      }
      %swap3A_107 = arith.constant 0 : index
      %swap3A_108 = tpu.vector_load %arg17[%swap3A_107] {strides = array<i32>} : memref<16xf32, #tpu.memory_space<vmem>>, vector<16xf32>,
      tpu.vector_store %arg17[%swap3A_107], %while3A_106#0 {strides = array<i32>} : memref<16xf32, #tpu.memory_space<vmem>>, vector<16xf32>,
      %mul3A_109 = arith.constant 8 : i32
      %mul3A_110 = arith.muli %mul3A_42, %mul3A_109 : i32
      %swap3A_111 = arith.index_cast %mul3A_110 : i32 to index
      %swap3A_112 = tpu.vector_load %arg16[%swap3A_111] {strides = array<i32>} : memref<144xi32, #tpu.memory_space<vmem>>, vector<16xi32>,
      tpu.vector_store %arg16[%swap3A_111], %while3A_106#1 {strides = array<i32>} : memref<144xi32, #tpu.memory_space<vmem>>, vector<16xi32>,
      %dma_wait3A_113 = arith.constant 0 : i32
      %dma_wait3A_114 = arith.constant 0 : i32
      %dma_wait3A_115 = tpu.memref_slice %arg4[%dma_wait3A_113, %dma_wait3A_114] : memref<4096x4096xf32, #tpu.memory_space<hbm>> -> memref<8x4096xf32, #tpu.memory_space<hbm>>
      %dma_wait3A_116 = arith.constant 0 : i32
      %dma_wait3A_117 = arith.constant 0 : i32
      %dma_wait3A_118 = tpu.memref_slice %arg4[%dma_wait3A_116, %dma_wait3A_117] : memref<4096x4096xf32, #tpu.memory_space<hbm>> -> memref<8x4096xf32, #tpu.memory_space<hbm>>
      tpu.wait_dma2 semaphore(%arg19 : memref<!tpu.dma_semaphore, #tpu.memory_space<semaphore_mem>>) src(%dma_wait3A_118 : memref<8x4096xf32, #tpu.memory_space<hbm>>) dst(%arg14 : memref<8x4096xf32, #tpu.memory_space<vmem>>)
      %add3A_119 = arith.constant 1 : i32
      %add3A_120 = arith.addi %mul3A_42, %add3A_119 : i32
      %while3A_121 = arith.constant 0 : i32
      %while3A_122 = arith.constant 0 : i32
      %while3A_123 = arith.subi %shift_right_arithmetic3A_14, %while3A_121 : i32
      %while3A_124 = arith.addi %while3A_121, %while3A_123 : i32
      %while3A_125 = arith.constant 1 : i32
      %while3A_126 = arith.divsi %while3A_123, %while3A_125 : i32
      %while3A_127 = arith.muli %while3A_126, %while3A_125 : i32
      %while3A_128 = arith.addi %while3A_121, %while3A_127 : i32
      %while3A_129 = arith.constant 1 : i32
      %while3A_130 = scf.for %while3A_184 = %while3A_121 to %while3A_128 step %while3A_129 iter_args(%while3A_185 = %while3A_122) -> (i32)  : i32 {
        %mul3A_186 = arith.constant 16 : i32
        %mul3A_187 = arith.muli %while3A_184, %mul3A_186 : i32
        %get3A_188 = arith.index_cast %mul3A_187 : i32 to index
        %get3A_189 = tpu.vector_load %arg11[%get3A_188] {strides = array<i32>} : memref<16384xi32, #tpu.memory_space<vmem>>, vector<16xi32>,
        %shift_right_arithmetic3A_190 = arith.constant 14 : i32
        %shift_right_arithmetic3A_191 = vector.broadcast %shift_right_arithmetic3A_190 : i32 to vector<16xi32>
        %shift_right_arithmetic3A_192 = arith.shrsi %get3A_189, %shift_right_arithmetic3A_191 : vector<16xi32>
        %shift_right_arithmetic3A_193 = arith.constant 3 : i32
        %shift_right_arithmetic3A_194 = vector.broadcast %shift_right_arithmetic3A_193 : i32 to vector<16xi32>
        %shift_right_arithmetic3A_195 = arith.shrsi %shift_right_arithmetic3A_192, %shift_right_arithmetic3A_194 : vector<16xi32>
        %eq3A = vector.broadcast %add3A_120 : i32 to vector<16xi32>
        %eq3A_196 = arith.cmpi eq, %shift_right_arithmetic3A_195, %eq3A : vector<16xi32>
        %mul3A_197 = arith.constant 16 : i32
        %mul3A_198 = arith.muli %while3A_184, %mul3A_197 : i32
        %add3A_199 = vector.broadcast %mul3A_198 : i32 to vector<16xi32>
        %add3A_200 = arith.addi %add3A_199, %iota3A : vector<16xi32>
        %lt3A_201 = vector.broadcast %scan3A_10 : i32 to vector<16xi32>
        %lt3A_202 = arith.cmpi slt, %add3A_200, %lt3A_201 : vector<16xi32>
        %and3A = arith.andi %eq3A_196, %lt3A_202 : vector<16xi1>
        %jit3A = arith.constant 1 : i32
        %jit3A_203 = arith.constant 0 : i32
        %broadcast_in_dim3A_204 = vector.broadcast %jit3A : i32 to vector<16xi32>
        %broadcast_in_dim3A_205 = vector.broadcast %jit3A_203 : i32 to vector<16xi32>
        %select_n3A = arith.select %and3A, %broadcast_in_dim3A_204, %broadcast_in_dim3A_205 : vector<16xi1>, vector<16xi32>
        %broadcast_in_dim3A_206 = arith.constant true
        %broadcast_in_dim3A_207 = vector.broadcast %broadcast_in_dim3A_206 : i1 to vector<16xi1>
        %masked_cumsum3A = tpu.scan <sum>, %select_n3A masked %broadcast_in_dim3A_207 : vector<16xi32>, vector<16xi1> -> vector<16xi32>
        %add3A_208 = vector.broadcast %while3A_185 : i32 to vector<16xi32>
        %add3A_209 = arith.addi %add3A_208, %masked_cumsum3A : vector<16xi32>
        %sub3A = arith.constant 1 : i32
        %sub3A_210 = vector.broadcast %sub3A : i32 to vector<16xi32>
        %sub3A_211 = arith.subi %add3A_209, %sub3A_210 : vector<16xi32>
        %jit3A_212 = arith.constant 0 : i32
        %broadcast_in_dim3A_213 = vector.broadcast %jit3A_212 : i32 to vector<16xi32>
        %select_n3A_214 = arith.select %and3A, %sub3A_211, %broadcast_in_dim3A_213 : vector<16xi1>, vector<16xi32>
        tpu.vector_store_idx %arg12[%select_n3A_214], %get3A_189 masked %and3A : memref<16384xi32, #tpu.memory_space<vmem>>[vector<16xi32>], vector<16xi32>, vector<16xi1>
        %eq3A_215 = arith.constant 15 : i32
        %eq3A_216 = vector.broadcast %eq3A_215 : i32 to vector<16xi32>
        %eq3A_217 = arith.cmpi eq, %iota3A, %eq3A_216 : vector<16xi32>
        %jit3A_218 = arith.constant 0 : i32
        %broadcast_in_dim3A_219 = vector.broadcast %jit3A_218 : i32 to vector<16xi32>
        %select_n3A_220 = arith.select %eq3A_217, %masked_cumsum3A, %broadcast_in_dim3A_219 : vector<16xi1>, vector<16xi32>
        %reduce_sum3A = arith.constant true
        %reduce_sum3A_221 = vector.broadcast %reduce_sum3A : i1 to vector<16xi1>
        %reduce_sum3A_222 = tpu.scan <sum>, %select_n3A_220 masked %reduce_sum3A_221 : vector<16xi32>, vector<16xi1> -> vector<16xi32>
        %reduce_sum3A_223 = vector.extract %reduce_sum3A_222[15] : i32 from vector<16xi32>
        %add3A_224 = arith.addi %while3A_185, %reduce_sum3A_223 : i32
        scf.yield %add3A_224 : i32
      }
      %while3A_131 = arith.constant 1 : i32
      %while3A_132 = scf.for %while3A_184 = %while3A_128 to %while3A_124 step %while3A_131 iter_args(%while3A_185 = %while3A_130) -> (i32)  : i32 {
        %mul3A_186 = arith.constant 16 : i32
        %mul3A_187 = arith.muli %while3A_184, %mul3A_186 : i32
        %get3A_188 = arith.index_cast %mul3A_187 : i32 to index
        %get3A_189 = tpu.vector_load %arg11[%get3A_188] {strides = array<i32>} : memref<16384xi32, #tpu.memory_space<vmem>>, vector<16xi32>,
        %shift_right_arithmetic3A_190 = arith.constant 14 : i32
        %shift_right_arithmetic3A_191 = vector.broadcast %shift_right_arithmetic3A_190 : i32 to vector<16xi32>
        %shift_right_arithmetic3A_192 = arith.shrsi %get3A_189, %shift_right_arithmetic3A_191 : vector<16xi32>
        %shift_right_arithmetic3A_193 = arith.constant 3 : i32
        %shift_right_arithmetic3A_194 = vector.broadcast %shift_right_arithmetic3A_193 : i32 to vector<16xi32>
        %shift_right_arithmetic3A_195 = arith.shrsi %shift_right_arithmetic3A_192, %shift_right_arithmetic3A_194 : vector<16xi32>
        %eq3A = vector.broadcast %add3A_120 : i32 to vector<16xi32>
        %eq3A_196 = arith.cmpi eq, %shift_right_arithmetic3A_195, %eq3A : vector<16xi32>
        %mul3A_197 = arith.constant 16 : i32
        %mul3A_198 = arith.muli %while3A_184, %mul3A_197 : i32
        %add3A_199 = vector.broadcast %mul3A_198 : i32 to vector<16xi32>
        %add3A_200 = arith.addi %add3A_199, %iota3A : vector<16xi32>
        %lt3A_201 = vector.broadcast %scan3A_10 : i32 to vector<16xi32>
        %lt3A_202 = arith.cmpi slt, %add3A_200, %lt3A_201 : vector<16xi32>
        %and3A = arith.andi %eq3A_196, %lt3A_202 : vector<16xi1>
        %jit3A = arith.constant 1 : i32
        %jit3A_203 = arith.constant 0 : i32
        %broadcast_in_dim3A_204 = vector.broadcast %jit3A : i32 to vector<16xi32>
        %broadcast_in_dim3A_205 = vector.broadcast %jit3A_203 : i32 to vector<16xi32>
        %select_n3A = arith.select %and3A, %broadcast_in_dim3A_204, %broadcast_in_dim3A_205 : vector<16xi1>, vector<16xi32>
        %broadcast_in_dim3A_206 = arith.constant true
        %broadcast_in_dim3A_207 = vector.broadcast %broadcast_in_dim3A_206 : i1 to vector<16xi1>
        %masked_cumsum3A = tpu.scan <sum>, %select_n3A masked %broadcast_in_dim3A_207 : vector<16xi32>, vector<16xi1> -> vector<16xi32>
        %add3A_208 = vector.broadcast %while3A_185 : i32 to vector<16xi32>
        %add3A_209 = arith.addi %add3A_208, %masked_cumsum3A : vector<16xi32>
        %sub3A = arith.constant 1 : i32
        %sub3A_210 = vector.broadcast %sub3A : i32 to vector<16xi32>
        %sub3A_211 = arith.subi %add3A_209, %sub3A_210 : vector<16xi32>
        %jit3A_212 = arith.constant 0 : i32
        %broadcast_in_dim3A_213 = vector.broadcast %jit3A_212 : i32 to vector<16xi32>
        %select_n3A_214 = arith.select %and3A, %sub3A_211, %broadcast_in_dim3A_213 : vector<16xi1>, vector<16xi32>
        tpu.vector_store_idx %arg12[%select_n3A_214], %get3A_189 masked %and3A : memref<16384xi32, #tpu.memory_space<vmem>>[vector<16xi32>], vector<16xi32>, vector<16xi1>
        %eq3A_215 = arith.constant 15 : i32
        %eq3A_216 = vector.broadcast %eq3A_215 : i32 to vector<16xi32>
        %eq3A_217 = arith.cmpi eq, %iota3A, %eq3A_216 : vector<16xi32>
        %jit3A_218 = arith.constant 0 : i32
        %broadcast_in_dim3A_219 = vector.broadcast %jit3A_218 : i32 to vector<16xi32>
        %select_n3A_220 = arith.select %eq3A_217, %masked_cumsum3A, %broadcast_in_dim3A_219 : vector<16xi1>, vector<16xi32>
        %reduce_sum3A = arith.constant true
        %reduce_sum3A_221 = vector.broadcast %reduce_sum3A : i1 to vector<16xi1>
        %reduce_sum3A_222 = tpu.scan <sum>, %select_n3A_220 masked %reduce_sum3A_221 : vector<16xi32>, vector<16xi1> -> vector<16xi32>
        %reduce_sum3A_223 = vector.extract %reduce_sum3A_222[15] : i32 from vector<16xi32>
        %add3A_224 = arith.addi %while3A_185, %reduce_sum3A_223 : i32
        scf.yield %add3A_224 : i32
      }
      %add3A_133 = arith.constant 1 : i32
      %add3A_134 = arith.addi %mul3A_42, %add3A_133 : i32
      %scan3A_135 = arith.constant 0 : i32
      %scan3A_136 = arith.constant 8 : i32
      %scan3A_137 = arith.addi %scan3A_135, %scan3A_136 : i32
      %scan3A_138 = arith.constant 1 : i32
      %scan3A_139 = scf.for %scan3A_184 = %scan3A_135 to %scan3A_137 step %scan3A_138 iter_args(%scan3A_185 = %broadcast_in_dim3A_3) -> (vector<16xf32>)  : i32 {
        %scan3A_186 = arith.constant 0 : i32
        %scan3A_187 = arith.constant 32 : i32
        %scan3A_188 = arith.addi %scan3A_186, %scan3A_187 : i32
        %scan3A_189 = arith.constant 1 : i32
        %scan3A_190 = scf.for %scan3A_197 = %scan3A_186 to %scan3A_188 step %scan3A_189 iter_args(%scan3A_198 = %broadcast_in_dim3A_3) -> (vector<16xf32>)  : i32 {
          %mul3A_199 = arith.constant 128 : i32
          %mul3A_200 = arith.muli %scan3A_197, %mul3A_199 : i32
          %add3A_201 = arith.constant 0 : i32
          %add3A_202 = arith.addi %mul3A_200, %add3A_201 : i32
          %get3A_203 = arith.index_cast %scan3A_184 : i32 to index
          %get3A_204 = arith.index_cast %add3A_202 : i32 to index
          %get3A_205 = tpu.vector_load %arg14[%get3A_203, %get3A_204] {strides = array<i32>} : memref<8x4096xf32, #tpu.memory_space<vmem>>, vector<16xf32>,
          %exp3A = math.exp %get3A_205 : vector<16xf32>
          %add3A_206 = arith.constant 16 : i32
          %add3A_207 = arith.addi %mul3A_200, %add3A_206 : i32
          %get3A_208 = arith.index_cast %scan3A_184 : i32 to index
          %get3A_209 = arith.index_cast %add3A_207 : i32 to index
          %get3A_210 = tpu.vector_load %arg14[%get3A_208, %get3A_209] {strides = array<i32>} : memref<8x4096xf32, #tpu.memory_space<vmem>>, vector<16xf32>,
          %exp3A_211 = math.exp %get3A_210 : vector<16xf32>
          %add3A_212 = arith.constant 32 : i32
          %add3A_213 = arith.addi %mul3A_200, %add3A_212 : i32
          %get3A_214 = arith.index_cast %scan3A_184 : i32 to index
          %get3A_215 = arith.index_cast %add3A_213 : i32 to index
          %get3A_216 = tpu.vector_load %arg14[%get3A_214, %get3A_215] {strides = array<i32>} : memref<8x4096xf32, #tpu.memory_space<vmem>>, vector<16xf32>,
          %exp3A_217 = math.exp %get3A_216 : vector<16xf32>
          %add3A_218 = arith.constant 48 : i32
          %add3A_219 = arith.addi %mul3A_200, %add3A_218 : i32
          %get3A_220 = arith.index_cast %scan3A_184 : i32 to index
          %get3A_221 = arith.index_cast %add3A_219 : i32 to index
          %get3A_222 = tpu.vector_load %arg14[%get3A_220, %get3A_221] {strides = array<i32>} : memref<8x4096xf32, #tpu.memory_space<vmem>>, vector<16xf32>,
          %exp3A_223 = math.exp %get3A_222 : vector<16xf32>
          %add3A_224 = arith.constant 64 : i32
          %add3A_225 = arith.addi %mul3A_200, %add3A_224 : i32
          %get3A_226 = arith.index_cast %scan3A_184 : i32 to index
          %get3A_227 = arith.index_cast %add3A_225 : i32 to index
          %get3A_228 = tpu.vector_load %arg14[%get3A_226, %get3A_227] {strides = array<i32>} : memref<8x4096xf32, #tpu.memory_space<vmem>>, vector<16xf32>,
          %exp3A_229 = math.exp %get3A_228 : vector<16xf32>
          %add3A_230 = arith.constant 80 : i32
          %add3A_231 = arith.addi %mul3A_200, %add3A_230 : i32
          %get3A_232 = arith.index_cast %scan3A_184 : i32 to index
          %get3A_233 = arith.index_cast %add3A_231 : i32 to index
          %get3A_234 = tpu.vector_load %arg14[%get3A_232, %get3A_233] {strides = array<i32>} : memref<8x4096xf32, #tpu.memory_space<vmem>>, vector<16xf32>,
          %exp3A_235 = math.exp %get3A_234 : vector<16xf32>
          %add3A_236 = arith.constant 96 : i32
          %add3A_237 = arith.addi %mul3A_200, %add3A_236 : i32
          %get3A_238 = arith.index_cast %scan3A_184 : i32 to index
          %get3A_239 = arith.index_cast %add3A_237 : i32 to index
          %get3A_240 = tpu.vector_load %arg14[%get3A_238, %get3A_239] {strides = array<i32>} : memref<8x4096xf32, #tpu.memory_space<vmem>>, vector<16xf32>,
          %exp3A_241 = math.exp %get3A_240 : vector<16xf32>
          %add3A_242 = arith.constant 112 : i32
          %add3A_243 = arith.addi %mul3A_200, %add3A_242 : i32
          %get3A_244 = arith.index_cast %scan3A_184 : i32 to index
          %get3A_245 = arith.index_cast %add3A_243 : i32 to index
          %get3A_246 = tpu.vector_load %arg14[%get3A_244, %get3A_245] {strides = array<i32>} : memref<8x4096xf32, #tpu.memory_space<vmem>>, vector<16xf32>,
          %exp3A_247 = math.exp %get3A_246 : vector<16xf32>
          %add3A_248 = arith.addf %exp3A, %exp3A_211 : vector<16xf32>
          %add3A_249 = arith.addf %exp3A_217, %exp3A_223 : vector<16xf32>
          %add3A_250 = arith.addf %add3A_248, %add3A_249 : vector<16xf32>
          %add3A_251 = arith.addf %exp3A_229, %exp3A_235 : vector<16xf32>
          %add3A_252 = arith.addf %exp3A_241, %exp3A_247 : vector<16xf32>
          %add3A_253 = arith.addf %add3A_251, %add3A_252 : vector<16xf32>
          %add3A_254 = arith.addf %add3A_250, %add3A_253 : vector<16xf32>
          %add3A_255 = arith.addf %scan3A_198, %add3A_254 : vector<16xf32>
          scf.yield %add3A_255 : vector<16xf32>
        }
        %scan3A_191 = arith.constant 32 : i32
        %eq3A = vector.broadcast %scan3A_184 : i32 to vector<16xi32>
        %eq3A_192 = arith.cmpi eq, %iota3A, %eq3A : vector<16xi32>
        %reduce_sum3A = arith.constant true
        %reduce_sum3A_193 = vector.broadcast %reduce_sum3A : i1 to vector<16xi1>
        %reduce_sum3A_194 = tpu.scan <sum>, %scan3A_190 masked %reduce_sum3A_193 : vector<16xf32>, vector<16xi1> -> vector<16xf32>
        %reduce_sum3A_195 = vector.extract %reduce_sum3A_194[15] : f32 from vector<16xf32>
        %broadcast_in_dim3A_196 = vector.broadcast %reduce_sum3A_195 : f32 to vector<16xf32>
        %select_n3A = arith.select %eq3A_192, %broadcast_in_dim3A_196, %scan3A_185 : vector<16xi1>, vector<16xf32>
        scf.yield %select_n3A : vector<16xf32>
      }
      %scan3A_140 = arith.constant 8 : i32
      %mul3A_141 = arith.constant 8 : i32
      %mul3A_142 = arith.muli %add3A_134, %mul3A_141 : i32
      %swap3A_143 = arith.index_cast %mul3A_142 : i32 to index
      %swap3A_144 = tpu.vector_load %arg15[%swap3A_143] {strides = array<i32>} : memref<144xf32, #tpu.memory_space<vmem>>, vector<16xf32>,
      tpu.vector_store %arg15[%swap3A_143], %scan3A_139 {strides = array<i32>} : memref<144xf32, #tpu.memory_space<vmem>>, vector<16xf32>,
      %while3A_145 = arith.constant 0 : i32
      %while3A_146 = arith.constant 0 : i32
      %while3A_147 = arith.subi %while3A_59, %while3A_145 : i32
      %while3A_148 = arith.addi %while3A_145, %while3A_147 : i32
      %while3A_149 = arith.constant 1 : i32
      %while3A_150 = arith.divsi %while3A_147, %while3A_149 : i32
      %while3A_151 = arith.muli %while3A_150, %while3A_149 : i32
      %while3A_152 = arith.addi %while3A_145, %while3A_151 : i32
      %while3A_153 = arith.constant 1 : i32
      %while3A_154 = scf.for %while3A_184 = %while3A_145 to %while3A_152 step %while3A_153 iter_args(%while3A_185 = %while3A_146) -> (i32)  : i32 {
        %dma_wait3A_186 = arith.constant 0 : i32
        %dma_wait3A_187 = arith.constant 0 : i32
        %dma_wait3A_188 = tpu.memref_slice %arg13[%dma_wait3A_186, %dma_wait3A_187] : memref<8x4096xf32, #tpu.memory_space<vmem>> -> memref<1x4096xf32, #tpu.memory_space<vmem>>
        %dma_wait3A_189 = arith.constant 0 : i32
        %dma_wait3A_190 = arith.constant 0 : i32
        %dma_wait3A_191 = tpu.memref_slice %arg5[%dma_wait3A_189, %dma_wait3A_190] : memref<16384x4096xf32, #tpu.memory_space<hbm>> -> memref<1x4096xf32, #tpu.memory_space<hbm>>
        %dma_wait3A_192 = arith.constant 0 : i32
        %dma_wait3A_193 = arith.constant 0 : i32
        %dma_wait3A_194 = tpu.memref_slice %arg5[%dma_wait3A_192, %dma_wait3A_193] : memref<16384x4096xf32, #tpu.memory_space<hbm>> -> memref<1x4096xf32, #tpu.memory_space<hbm>>
        %dma_wait3A_195 = arith.constant 0 : i32
        %dma_wait3A_196 = arith.constant 0 : i32
        %dma_wait3A_197 = tpu.memref_slice %arg13[%dma_wait3A_195, %dma_wait3A_196] : memref<8x4096xf32, #tpu.memory_space<vmem>> -> memref<1x4096xf32, #tpu.memory_space<vmem>>
        tpu.wait_dma2 semaphore(%arg20 : memref<!tpu.dma_semaphore, #tpu.memory_space<semaphore_mem>>) src(%dma_wait3A_197 : memref<1x4096xf32, #tpu.memory_space<vmem>>) dst(%dma_wait3A_194 : memref<1x4096xf32, #tpu.memory_space<hbm>>)
        %while3A_198 = arith.constant 0 : i32
        scf.yield %while3A_198 : i32
      }
      %while3A_155 = arith.constant 1 : i32
      %while3A_156 = scf.for %while3A_184 = %while3A_152 to %while3A_148 step %while3A_155 iter_args(%while3A_185 = %while3A_154) -> (i32)  : i32 {
        %dma_wait3A_186 = arith.constant 0 : i32
        %dma_wait3A_187 = arith.constant 0 : i32
        %dma_wait3A_188 = tpu.memref_slice %arg13[%dma_wait3A_186, %dma_wait3A_187] : memref<8x4096xf32, #tpu.memory_space<vmem>> -> memref<1x4096xf32, #tpu.memory_space<vmem>>
        %dma_wait3A_189 = arith.constant 0 : i32
        %dma_wait3A_190 = arith.constant 0 : i32
        %dma_wait3A_191 = tpu.memref_slice %arg5[%dma_wait3A_189, %dma_wait3A_190] : memref<16384x4096xf32, #tpu.memory_space<hbm>> -> memref<1x4096xf32, #tpu.memory_space<hbm>>
        %dma_wait3A_192 = arith.constant 0 : i32
        %dma_wait3A_193 = arith.constant 0 : i32
        %dma_wait3A_194 = tpu.memref_slice %arg5[%dma_wait3A_192, %dma_wait3A_193] : memref<16384x4096xf32, #tpu.memory_space<hbm>> -> memref<1x4096xf32, #tpu.memory_space<hbm>>
        %dma_wait3A_195 = arith.constant 0 : i32
        %dma_wait3A_196 = arith.constant 0 : i32
        %dma_wait3A_197 = tpu.memref_slice %arg13[%dma_wait3A_195, %dma_wait3A_196] : memref<8x4096xf32, #tpu.memory_space<vmem>> -> memref<1x4096xf32, #tpu.memory_space<vmem>>
        tpu.wait_dma2 semaphore(%arg20 : memref<!tpu.dma_semaphore, #tpu.memory_space<semaphore_mem>>) src(%dma_wait3A_197 : memref<1x4096xf32, #tpu.memory_space<vmem>>) dst(%dma_wait3A_194 : memref<1x4096xf32, #tpu.memory_space<hbm>>)
        %while3A_198 = arith.constant 0 : i32
        scf.yield %while3A_198 : i32
      }
      %lt3A = arith.constant 7 : i32
      %lt3A_157 = arith.cmpi slt, %scan3A_39, %lt3A : i32
      %convert_element_type3A = arith.extui %lt3A_157 : i1 to i32
      %cond3A = arith.constant 0 : i32
      %cond3A_158 = arith.cmpi ne, %convert_element_type3A, %cond3A : i32
      scf.if %cond3A_158 {
        %add3A_184 = arith.constant 2 : i32
        %add3A_185 = arith.addi %mul3A_42, %add3A_184 : i32
        %mul3A_186 = arith.constant 8 : i32
        %mul3A_187 = arith.muli %add3A_185, %mul3A_186 : i32
        %add3A_188 = arith.addi %mul3A_2, %mul3A_187 : i32
        %dma_start3A_189 = arith.constant 0 : i32
        %dma_start3A_190 = tpu.memref_slice %arg4[%add3A_188, %dma_start3A_189] : memref<4096x4096xf32, #tpu.memory_space<hbm>> -> memref<8x4096xf32, #tpu.memory_space<hbm>>
        %dma_start3A_191 = arith.constant 0 : i32
        %dma_start3A_192 = tpu.memref_slice %arg4[%add3A_188, %dma_start3A_191] : memref<4096x4096xf32, #tpu.memory_space<hbm>> -> memref<8x4096xf32, #tpu.memory_space<hbm>>
        tpu.enqueue_dma source(%dma_start3A_192 : memref<8x4096xf32, #tpu.memory_space<hbm>>) target(%arg13 : memref<8x4096xf32, #tpu.memory_space<vmem>>) target_semaphore(%arg18 : memref<!tpu.dma_semaphore, #tpu.memory_space<semaphore_mem>>)
      } else {
      }
      %add3A_159 = arith.constant 1 : i32
      %add3A_160 = arith.addi %mul3A_42, %add3A_159 : i32
      %add3A_161 = arith.constant 15 : i32
      %add3A_162 = arith.addi %while3A_132, %add3A_161 : i32
      %shift_right_arithmetic3A_163 = arith.constant 4 : i32
      %shift_right_arithmetic3A_164 = arith.shrsi %add3A_162, %shift_right_arithmetic3A_163 : i32
      %get3A_165 = arith.constant 0 : index
      %get3A_166 = tpu.vector_load %arg17[%get3A_165] {strides = array<i32>} : memref<16xf32, #tpu.memory_space<vmem>>, vector<16xf32>,
      %while3A_167 = arith.constant 0 : i32
      %while3A_168 = arith.subi %shift_right_arithmetic3A_164, %while3A_167 : i32
      %while3A_169 = arith.addi %while3A_167, %while3A_168 : i32
      %while3A_170 = arith.constant 1 : i32
      %while3A_171 = arith.divsi %while3A_168, %while3A_170 : i32
      %while3A_172 = arith.muli %while3A_171, %while3A_170 : i32
      %while3A_173 = arith.addi %while3A_167, %while3A_172 : i32
      %while3A_174 = arith.constant 1 : i32
      %while3A_175:2 = scf.for %while3A_184 = %while3A_167 to %while3A_173 step %while3A_174 iter_args(%while3A_185 = %get3A_166, %while3A_186 = %broadcast_in_dim3A_5) -> (vector<16xf32>, vector<16xi32>)  : i32 {
        %mul3A_187 = arith.constant 16 : i32
        %mul3A_188 = arith.muli %while3A_184, %mul3A_187 : i32
        %get3A_189 = arith.index_cast %mul3A_188 : i32 to index
        %get3A_190 = tpu.vector_load %arg12[%get3A_189] {strides = array<i32>} : memref<16384xi32, #tpu.memory_space<vmem>>, vector<16xi32>,
        %mul3A_191 = arith.constant 16 : i32
        %mul3A_192 = arith.muli %while3A_184, %mul3A_191 : i32
        %add3A_193 = vector.broadcast %mul3A_192 : i32 to vector<16xi32>
        %add3A_194 = arith.addi %add3A_193, %iota3A : vector<16xi32>
        %lt3A_195 = vector.broadcast %while3A_132 : i32 to vector<16xi32>
        %lt3A_196 = arith.cmpi slt, %add3A_194, %lt3A_195 : vector<16xi32>
        %and3A = arith.constant 16383 : i32
        %and3A_197 = vector.broadcast %and3A : i32 to vector<16xi32>
        %and3A_198 = arith.andi %get3A_190, %and3A_197 : vector<16xi32>
        %shift_right_arithmetic3A_199 = arith.constant 14 : i32
        %shift_right_arithmetic3A_200 = vector.broadcast %shift_right_arithmetic3A_199 : i32 to vector<16xi32>
        %shift_right_arithmetic3A_201 = arith.shrsi %get3A_190, %shift_right_arithmetic3A_200 : vector<16xi32>
        %and3A_202 = arith.constant 7 : i32
        %and3A_203 = vector.broadcast %and3A_202 : i32 to vector<16xi32>
        %and3A_204 = arith.andi %shift_right_arithmetic3A_201, %and3A_203 : vector<16xi32>
        %gather3A = tpu.vector_load_idx %arg10[%and3A_198] : memref<16384xi32, #tpu.memory_space<vmem>>[vector<16xi32>], vector<16xi32>,
        %gather3A_205 = tpu.vector_load_idx %arg14[%and3A_204, %gather3A] : memref<8x4096xf32, #tpu.memory_space<vmem>>[vector<16xi32>, vector<16xi32>], vector<16xf32>,
        %jit3A = arith.constant 0.000000e+00 : f32
        %broadcast_in_dim3A_206 = vector.broadcast %jit3A : f32 to vector<16xf32>
        %select_n3A = arith.select %lt3A_196, %gather3A_205, %broadcast_in_dim3A_206 : vector<16xi1>, vector<16xf32>
        %add3A_207 = arith.addf %while3A_185, %select_n3A : vector<16xf32>
        %eq3A = arith.constant 0 : i32
        %eq3A_208 = vector.broadcast %eq3A : i32 to vector<16xi32>
        %eq3A_209 = arith.cmpi eq, %iota3A, %eq3A_208 : vector<16xi32>
        %eq3A_210 = arith.constant 0 : i32
        %eq3A_211 = vector.broadcast %eq3A_210 : i32 to vector<16xi32>
        %eq3A_212 = arith.cmpi eq, %and3A_204, %eq3A_211 : vector<16xi32>
        %and3A_213 = arith.andi %lt3A_196, %eq3A_212 : vector<16xi1>
        %jit3A_214 = arith.constant 1 : i32
        %jit3A_215 = arith.constant 0 : i32
        %broadcast_in_dim3A_216 = vector.broadcast %jit3A_214 : i32 to vector<16xi32>
        %broadcast_in_dim3A_217 = vector.broadcast %jit3A_215 : i32 to vector<16xi32>
        %select_n3A_218 = arith.select %and3A_213, %broadcast_in_dim3A_216, %broadcast_in_dim3A_217 : vector<16xi1>, vector<16xi32>
        %reduce_sum3A = arith.constant true
        %reduce_sum3A_219 = vector.broadcast %reduce_sum3A : i1 to vector<16xi1>
        %reduce_sum3A_220 = tpu.scan <sum>, %select_n3A_218 masked %reduce_sum3A_219 : vector<16xi32>, vector<16xi1> -> vector<16xi32>
        %reduce_sum3A_221 = vector.extract %reduce_sum3A_220[15] : i32 from vector<16xi32>
        %mul3A_222 = arith.constant 0 : i32
        %mul3A_223 = vector.broadcast %mul3A_222 : i32 to vector<16xi32>
        %mul3A_224 = arith.muli %while3A_186, %mul3A_223 : vector<16xi32>
        %broadcast_in_dim3A_225 = vector.broadcast %reduce_sum3A_221 : i32 to vector<16xi32>
        %select_n3A_226 = arith.select %eq3A_209, %broadcast_in_dim3A_225, %mul3A_224 : vector<16xi1>, vector<16xi32>
        %add3A_227 = arith.addi %while3A_186, %select_n3A_226 : vector<16xi32>
        %eq3A_228 = arith.constant 1 : i32
        %eq3A_229 = vector.broadcast %eq3A_228 : i32 to vector<16xi32>
        %eq3A_230 = arith.cmpi eq, %iota3A, %eq3A_229 : vector<16xi32>
        %eq3A_231 = arith.constant 1 : i32
        %eq3A_232 = vector.broadcast %eq3A_231 : i32 to vector<16xi32>
        %eq3A_233 = arith.cmpi eq, %and3A_204, %eq3A_232 : vector<16xi32>
        %and3A_234 = arith.andi %lt3A_196, %eq3A_233 : vector<16xi1>
        %jit3A_235 = arith.constant 1 : i32
        %jit3A_236 = arith.constant 0 : i32
        %broadcast_in_dim3A_237 = vector.broadcast %jit3A_235 : i32 to vector<16xi32>
        %broadcast_in_dim3A_238 = vector.broadcast %jit3A_236 : i32 to vector<16xi32>
        %select_n3A_239 = arith.select %and3A_234, %broadcast_in_dim3A_237, %broadcast_in_dim3A_238 : vector<16xi1>, vector<16xi32>
        %reduce_sum3A_240 = arith.constant true
        %reduce_sum3A_241 = vector.broadcast %reduce_sum3A_240 : i1 to vector<16xi1>
        %reduce_sum3A_242 = tpu.scan <sum>, %select_n3A_239 masked %reduce_sum3A_241 : vector<16xi32>, vector<16xi1> -> vector<16xi32>
        %reduce_sum3A_243 = vector.extract %reduce_sum3A_242[15] : i32 from vector<16xi32>
        %mul3A_244 = arith.constant 0 : i32
        %mul3A_245 = vector.broadcast %mul3A_244 : i32 to vector<16xi32>
        %mul3A_246 = arith.muli %add3A_227, %mul3A_245 : vector<16xi32>
        %broadcast_in_dim3A_247 = vector.broadcast %reduce_sum3A_243 : i32 to vector<16xi32>
        %select_n3A_248 = arith.select %eq3A_230, %broadcast_in_dim3A_247, %mul3A_246 : vector<16xi1>, vector<16xi32>
        %add3A_249 = arith.addi %add3A_227, %select_n3A_248 : vector<16xi32>
        %eq3A_250 = arith.constant 2 : i32
        %eq3A_251 = vector.broadcast %eq3A_250 : i32 to vector<16xi32>
        %eq3A_252 = arith.cmpi eq, %iota3A, %eq3A_251 : vector<16xi32>
        %eq3A_253 = arith.constant 2 : i32
        %eq3A_254 = vector.broadcast %eq3A_253 : i32 to vector<16xi32>
        %eq3A_255 = arith.cmpi eq, %and3A_204, %eq3A_254 : vector<16xi32>
        %and3A_256 = arith.andi %lt3A_196, %eq3A_255 : vector<16xi1>
        %jit3A_257 = arith.constant 1 : i32
        %jit3A_258 = arith.constant 0 : i32
        %broadcast_in_dim3A_259 = vector.broadcast %jit3A_257 : i32 to vector<16xi32>
        %broadcast_in_dim3A_260 = vector.broadcast %jit3A_258 : i32 to vector<16xi32>
        %select_n3A_261 = arith.select %and3A_256, %broadcast_in_dim3A_259, %broadcast_in_dim3A_260 : vector<16xi1>, vector<16xi32>
        %reduce_sum3A_262 = arith.constant true
        %reduce_sum3A_263 = vector.broadcast %reduce_sum3A_262 : i1 to vector<16xi1>
        %reduce_sum3A_264 = tpu.scan <sum>, %select_n3A_261 masked %reduce_sum3A_263 : vector<16xi32>, vector<16xi1> -> vector<16xi32>
        %reduce_sum3A_265 = vector.extract %reduce_sum3A_264[15] : i32 from vector<16xi32>
        %mul3A_266 = arith.constant 0 : i32
        %mul3A_267 = vector.broadcast %mul3A_266 : i32 to vector<16xi32>
        %mul3A_268 = arith.muli %add3A_249, %mul3A_267 : vector<16xi32>
        %broadcast_in_dim3A_269 = vector.broadcast %reduce_sum3A_265 : i32 to vector<16xi32>
        %select_n3A_270 = arith.select %eq3A_252, %broadcast_in_dim3A_269, %mul3A_268 : vector<16xi1>, vector<16xi32>
        %add3A_271 = arith.addi %add3A_249, %select_n3A_270 : vector<16xi32>
        %eq3A_272 = arith.constant 3 : i32
        %eq3A_273 = vector.broadcast %eq3A_272 : i32 to vector<16xi32>
        %eq3A_274 = arith.cmpi eq, %iota3A, %eq3A_273 : vector<16xi32>
        %eq3A_275 = arith.constant 3 : i32
        %eq3A_276 = vector.broadcast %eq3A_275 : i32 to vector<16xi32>
        %eq3A_277 = arith.cmpi eq, %and3A_204, %eq3A_276 : vector<16xi32>
        %and3A_278 = arith.andi %lt3A_196, %eq3A_277 : vector<16xi1>
        %jit3A_279 = arith.constant 1 : i32
        %jit3A_280 = arith.constant 0 : i32
        %broadcast_in_dim3A_281 = vector.broadcast %jit3A_279 : i32 to vector<16xi32>
        %broadcast_in_dim3A_282 = vector.broadcast %jit3A_280 : i32 to vector<16xi32>
        %select_n3A_283 = arith.select %and3A_278, %broadcast_in_dim3A_281, %broadcast_in_dim3A_282 : vector<16xi1>, vector<16xi32>
        %reduce_sum3A_284 = arith.constant true
        %reduce_sum3A_285 = vector.broadcast %reduce_sum3A_284 : i1 to vector<16xi1>
        %reduce_sum3A_286 = tpu.scan <sum>, %select_n3A_283 masked %reduce_sum3A_285 : vector<16xi32>, vector<16xi1> -> vector<16xi32>
        %reduce_sum3A_287 = vector.extract %reduce_sum3A_286[15] : i32 from vector<16xi32>
        %mul3A_288 = arith.constant 0 : i32
        %mul3A_289 = vector.broadcast %mul3A_288 : i32 to vector<16xi32>
        %mul3A_290 = arith.muli %add3A_271, %mul3A_289 : vector<16xi32>
        %broadcast_in_dim3A_291 = vector.broadcast %reduce_sum3A_287 : i32 to vector<16xi32>
        %select_n3A_292 = arith.select %eq3A_274, %broadcast_in_dim3A_291, %mul3A_290 : vector<16xi1>, vector<16xi32>
        %add3A_293 = arith.addi %add3A_271, %select_n3A_292 : vector<16xi32>
        %eq3A_294 = arith.constant 4 : i32
        %eq3A_295 = vector.broadcast %eq3A_294 : i32 to vector<16xi32>
        %eq3A_296 = arith.cmpi eq, %iota3A, %eq3A_295 : vector<16xi32>
        %eq3A_297 = arith.constant 4 : i32
        %eq3A_298 = vector.broadcast %eq3A_297 : i32 to vector<16xi32>
        %eq3A_299 = arith.cmpi eq, %and3A_204, %eq3A_298 : vector<16xi32>
        %and3A_300 = arith.andi %lt3A_196, %eq3A_299 : vector<16xi1>
        %jit3A_301 = arith.constant 1 : i32
        %jit3A_302 = arith.constant 0 : i32
        %broadcast_in_dim3A_303 = vector.broadcast %jit3A_301 : i32 to vector<16xi32>
        %broadcast_in_dim3A_304 = vector.broadcast %jit3A_302 : i32 to vector<16xi32>
        %select_n3A_305 = arith.select %and3A_300, %broadcast_in_dim3A_303, %broadcast_in_dim3A_304 : vector<16xi1>, vector<16xi32>
        %reduce_sum3A_306 = arith.constant true
        %reduce_sum3A_307 = vector.broadcast %reduce_sum3A_306 : i1 to vector<16xi1>
        %reduce_sum3A_308 = tpu.scan <sum>, %select_n3A_305 masked %reduce_sum3A_307 : vector<16xi32>, vector<16xi1> -> vector<16xi32>
        %reduce_sum3A_309 = vector.extract %reduce_sum3A_308[15] : i32 from vector<16xi32>
        %mul3A_310 = arith.constant 0 : i32
        %mul3A_311 = vector.broadcast %mul3A_310 : i32 to vector<16xi32>
        %mul3A_312 = arith.muli %add3A_293, %mul3A_311 : vector<16xi32>
        %broadcast_in_dim3A_313 = vector.broadcast %reduce_sum3A_309 : i32 to vector<16xi32>
        %select_n3A_314 = arith.select %eq3A_296, %broadcast_in_dim3A_313, %mul3A_312 : vector<16xi1>, vector<16xi32>
        %add3A_315 = arith.addi %add3A_293, %select_n3A_314 : vector<16xi32>
        %eq3A_316 = arith.constant 5 : i32
        %eq3A_317 = vector.broadcast %eq3A_316 : i32 to vector<16xi32>
        %eq3A_318 = arith.cmpi eq, %iota3A, %eq3A_317 : vector<16xi32>
        %eq3A_319 = arith.constant 5 : i32
        %eq3A_320 = vector.broadcast %eq3A_319 : i32 to vector<16xi32>
        %eq3A_321 = arith.cmpi eq, %and3A_204, %eq3A_320 : vector<16xi32>
        %and3A_322 = arith.andi %lt3A_196, %eq3A_321 : vector<16xi1>
        %jit3A_323 = arith.constant 1 : i32
        %jit3A_324 = arith.constant 0 : i32
        %broadcast_in_dim3A_325 = vector.broadcast %jit3A_323 : i32 to vector<16xi32>
        %broadcast_in_dim3A_326 = vector.broadcast %jit3A_324 : i32 to vector<16xi32>
        %select_n3A_327 = arith.select %and3A_322, %broadcast_in_dim3A_325, %broadcast_in_dim3A_326 : vector<16xi1>, vector<16xi32>
        %reduce_sum3A_328 = arith.constant true
        %reduce_sum3A_329 = vector.broadcast %reduce_sum3A_328 : i1 to vector<16xi1>
        %reduce_sum3A_330 = tpu.scan <sum>, %select_n3A_327 masked %reduce_sum3A_329 : vector<16xi32>, vector<16xi1> -> vector<16xi32>
        %reduce_sum3A_331 = vector.extract %reduce_sum3A_330[15] : i32 from vector<16xi32>
        %mul3A_332 = arith.constant 0 : i32
        %mul3A_333 = vector.broadcast %mul3A_332 : i32 to vector<16xi32>
        %mul3A_334 = arith.muli %add3A_315, %mul3A_333 : vector<16xi32>
        %broadcast_in_dim3A_335 = vector.broadcast %reduce_sum3A_331 : i32 to vector<16xi32>
        %select_n3A_336 = arith.select %eq3A_318, %broadcast_in_dim3A_335, %mul3A_334 : vector<16xi1>, vector<16xi32>
        %add3A_337 = arith.addi %add3A_315, %select_n3A_336 : vector<16xi32>
        %eq3A_338 = arith.constant 6 : i32
        %eq3A_339 = vector.broadcast %eq3A_338 : i32 to vector<16xi32>
        %eq3A_340 = arith.cmpi eq, %iota3A, %eq3A_339 : vector<16xi32>
        %eq3A_341 = arith.constant 6 : i32
        %eq3A_342 = vector.broadcast %eq3A_341 : i32 to vector<16xi32>
        %eq3A_343 = arith.cmpi eq, %and3A_204, %eq3A_342 : vector<16xi32>
        %and3A_344 = arith.andi %lt3A_196, %eq3A_343 : vector<16xi1>
        %jit3A_345 = arith.constant 1 : i32
        %jit3A_346 = arith.constant 0 : i32
        %broadcast_in_dim3A_347 = vector.broadcast %jit3A_345 : i32 to vector<16xi32>
        %broadcast_in_dim3A_348 = vector.broadcast %jit3A_346 : i32 to vector<16xi32>
        %select_n3A_349 = arith.select %and3A_344, %broadcast_in_dim3A_347, %broadcast_in_dim3A_348 : vector<16xi1>, vector<16xi32>
        %reduce_sum3A_350 = arith.constant true
        %reduce_sum3A_351 = vector.broadcast %reduce_sum3A_350 : i1 to vector<16xi1>
        %reduce_sum3A_352 = tpu.scan <sum>, %select_n3A_349 masked %reduce_sum3A_351 : vector<16xi32>, vector<16xi1> -> vector<16xi32>
        %reduce_sum3A_353 = vector.extract %reduce_sum3A_352[15] : i32 from vector<16xi32>
        %mul3A_354 = arith.constant 0 : i32
        %mul3A_355 = vector.broadcast %mul3A_354 : i32 to vector<16xi32>
        %mul3A_356 = arith.muli %add3A_337, %mul3A_355 : vector<16xi32>
        %broadcast_in_dim3A_357 = vector.broadcast %reduce_sum3A_353 : i32 to vector<16xi32>
        %select_n3A_358 = arith.select %eq3A_340, %broadcast_in_dim3A_357, %mul3A_356 : vector<16xi1>, vector<16xi32>
        %add3A_359 = arith.addi %add3A_337, %select_n3A_358 : vector<16xi32>
        %eq3A_360 = arith.constant 7 : i32
        %eq3A_361 = vector.broadcast %eq3A_360 : i32 to vector<16xi32>
        %eq3A_362 = arith.cmpi eq, %iota3A, %eq3A_361 : vector<16xi32>
        %eq3A_363 = arith.constant 7 : i32
        %eq3A_364 = vector.broadcast %eq3A_363 : i32 to vector<16xi32>
        %eq3A_365 = arith.cmpi eq, %and3A_204, %eq3A_364 : vector<16xi32>
        %and3A_366 = arith.andi %lt3A_196, %eq3A_365 : vector<16xi1>
        %jit3A_367 = arith.constant 1 : i32
        %jit3A_368 = arith.constant 0 : i32
        %broadcast_in_dim3A_369 = vector.broadcast %jit3A_367 : i32 to vector<16xi32>
        %broadcast_in_dim3A_370 = vector.broadcast %jit3A_368 : i32 to vector<16xi32>
        %select_n3A_371 = arith.select %and3A_366, %broadcast_in_dim3A_369, %broadcast_in_dim3A_370 : vector<16xi1>, vector<16xi32>
        %reduce_sum3A_372 = arith.constant true
        %reduce_sum3A_373 = vector.broadcast %reduce_sum3A_372 : i1 to vector<16xi1>
        %reduce_sum3A_374 = tpu.scan <sum>, %select_n3A_371 masked %reduce_sum3A_373 : vector<16xi32>, vector<16xi1> -> vector<16xi32>
        %reduce_sum3A_375 = vector.extract %reduce_sum3A_374[15] : i32 from vector<16xi32>
        %mul3A_376 = arith.constant 0 : i32
        %mul3A_377 = vector.broadcast %mul3A_376 : i32 to vector<16xi32>
        %mul3A_378 = arith.muli %add3A_359, %mul3A_377 : vector<16xi32>
        %broadcast_in_dim3A_379 = vector.broadcast %reduce_sum3A_375 : i32 to vector<16xi32>
        %select_n3A_380 = arith.select %eq3A_362, %broadcast_in_dim3A_379, %mul3A_378 : vector<16xi1>, vector<16xi32>
        %add3A_381 = arith.addi %add3A_359, %select_n3A_380 : vector<16xi32>
        %mul3A_382 = arith.constant 16 : i32
        %mul3A_383 = arith.muli %while3A_184, %mul3A_382 : i32
        %add3A_384 = arith.constant 1 : i32
        %add3A_385 = arith.addi %while3A_184, %add3A_384 : i32
        %mul3A_386 = arith.constant 16 : i32
        %mul3A_387 = arith.muli %add3A_385, %mul3A_386 : i32
        %min3A = arith.minsi %while3A_132, %mul3A_387 : i32
        %while3A_388 = arith.constant 0 : i32
        %while3A_389 = arith.subi %min3A, %mul3A_383 : i32
        %while3A_390 = arith.addi %mul3A_383, %while3A_389 : i32
        %while3A_391 = arith.constant 1 : i32
        %while3A_392 = arith.divsi %while3A_389, %while3A_391 : i32
        %while3A_393 = arith.muli %while3A_392, %while3A_391 : i32
        %while3A_394 = arith.addi %mul3A_383, %while3A_393 : i32
        %while3A_395 = arith.constant 1 : i32
        %while3A_396 = scf.for %while3A_399 = %mul3A_383 to %while3A_394 step %while3A_395 iter_args(%while3A_400 = %while3A_388) -> (i32)  : i32 {
          %mul3A_401 = arith.constant 16 : i32
          %mul3A_402 = arith.muli %while3A_184, %mul3A_401 : i32
          %sub3A = arith.subi %while3A_399, %mul3A_402 : i32
          %eq3A_403 = vector.broadcast %sub3A : i32 to vector<16xi32>
          %eq3A_404 = arith.cmpi eq, %iota3A, %eq3A_403 : vector<16xi32>
          %jit3A_405 = arith.constant 0 : i32
          %broadcast_in_dim3A_406 = vector.broadcast %jit3A_405 : i32 to vector<16xi32>
          %select_n3A_407 = arith.select %eq3A_404, %and3A_198, %broadcast_in_dim3A_406 : vector<16xi1>, vector<16xi32>
          %reduce_sum3A_408 = arith.constant true
          %reduce_sum3A_409 = vector.broadcast %reduce_sum3A_408 : i1 to vector<16xi1>
          %reduce_sum3A_410 = tpu.scan <sum>, %select_n3A_407 masked %reduce_sum3A_409 : vector<16xi32>, vector<16xi1> -> vector<16xi32>
          %reduce_sum3A_411 = vector.extract %reduce_sum3A_410[15] : i32 from vector<16xi32>
          %mul3A_412 = arith.constant 16 : i32
          %mul3A_413 = arith.muli %while3A_184, %mul3A_412 : i32
          %sub3A_414 = arith.subi %while3A_399, %mul3A_413 : i32
          %eq3A_415 = vector.broadcast %sub3A_414 : i32 to vector<16xi32>
          %eq3A_416 = arith.cmpi eq, %iota3A, %eq3A_415 : vector<16xi32>
          %jit3A_417 = arith.constant 0 : i32
          %broadcast_in_dim3A_418 = vector.broadcast %jit3A_417 : i32 to vector<16xi32>
          %select_n3A_419 = arith.select %eq3A_416, %and3A_204, %broadcast_in_dim3A_418 : vector<16xi1>, vector<16xi32>
          %reduce_sum3A_420 = arith.constant true
          %reduce_sum3A_421 = vector.broadcast %reduce_sum3A_420 : i1 to vector<16xi1>
          %reduce_sum3A_422 = tpu.scan <sum>, %select_n3A_419 masked %reduce_sum3A_421 : vector<16xi32>, vector<16xi1> -> vector<16xi32>
          %reduce_sum3A_423 = vector.extract %reduce_sum3A_422[15] : i32 from vector<16xi32>
          %dma_start3A_424 = arith.constant 0 : i32
          %dma_start3A_425 = tpu.memref_slice %arg14[%reduce_sum3A_423, %dma_start3A_424] : memref<8x4096xf32, #tpu.memory_space<vmem>> -> memref<1x4096xf32, #tpu.memory_space<vmem>>
          %dma_start3A_426 = arith.constant 0 : i32
          %dma_start3A_427 = tpu.memref_slice %arg5[%reduce_sum3A_411, %dma_start3A_426] : memref<16384x4096xf32, #tpu.memory_space<hbm>> -> memref<1x4096xf32, #tpu.memory_space<hbm>>
          %dma_start3A_428 = arith.constant 0 : i32
          %dma_start3A_429 = tpu.memref_slice %arg5[%reduce_sum3A_411, %dma_start3A_428] : memref<16384x4096xf32, #tpu.memory_space<hbm>> -> memref<1x4096xf32, #tpu.memory_space<hbm>>
          %dma_start3A_430 = arith.constant 0 : i32
          %dma_start3A_431 = tpu.memref_slice %arg14[%reduce_sum3A_423, %dma_start3A_430] : memref<8x4096xf32, #tpu.memory_space<vmem>> -> memref<1x4096xf32, #tpu.memory_space<vmem>>
          tpu.enqueue_dma source(%dma_start3A_431 : memref<1x4096xf32, #tpu.memory_space<vmem>>) target(%dma_start3A_429 : memref<1x4096xf32, #tpu.memory_space<hbm>>) target_semaphore(%arg21 : memref<!tpu.dma_semaphore, #tpu.memory_space<semaphore_mem>>)
          %while3A_432 = arith.constant 0 : i32
          scf.yield %while3A_432 : i32
        }
        %while3A_397 = arith.constant 1 : i32
        %while3A_398 = scf.for %while3A_399 = %while3A_394 to %while3A_390 step %while3A_397 iter_args(%while3A_400 = %while3A_396) -> (i32)  : i32 {
          %mul3A_401 = arith.constant 16 : i32
          %mul3A_402 = arith.muli %while3A_184, %mul3A_401 : i32
          %sub3A = arith.subi %while3A_399, %mul3A_402 : i32
          %eq3A_403 = vector.broadcast %sub3A : i32 to vector<16xi32>
          %eq3A_404 = arith.cmpi eq, %iota3A, %eq3A_403 : vector<16xi32>
          %jit3A_405 = arith.constant 0 : i32
          %broadcast_in_dim3A_406 = vector.broadcast %jit3A_405 : i32 to vector<16xi32>
          %select_n3A_407 = arith.select %eq3A_404, %and3A_198, %broadcast_in_dim3A_406 : vector<16xi1>, vector<16xi32>
          %reduce_sum3A_408 = arith.constant true
          %reduce_sum3A_409 = vector.broadcast %reduce_sum3A_408 : i1 to vector<16xi1>
          %reduce_sum3A_410 = tpu.scan <sum>, %select_n3A_407 masked %reduce_sum3A_409 : vector<16xi32>, vector<16xi1> -> vector<16xi32>
          %reduce_sum3A_411 = vector.extract %reduce_sum3A_410[15] : i32 from vector<16xi32>
          %mul3A_412 = arith.constant 16 : i32
          %mul3A_413 = arith.muli %while3A_184, %mul3A_412 : i32
          %sub3A_414 = arith.subi %while3A_399, %mul3A_413 : i32
          %eq3A_415 = vector.broadcast %sub3A_414 : i32 to vector<16xi32>
          %eq3A_416 = arith.cmpi eq, %iota3A, %eq3A_415 : vector<16xi32>
          %jit3A_417 = arith.constant 0 : i32
          %broadcast_in_dim3A_418 = vector.broadcast %jit3A_417 : i32 to vector<16xi32>
          %select_n3A_419 = arith.select %eq3A_416, %and3A_204, %broadcast_in_dim3A_418 : vector<16xi1>, vector<16xi32>
          %reduce_sum3A_420 = arith.constant true
          %reduce_sum3A_421 = vector.broadcast %reduce_sum3A_420 : i1 to vector<16xi1>
          %reduce_sum3A_422 = tpu.scan <sum>, %select_n3A_419 masked %reduce_sum3A_421 : vector<16xi32>, vector<16xi1> -> vector<16xi32>
          %reduce_sum3A_423 = vector.extract %reduce_sum3A_422[15] : i32 from vector<16xi32>
          %dma_start3A_424 = arith.constant 0 : i32
          %dma_start3A_425 = tpu.memref_slice %arg14[%reduce_sum3A_423, %dma_start3A_424] : memref<8x4096xf32, #tpu.memory_space<vmem>> -> memref<1x4096xf32, #tpu.memory_space<vmem>>
          %dma_start3A_426 = arith.constant 0 : i32
          %dma_start3A_427 = tpu.memref_slice %arg5[%reduce_sum3A_411, %dma_start3A_426] : memref<16384x4096xf32, #tpu.memory_space<hbm>> -> memref<1x4096xf32, #tpu.memory_space<hbm>>
          %dma_start3A_428 = arith.constant 0 : i32
          %dma_start3A_429 = tpu.memref_slice %arg5[%reduce_sum3A_411, %dma_start3A_428] : memref<16384x4096xf32, #tpu.memory_space<hbm>> -> memref<1x4096xf32, #tpu.memory_space<hbm>>
          %dma_start3A_430 = arith.constant 0 : i32
          %dma_start3A_431 = tpu.memref_slice %arg14[%reduce_sum3A_423, %dma_start3A_430] : memref<8x4096xf32, #tpu.memory_space<vmem>> -> memref<1x4096xf32, #tpu.memory_space<vmem>>
          tpu.enqueue_dma source(%dma_start3A_431 : memref<1x4096xf32, #tpu.memory_space<vmem>>) target(%dma_start3A_429 : memref<1x4096xf32, #tpu.memory_space<hbm>>) target_semaphore(%arg21 : memref<!tpu.dma_semaphore, #tpu.memory_space<semaphore_mem>>)
          %while3A_432 = arith.constant 0 : i32
          scf.yield %while3A_432 : i32
        }
        scf.yield %add3A_207, %add3A_381 : vector<16xf32>, vector<16xi32>
      }
      %while3A_176 = arith.constant 1 : i32
      %while3A_177:2 = scf.for %while3A_184 = %while3A_173 to %while3A_169 step %while3A_176 iter_args(%while3A_185 = %while3A_175#0, %while3A_186 = %while3A_175#1) -> (vector<16xf32>, vector<16xi32>)  : i32 {
        %mul3A_187 = arith.constant 16 : i32
        %mul3A_188 = arith.muli %while3A_184, %mul3A_187 : i32
        %get3A_189 = arith.index_cast %mul3A_188 : i32 to index
        %get3A_190 = tpu.vector_load %arg12[%get3A_189] {strides = array<i32>} : memref<16384xi32, #tpu.memory_space<vmem>>, vector<16xi32>,
        %mul3A_191 = arith.constant 16 : i32
        %mul3A_192 = arith.muli %while3A_184, %mul3A_191 : i32
        %add3A_193 = vector.broadcast %mul3A_192 : i32 to vector<16xi32>
        %add3A_194 = arith.addi %add3A_193, %iota3A : vector<16xi32>
        %lt3A_195 = vector.broadcast %while3A_132 : i32 to vector<16xi32>
        %lt3A_196 = arith.cmpi slt, %add3A_194, %lt3A_195 : vector<16xi32>
        %and3A = arith.constant 16383 : i32
        %and3A_197 = vector.broadcast %and3A : i32 to vector<16xi32>
        %and3A_198 = arith.andi %get3A_190, %and3A_197 : vector<16xi32>
        %shift_right_arithmetic3A_199 = arith.constant 14 : i32
        %shift_right_arithmetic3A_200 = vector.broadcast %shift_right_arithmetic3A_199 : i32 to vector<16xi32>
        %shift_right_arithmetic3A_201 = arith.shrsi %get3A_190, %shift_right_arithmetic3A_200 : vector<16xi32>
        %and3A_202 = arith.constant 7 : i32
        %and3A_203 = vector.broadcast %and3A_202 : i32 to vector<16xi32>
        %and3A_204 = arith.andi %shift_right_arithmetic3A_201, %and3A_203 : vector<16xi32>
        %gather3A = tpu.vector_load_idx %arg10[%and3A_198] : memref<16384xi32, #tpu.memory_space<vmem>>[vector<16xi32>], vector<16xi32>,
        %gather3A_205 = tpu.vector_load_idx %arg14[%and3A_204, %gather3A] : memref<8x4096xf32, #tpu.memory_space<vmem>>[vector<16xi32>, vector<16xi32>], vector<16xf32>,
        %jit3A = arith.constant 0.000000e+00 : f32
        %broadcast_in_dim3A_206 = vector.broadcast %jit3A : f32 to vector<16xf32>
        %select_n3A = arith.select %lt3A_196, %gather3A_205, %broadcast_in_dim3A_206 : vector<16xi1>, vector<16xf32>
        %add3A_207 = arith.addf %while3A_185, %select_n3A : vector<16xf32>
        %eq3A = arith.constant 0 : i32
        %eq3A_208 = vector.broadcast %eq3A : i32 to vector<16xi32>
        %eq3A_209 = arith.cmpi eq, %iota3A, %eq3A_208 : vector<16xi32>
        %eq3A_210 = arith.constant 0 : i32
        %eq3A_211 = vector.broadcast %eq3A_210 : i32 to vector<16xi32>
        %eq3A_212 = arith.cmpi eq, %and3A_204, %eq3A_211 : vector<16xi32>
        %and3A_213 = arith.andi %lt3A_196, %eq3A_212 : vector<16xi1>
        %jit3A_214 = arith.constant 1 : i32
        %jit3A_215 = arith.constant 0 : i32
        %broadcast_in_dim3A_216 = vector.broadcast %jit3A_214 : i32 to vector<16xi32>
        %broadcast_in_dim3A_217 = vector.broadcast %jit3A_215 : i32 to vector<16xi32>
        %select_n3A_218 = arith.select %and3A_213, %broadcast_in_dim3A_216, %broadcast_in_dim3A_217 : vector<16xi1>, vector<16xi32>
        %reduce_sum3A = arith.constant true
        %reduce_sum3A_219 = vector.broadcast %reduce_sum3A : i1 to vector<16xi1>
        %reduce_sum3A_220 = tpu.scan <sum>, %select_n3A_218 masked %reduce_sum3A_219 : vector<16xi32>, vector<16xi1> -> vector<16xi32>
        %reduce_sum3A_221 = vector.extract %reduce_sum3A_220[15] : i32 from vector<16xi32>
        %mul3A_222 = arith.constant 0 : i32
        %mul3A_223 = vector.broadcast %mul3A_222 : i32 to vector<16xi32>
        %mul3A_224 = arith.muli %while3A_186, %mul3A_223 : vector<16xi32>
        %broadcast_in_dim3A_225 = vector.broadcast %reduce_sum3A_221 : i32 to vector<16xi32>
        %select_n3A_226 = arith.select %eq3A_209, %broadcast_in_dim3A_225, %mul3A_224 : vector<16xi1>, vector<16xi32>
        %add3A_227 = arith.addi %while3A_186, %select_n3A_226 : vector<16xi32>
        %eq3A_228 = arith.constant 1 : i32
        %eq3A_229 = vector.broadcast %eq3A_228 : i32 to vector<16xi32>
        %eq3A_230 = arith.cmpi eq, %iota3A, %eq3A_229 : vector<16xi32>
        %eq3A_231 = arith.constant 1 : i32
        %eq3A_232 = vector.broadcast %eq3A_231 : i32 to vector<16xi32>
        %eq3A_233 = arith.cmpi eq, %and3A_204, %eq3A_232 : vector<16xi32>
        %and3A_234 = arith.andi %lt3A_196, %eq3A_233 : vector<16xi1>
        %jit3A_235 = arith.constant 1 : i32
        %jit3A_236 = arith.constant 0 : i32
        %broadcast_in_dim3A_237 = vector.broadcast %jit3A_235 : i32 to vector<16xi32>
        %broadcast_in_dim3A_238 = vector.broadcast %jit3A_236 : i32 to vector<16xi32>
        %select_n3A_239 = arith.select %and3A_234, %broadcast_in_dim3A_237, %broadcast_in_dim3A_238 : vector<16xi1>, vector<16xi32>
        %reduce_sum3A_240 = arith.constant true
        %reduce_sum3A_241 = vector.broadcast %reduce_sum3A_240 : i1 to vector<16xi1>
        %reduce_sum3A_242 = tpu.scan <sum>, %select_n3A_239 masked %reduce_sum3A_241 : vector<16xi32>, vector<16xi1> -> vector<16xi32>
        %reduce_sum3A_243 = vector.extract %reduce_sum3A_242[15] : i32 from vector<16xi32>
        %mul3A_244 = arith.constant 0 : i32
        %mul3A_245 = vector.broadcast %mul3A_244 : i32 to vector<16xi32>
        %mul3A_246 = arith.muli %add3A_227, %mul3A_245 : vector<16xi32>
        %broadcast_in_dim3A_247 = vector.broadcast %reduce_sum3A_243 : i32 to vector<16xi32>
        %select_n3A_248 = arith.select %eq3A_230, %broadcast_in_dim3A_247, %mul3A_246 : vector<16xi1>, vector<16xi32>
        %add3A_249 = arith.addi %add3A_227, %select_n3A_248 : vector<16xi32>
        %eq3A_250 = arith.constant 2 : i32
        %eq3A_251 = vector.broadcast %eq3A_250 : i32 to vector<16xi32>
        %eq3A_252 = arith.cmpi eq, %iota3A, %eq3A_251 : vector<16xi32>
        %eq3A_253 = arith.constant 2 : i32
        %eq3A_254 = vector.broadcast %eq3A_253 : i32 to vector<16xi32>
        %eq3A_255 = arith.cmpi eq, %and3A_204, %eq3A_254 : vector<16xi32>
        %and3A_256 = arith.andi %lt3A_196, %eq3A_255 : vector<16xi1>
        %jit3A_257 = arith.constant 1 : i32
        %jit3A_258 = arith.constant 0 : i32
        %broadcast_in_dim3A_259 = vector.broadcast %jit3A_257 : i32 to vector<16xi32>
        %broadcast_in_dim3A_260 = vector.broadcast %jit3A_258 : i32 to vector<16xi32>
        %select_n3A_261 = arith.select %and3A_256, %broadcast_in_dim3A_259, %broadcast_in_dim3A_260 : vector<16xi1>, vector<16xi32>
        %reduce_sum3A_262 = arith.constant true
        %reduce_sum3A_263 = vector.broadcast %reduce_sum3A_262 : i1 to vector<16xi1>
        %reduce_sum3A_264 = tpu.scan <sum>, %select_n3A_261 masked %reduce_sum3A_263 : vector<16xi32>, vector<16xi1> -> vector<16xi32>
        %reduce_sum3A_265 = vector.extract %reduce_sum3A_264[15] : i32 from vector<16xi32>
        %mul3A_266 = arith.constant 0 : i32
        %mul3A_267 = vector.broadcast %mul3A_266 : i32 to vector<16xi32>
        %mul3A_268 = arith.muli %add3A_249, %mul3A_267 : vector<16xi32>
        %broadcast_in_dim3A_269 = vector.broadcast %reduce_sum3A_265 : i32 to vector<16xi32>
        %select_n3A_270 = arith.select %eq3A_252, %broadcast_in_dim3A_269, %mul3A_268 : vector<16xi1>, vector<16xi32>
        %add3A_271 = arith.addi %add3A_249, %select_n3A_270 : vector<16xi32>
        %eq3A_272 = arith.constant 3 : i32
        %eq3A_273 = vector.broadcast %eq3A_272 : i32 to vector<16xi32>
        %eq3A_274 = arith.cmpi eq, %iota3A, %eq3A_273 : vector<16xi32>
        %eq3A_275 = arith.constant 3 : i32
        %eq3A_276 = vector.broadcast %eq3A_275 : i32 to vector<16xi32>
        %eq3A_277 = arith.cmpi eq, %and3A_204, %eq3A_276 : vector<16xi32>
        %and3A_278 = arith.andi %lt3A_196, %eq3A_277 : vector<16xi1>
        %jit3A_279 = arith.constant 1 : i32
        %jit3A_280 = arith.constant 0 : i32
        %broadcast_in_dim3A_281 = vector.broadcast %jit3A_279 : i32 to vector<16xi32>
        %broadcast_in_dim3A_282 = vector.broadcast %jit3A_280 : i32 to vector<16xi32>
        %select_n3A_283 = arith.select %and3A_278, %broadcast_in_dim3A_281, %broadcast_in_dim3A_282 : vector<16xi1>, vector<16xi32>
        %reduce_sum3A_284 = arith.constant true
        %reduce_sum3A_285 = vector.broadcast %reduce_sum3A_284 : i1 to vector<16xi1>
        %reduce_sum3A_286 = tpu.scan <sum>, %select_n3A_283 masked %reduce_sum3A_285 : vector<16xi32>, vector<16xi1> -> vector<16xi32>
        %reduce_sum3A_287 = vector.extract %reduce_sum3A_286[15] : i32 from vector<16xi32>
        %mul3A_288 = arith.constant 0 : i32
        %mul3A_289 = vector.broadcast %mul3A_288 : i32 to vector<16xi32>
        %mul3A_290 = arith.muli %add3A_271, %mul3A_289 : vector<16xi32>
        %broadcast_in_dim3A_291 = vector.broadcast %reduce_sum3A_287 : i32 to vector<16xi32>
        %select_n3A_292 = arith.select %eq3A_274, %broadcast_in_dim3A_291, %mul3A_290 : vector<16xi1>, vector<16xi32>
        %add3A_293 = arith.addi %add3A_271, %select_n3A_292 : vector<16xi32>
        %eq3A_294 = arith.constant 4 : i32
        %eq3A_295 = vector.broadcast %eq3A_294 : i32 to vector<16xi32>
        %eq3A_296 = arith.cmpi eq, %iota3A, %eq3A_295 : vector<16xi32>
        %eq3A_297 = arith.constant 4 : i32
        %eq3A_298 = vector.broadcast %eq3A_297 : i32 to vector<16xi32>
        %eq3A_299 = arith.cmpi eq, %and3A_204, %eq3A_298 : vector<16xi32>
        %and3A_300 = arith.andi %lt3A_196, %eq3A_299 : vector<16xi1>
        %jit3A_301 = arith.constant 1 : i32
        %jit3A_302 = arith.constant 0 : i32
        %broadcast_in_dim3A_303 = vector.broadcast %jit3A_301 : i32 to vector<16xi32>
        %broadcast_in_dim3A_304 = vector.broadcast %jit3A_302 : i32 to vector<16xi32>
        %select_n3A_305 = arith.select %and3A_300, %broadcast_in_dim3A_303, %broadcast_in_dim3A_304 : vector<16xi1>, vector<16xi32>
        %reduce_sum3A_306 = arith.constant true
        %reduce_sum3A_307 = vector.broadcast %reduce_sum3A_306 : i1 to vector<16xi1>
        %reduce_sum3A_308 = tpu.scan <sum>, %select_n3A_305 masked %reduce_sum3A_307 : vector<16xi32>, vector<16xi1> -> vector<16xi32>
        %reduce_sum3A_309 = vector.extract %reduce_sum3A_308[15] : i32 from vector<16xi32>
        %mul3A_310 = arith.constant 0 : i32
        %mul3A_311 = vector.broadcast %mul3A_310 : i32 to vector<16xi32>
        %mul3A_312 = arith.muli %add3A_293, %mul3A_311 : vector<16xi32>
        %broadcast_in_dim3A_313 = vector.broadcast %reduce_sum3A_309 : i32 to vector<16xi32>
        %select_n3A_314 = arith.select %eq3A_296, %broadcast_in_dim3A_313, %mul3A_312 : vector<16xi1>, vector<16xi32>
        %add3A_315 = arith.addi %add3A_293, %select_n3A_314 : vector<16xi32>
        %eq3A_316 = arith.constant 5 : i32
        %eq3A_317 = vector.broadcast %eq3A_316 : i32 to vector<16xi32>
        %eq3A_318 = arith.cmpi eq, %iota3A, %eq3A_317 : vector<16xi32>
        %eq3A_319 = arith.constant 5 : i32
        %eq3A_320 = vector.broadcast %eq3A_319 : i32 to vector<16xi32>
        %eq3A_321 = arith.cmpi eq, %and3A_204, %eq3A_320 : vector<16xi32>
        %and3A_322 = arith.andi %lt3A_196, %eq3A_321 : vector<16xi1>
        %jit3A_323 = arith.constant 1 : i32
        %jit3A_324 = arith.constant 0 : i32
        %broadcast_in_dim3A_325 = vector.broadcast %jit3A_323 : i32 to vector<16xi32>
        %broadcast_in_dim3A_326 = vector.broadcast %jit3A_324 : i32 to vector<16xi32>
        %select_n3A_327 = arith.select %and3A_322, %broadcast_in_dim3A_325, %broadcast_in_dim3A_326 : vector<16xi1>, vector<16xi32>
        %reduce_sum3A_328 = arith.constant true
        %reduce_sum3A_329 = vector.broadcast %reduce_sum3A_328 : i1 to vector<16xi1>
        %reduce_sum3A_330 = tpu.scan <sum>, %select_n3A_327 masked %reduce_sum3A_329 : vector<16xi32>, vector<16xi1> -> vector<16xi32>
        %reduce_sum3A_331 = vector.extract %reduce_sum3A_330[15] : i32 from vector<16xi32>
        %mul3A_332 = arith.constant 0 : i32
        %mul3A_333 = vector.broadcast %mul3A_332 : i32 to vector<16xi32>
        %mul3A_334 = arith.muli %add3A_315, %mul3A_333 : vector<16xi32>
        %broadcast_in_dim3A_335 = vector.broadcast %reduce_sum3A_331 : i32 to vector<16xi32>
        %select_n3A_336 = arith.select %eq3A_318, %broadcast_in_dim3A_335, %mul3A_334 : vector<16xi1>, vector<16xi32>
        %add3A_337 = arith.addi %add3A_315, %select_n3A_336 : vector<16xi32>
        %eq3A_338 = arith.constant 6 : i32
        %eq3A_339 = vector.broadcast %eq3A_338 : i32 to vector<16xi32>
        %eq3A_340 = arith.cmpi eq, %iota3A, %eq3A_339 : vector<16xi32>
        %eq3A_341 = arith.constant 6 : i32
        %eq3A_342 = vector.broadcast %eq3A_341 : i32 to vector<16xi32>
        %eq3A_343 = arith.cmpi eq, %and3A_204, %eq3A_342 : vector<16xi32>
        %and3A_344 = arith.andi %lt3A_196, %eq3A_343 : vector<16xi1>
        %jit3A_345 = arith.constant 1 : i32
        %jit3A_346 = arith.constant 0 : i32
        %broadcast_in_dim3A_347 = vector.broadcast %jit3A_345 : i32 to vector<16xi32>
        %broadcast_in_dim3A_348 = vector.broadcast %jit3A_346 : i32 to vector<16xi32>
        %select_n3A_349 = arith.select %and3A_344, %broadcast_in_dim3A_347, %broadcast_in_dim3A_348 : vector<16xi1>, vector<16xi32>
        %reduce_sum3A_350 = arith.constant true
        %reduce_sum3A_351 = vector.broadcast %reduce_sum3A_350 : i1 to vector<16xi1>
        %reduce_sum3A_352 = tpu.scan <sum>, %select_n3A_349 masked %reduce_sum3A_351 : vector<16xi32>, vector<16xi1> -> vector<16xi32>
        %reduce_sum3A_353 = vector.extract %reduce_sum3A_352[15] : i32 from vector<16xi32>
        %mul3A_354 = arith.constant 0 : i32
        %mul3A_355 = vector.broadcast %mul3A_354 : i32 to vector<16xi32>
        %mul3A_356 = arith.muli %add3A_337, %mul3A_355 : vector<16xi32>
        %broadcast_in_dim3A_357 = vector.broadcast %reduce_sum3A_353 : i32 to vector<16xi32>
        %select_n3A_358 = arith.select %eq3A_340, %broadcast_in_dim3A_357, %mul3A_356 : vector<16xi1>, vector<16xi32>
        %add3A_359 = arith.addi %add3A_337, %select_n3A_358 : vector<16xi32>
        %eq3A_360 = arith.constant 7 : i32
        %eq3A_361 = vector.broadcast %eq3A_360 : i32 to vector<16xi32>
        %eq3A_362 = arith.cmpi eq, %iota3A, %eq3A_361 : vector<16xi32>
        %eq3A_363 = arith.constant 7 : i32
        %eq3A_364 = vector.broadcast %eq3A_363 : i32 to vector<16xi32>
        %eq3A_365 = arith.cmpi eq, %and3A_204, %eq3A_364 : vector<16xi32>
        %and3A_366 = arith.andi %lt3A_196, %eq3A_365 : vector<16xi1>
        %jit3A_367 = arith.constant 1 : i32
        %jit3A_368 = arith.constant 0 : i32
        %broadcast_in_dim3A_369 = vector.broadcast %jit3A_367 : i32 to vector<16xi32>
        %broadcast_in_dim3A_370 = vector.broadcast %jit3A_368 : i32 to vector<16xi32>
        %select_n3A_371 = arith.select %and3A_366, %broadcast_in_dim3A_369, %broadcast_in_dim3A_370 : vector<16xi1>, vector<16xi32>
        %reduce_sum3A_372 = arith.constant true
        %reduce_sum3A_373 = vector.broadcast %reduce_sum3A_372 : i1 to vector<16xi1>
        %reduce_sum3A_374 = tpu.scan <sum>, %select_n3A_371 masked %reduce_sum3A_373 : vector<16xi32>, vector<16xi1> -> vector<16xi32>
        %reduce_sum3A_375 = vector.extract %reduce_sum3A_374[15] : i32 from vector<16xi32>
        %mul3A_376 = arith.constant 0 : i32
        %mul3A_377 = vector.broadcast %mul3A_376 : i32 to vector<16xi32>
        %mul3A_378 = arith.muli %add3A_359, %mul3A_377 : vector<16xi32>
        %broadcast_in_dim3A_379 = vector.broadcast %reduce_sum3A_375 : i32 to vector<16xi32>
        %select_n3A_380 = arith.select %eq3A_362, %broadcast_in_dim3A_379, %mul3A_378 : vector<16xi1>, vector<16xi32>
        %add3A_381 = arith.addi %add3A_359, %select_n3A_380 : vector<16xi32>
        %mul3A_382 = arith.constant 16 : i32
        %mul3A_383 = arith.muli %while3A_184, %mul3A_382 : i32
        %add3A_384 = arith.constant 1 : i32
        %add3A_385 = arith.addi %while3A_184, %add3A_384 : i32
        %mul3A_386 = arith.constant 16 : i32
        %mul3A_387 = arith.muli %add3A_385, %mul3A_386 : i32
        %min3A = arith.minsi %while3A_132, %mul3A_387 : i32
        %while3A_388 = arith.constant 0 : i32
        %while3A_389 = arith.subi %min3A, %mul3A_383 : i32
        %while3A_390 = arith.addi %mul3A_383, %while3A_389 : i32
        %while3A_391 = arith.constant 1 : i32
        %while3A_392 = arith.divsi %while3A_389, %while3A_391 : i32
        %while3A_393 = arith.muli %while3A_392, %while3A_391 : i32
        %while3A_394 = arith.addi %mul3A_383, %while3A_393 : i32
        %while3A_395 = arith.constant 1 : i32
        %while3A_396 = scf.for %while3A_399 = %mul3A_383 to %while3A_394 step %while3A_395 iter_args(%while3A_400 = %while3A_388) -> (i32)  : i32 {
          %mul3A_401 = arith.constant 16 : i32
          %mul3A_402 = arith.muli %while3A_184, %mul3A_401 : i32
          %sub3A = arith.subi %while3A_399, %mul3A_402 : i32
          %eq3A_403 = vector.broadcast %sub3A : i32 to vector<16xi32>
          %eq3A_404 = arith.cmpi eq, %iota3A, %eq3A_403 : vector<16xi32>
          %jit3A_405 = arith.constant 0 : i32
          %broadcast_in_dim3A_406 = vector.broadcast %jit3A_405 : i32 to vector<16xi32>
          %select_n3A_407 = arith.select %eq3A_404, %and3A_198, %broadcast_in_dim3A_406 : vector<16xi1>, vector<16xi32>
          %reduce_sum3A_408 = arith.constant true
          %reduce_sum3A_409 = vector.broadcast %reduce_sum3A_408 : i1 to vector<16xi1>
          %reduce_sum3A_410 = tpu.scan <sum>, %select_n3A_407 masked %reduce_sum3A_409 : vector<16xi32>, vector<16xi1> -> vector<16xi32>
          %reduce_sum3A_411 = vector.extract %reduce_sum3A_410[15] : i32 from vector<16xi32>
          %mul3A_412 = arith.constant 16 : i32
          %mul3A_413 = arith.muli %while3A_184, %mul3A_412 : i32
          %sub3A_414 = arith.subi %while3A_399, %mul3A_413 : i32
          %eq3A_415 = vector.broadcast %sub3A_414 : i32 to vector<16xi32>
          %eq3A_416 = arith.cmpi eq, %iota3A, %eq3A_415 : vector<16xi32>
          %jit3A_417 = arith.constant 0 : i32
          %broadcast_in_dim3A_418 = vector.broadcast %jit3A_417 : i32 to vector<16xi32>
          %select_n3A_419 = arith.select %eq3A_416, %and3A_204, %broadcast_in_dim3A_418 : vector<16xi1>, vector<16xi32>
          %reduce_sum3A_420 = arith.constant true
          %reduce_sum3A_421 = vector.broadcast %reduce_sum3A_420 : i1 to vector<16xi1>
          %reduce_sum3A_422 = tpu.scan <sum>, %select_n3A_419 masked %reduce_sum3A_421 : vector<16xi32>, vector<16xi1> -> vector<16xi32>
          %reduce_sum3A_423 = vector.extract %reduce_sum3A_422[15] : i32 from vector<16xi32>
          %dma_start3A_424 = arith.constant 0 : i32
          %dma_start3A_425 = tpu.memref_slice %arg14[%reduce_sum3A_423, %dma_start3A_424] : memref<8x4096xf32, #tpu.memory_space<vmem>> -> memref<1x4096xf32, #tpu.memory_space<vmem>>
          %dma_start3A_426 = arith.constant 0 : i32
          %dma_start3A_427 = tpu.memref_slice %arg5[%reduce_sum3A_411, %dma_start3A_426] : memref<16384x4096xf32, #tpu.memory_space<hbm>> -> memref<1x4096xf32, #tpu.memory_space<hbm>>
          %dma_start3A_428 = arith.constant 0 : i32
          %dma_start3A_429 = tpu.memref_slice %arg5[%reduce_sum3A_411, %dma_start3A_428] : memref<16384x4096xf32, #tpu.memory_space<hbm>> -> memref<1x4096xf32, #tpu.memory_space<hbm>>
          %dma_start3A_430 = arith.constant 0 : i32
          %dma_start3A_431 = tpu.memref_slice %arg14[%reduce_sum3A_423, %dma_start3A_430] : memref<8x4096xf32, #tpu.memory_space<vmem>> -> memref<1x4096xf32, #tpu.memory_space<vmem>>
          tpu.enqueue_dma source(%dma_start3A_431 : memref<1x4096xf32, #tpu.memory_space<vmem>>) target(%dma_start3A_429 : memref<1x4096xf32, #tpu.memory_space<hbm>>) target_semaphore(%arg21 : memref<!tpu.dma_semaphore, #tpu.memory_space<semaphore_mem>>)
          %while3A_432 = arith.constant 0 : i32
          scf.yield %while3A_432 : i32
        }
        %while3A_397 = arith.constant 1 : i32
        %while3A_398 = scf.for %while3A_399 = %while3A_394 to %while3A_390 step %while3A_397 iter_args(%while3A_400 = %while3A_396) -> (i32)  : i32 {
          %mul3A_401 = arith.constant 16 : i32
          %mul3A_402 = arith.muli %while3A_184, %mul3A_401 : i32
          %sub3A = arith.subi %while3A_399, %mul3A_402 : i32
          %eq3A_403 = vector.broadcast %sub3A : i32 to vector<16xi32>
          %eq3A_404 = arith.cmpi eq, %iota3A, %eq3A_403 : vector<16xi32>
          %jit3A_405 = arith.constant 0 : i32
          %broadcast_in_dim3A_406 = vector.broadcast %jit3A_405 : i32 to vector<16xi32>
          %select_n3A_407 = arith.select %eq3A_404, %and3A_198, %broadcast_in_dim3A_406 : vector<16xi1>, vector<16xi32>
          %reduce_sum3A_408 = arith.constant true
          %reduce_sum3A_409 = vector.broadcast %reduce_sum3A_408 : i1 to vector<16xi1>
          %reduce_sum3A_410 = tpu.scan <sum>, %select_n3A_407 masked %reduce_sum3A_409 : vector<16xi32>, vector<16xi1> -> vector<16xi32>
          %reduce_sum3A_411 = vector.extract %reduce_sum3A_410[15] : i32 from vector<16xi32>
          %mul3A_412 = arith.constant 16 : i32
          %mul3A_413 = arith.muli %while3A_184, %mul3A_412 : i32
          %sub3A_414 = arith.subi %while3A_399, %mul3A_413 : i32
          %eq3A_415 = vector.broadcast %sub3A_414 : i32 to vector<16xi32>
          %eq3A_416 = arith.cmpi eq, %iota3A, %eq3A_415 : vector<16xi32>
          %jit3A_417 = arith.constant 0 : i32
          %broadcast_in_dim3A_418 = vector.broadcast %jit3A_417 : i32 to vector<16xi32>
          %select_n3A_419 = arith.select %eq3A_416, %and3A_204, %broadcast_in_dim3A_418 : vector<16xi1>, vector<16xi32>
          %reduce_sum3A_420 = arith.constant true
          %reduce_sum3A_421 = vector.broadcast %reduce_sum3A_420 : i1 to vector<16xi1>
          %reduce_sum3A_422 = tpu.scan <sum>, %select_n3A_419 masked %reduce_sum3A_421 : vector<16xi32>, vector<16xi1> -> vector<16xi32>
          %reduce_sum3A_423 = vector.extract %reduce_sum3A_422[15] : i32 from vector<16xi32>
          %dma_start3A_424 = arith.constant 0 : i32
          %dma_start3A_425 = tpu.memref_slice %arg14[%reduce_sum3A_423, %dma_start3A_424] : memref<8x4096xf32, #tpu.memory_space<vmem>> -> memref<1x4096xf32, #tpu.memory_space<vmem>>
          %dma_start3A_426 = arith.constant 0 : i32
          %dma_start3A_427 = tpu.memref_slice %arg5[%reduce_sum3A_411, %dma_start3A_426] : memref<16384x4096xf32, #tpu.memory_space<hbm>> -> memref<1x4096xf32, #tpu.memory_space<hbm>>
          %dma_start3A_428 = arith.constant 0 : i32
          %dma_start3A_429 = tpu.memref_slice %arg5[%reduce_sum3A_411, %dma_start3A_428] : memref<16384x4096xf32, #tpu.memory_space<hbm>> -> memref<1x4096xf32, #tpu.memory_space<hbm>>
          %dma_start3A_430 = arith.constant 0 : i32
          %dma_start3A_431 = tpu.memref_slice %arg14[%reduce_sum3A_423, %dma_start3A_430] : memref<8x4096xf32, #tpu.memory_space<vmem>> -> memref<1x4096xf32, #tpu.memory_space<vmem>>
          tpu.enqueue_dma source(%dma_start3A_431 : memref<1x4096xf32, #tpu.memory_space<vmem>>) target(%dma_start3A_429 : memref<1x4096xf32, #tpu.memory_space<hbm>>) target_semaphore(%arg21 : memref<!tpu.dma_semaphore, #tpu.memory_space<semaphore_mem>>)
          %while3A_432 = arith.constant 0 : i32
          scf.yield %while3A_432 : i32
        }
        scf.yield %add3A_207, %add3A_381 : vector<16xf32>, vector<16xi32>
      }
      %swap3A_178 = arith.constant 0 : index
      %swap3A_179 = tpu.vector_load %arg17[%swap3A_178] {strides = array<i32>} : memref<16xf32, #tpu.memory_space<vmem>>, vector<16xf32>,
      tpu.vector_store %arg17[%swap3A_178], %while3A_177#0 {strides = array<i32>} : memref<16xf32, #tpu.memory_space<vmem>>, vector<16xf32>,
      %mul3A_180 = arith.constant 8 : i32
      %mul3A_181 = arith.muli %add3A_160, %mul3A_180 : i32
      %swap3A_182 = arith.index_cast %mul3A_181 : i32 to index
      %swap3A_183 = tpu.vector_load %arg16[%swap3A_182] {strides = array<i32>} : memref<144xi32, #tpu.memory_space<vmem>>, vector<16xi32>,
      tpu.vector_store %arg16[%swap3A_182], %while3A_177#1 {strides = array<i32>} : memref<144xi32, #tpu.memory_space<vmem>>, vector<16xi32>,
      scf.yield %while3A_132 : i32
    }
    %scan3A_27 = arith.constant 8 : i32
    %while3A = arith.constant 0 : i32
    %while3A_28 = arith.constant 0 : i32
    %while3A_29 = arith.subi %scan3A_26, %while3A : i32
    %while3A_30 = arith.addi %while3A, %while3A_29 : i32
    %while3A_31 = arith.constant 1 : i32
    %while3A_32 = arith.divsi %while3A_29, %while3A_31 : i32
    %while3A_33 = arith.muli %while3A_32, %while3A_31 : i32
    %while3A_34 = arith.addi %while3A, %while3A_33 : i32
    %while3A_35 = arith.constant 1 : i32
    %while3A_36 = scf.for %while3A_39 = %while3A to %while3A_34 step %while3A_35 iter_args(%while3A_40 = %while3A_28) -> (i32)  : i32 {
      %dma_wait3A = arith.constant 0 : i32
      %dma_wait3A_41 = arith.constant 0 : i32
      %dma_wait3A_42 = tpu.memref_slice %arg14[%dma_wait3A, %dma_wait3A_41] : memref<8x4096xf32, #tpu.memory_space<vmem>> -> memref<1x4096xf32, #tpu.memory_space<vmem>>
      %dma_wait3A_43 = arith.constant 0 : i32
      %dma_wait3A_44 = arith.constant 0 : i32
      %dma_wait3A_45 = tpu.memref_slice %arg5[%dma_wait3A_43, %dma_wait3A_44] : memref<16384x4096xf32, #tpu.memory_space<hbm>> -> memref<1x4096xf32, #tpu.memory_space<hbm>>
      %dma_wait3A_46 = arith.constant 0 : i32
      %dma_wait3A_47 = arith.constant 0 : i32
      %dma_wait3A_48 = tpu.memref_slice %arg5[%dma_wait3A_46, %dma_wait3A_47] : memref<16384x4096xf32, #tpu.memory_space<hbm>> -> memref<1x4096xf32, #tpu.memory_space<hbm>>
      %dma_wait3A_49 = arith.constant 0 : i32
      %dma_wait3A_50 = arith.constant 0 : i32
      %dma_wait3A_51 = tpu.memref_slice %arg14[%dma_wait3A_49, %dma_wait3A_50] : memref<8x4096xf32, #tpu.memory_space<vmem>> -> memref<1x4096xf32, #tpu.memory_space<vmem>>
      tpu.wait_dma2 semaphore(%arg21 : memref<!tpu.dma_semaphore, #tpu.memory_space<semaphore_mem>>) src(%dma_wait3A_51 : memref<1x4096xf32, #tpu.memory_space<vmem>>) dst(%dma_wait3A_48 : memref<1x4096xf32, #tpu.memory_space<hbm>>)
      %while3A_52 = arith.constant 0 : i32
      scf.yield %while3A_52 : i32
    }
    %while3A_37 = arith.constant 1 : i32
    %while3A_38 = scf.for %while3A_39 = %while3A_34 to %while3A_30 step %while3A_37 iter_args(%while3A_40 = %while3A_36) -> (i32)  : i32 {
      %dma_wait3A = arith.constant 0 : i32
      %dma_wait3A_41 = arith.constant 0 : i32
      %dma_wait3A_42 = tpu.memref_slice %arg14[%dma_wait3A, %dma_wait3A_41] : memref<8x4096xf32, #tpu.memory_space<vmem>> -> memref<1x4096xf32, #tpu.memory_space<vmem>>
      %dma_wait3A_43 = arith.constant 0 : i32
      %dma_wait3A_44 = arith.constant 0 : i32
      %dma_wait3A_45 = tpu.memref_slice %arg5[%dma_wait3A_43, %dma_wait3A_44] : memref<16384x4096xf32, #tpu.memory_space<hbm>> -> memref<1x4096xf32, #tpu.memory_space<hbm>>
      %dma_wait3A_46 = arith.constant 0 : i32
      %dma_wait3A_47 = arith.constant 0 : i32
      %dma_wait3A_48 = tpu.memref_slice %arg5[%dma_wait3A_46, %dma_wait3A_47] : memref<16384x4096xf32, #tpu.memory_space<hbm>> -> memref<1x4096xf32, #tpu.memory_space<hbm>>
      %dma_wait3A_49 = arith.constant 0 : i32
      %dma_wait3A_50 = arith.constant 0 : i32
      %dma_wait3A_51 = tpu.memref_slice %arg14[%dma_wait3A_49, %dma_wait3A_50] : memref<8x4096xf32, #tpu.memory_space<vmem>> -> memref<1x4096xf32, #tpu.memory_space<vmem>>
      tpu.wait_dma2 semaphore(%arg21 : memref<!tpu.dma_semaphore, #tpu.memory_space<semaphore_mem>>) src(%dma_wait3A_51 : memref<1x4096xf32, #tpu.memory_space<vmem>>) dst(%dma_wait3A_48 : memref<1x4096xf32, #tpu.memory_space<hbm>>)
      %while3A_52 = arith.constant 0 : i32
      scf.yield %while3A_52 : i32
    }
    "tpu.region"() ({
      %run_scoped3A = tpu.sem_alloc : memref<!tpu.dma_semaphore, #tpu.memory_space<semaphore_mem>>
      %dma_start3A_39 = arith.constant 0 : i32
      %dma_start3A_40 = tpu.memref_slice %arg15[%dma_start3A_39] : memref<144xf32, #tpu.memory_space<vmem>> -> memref<128xf32, #tpu.memory_space<vmem>>
      %dma_start3A_41 = tpu.memref_slice %arg6[%mul3A_2] : memref<4096xf32, #tpu.memory_space<hbm>> -> memref<128xf32, #tpu.memory_space<hbm>>
      %dma_start3A_42 = tpu.memref_slice %arg6[%mul3A_2] : memref<4096xf32, #tpu.memory_space<hbm>> -> memref<128xf32, #tpu.memory_space<hbm>>
      %dma_start3A_43 = arith.constant 0 : i32
      %dma_start3A_44 = tpu.memref_slice %arg15[%dma_start3A_43] : memref<144xf32, #tpu.memory_space<vmem>> -> memref<128xf32, #tpu.memory_space<vmem>>
      tpu.enqueue_dma source(%dma_start3A_44 : memref<128xf32, #tpu.memory_space<vmem>>) target(%dma_start3A_42 : memref<128xf32, #tpu.memory_space<hbm>>) target_semaphore(%run_scoped3A : memref<!tpu.dma_semaphore, #tpu.memory_space<semaphore_mem>>)
      %dma_wait3A = arith.constant 0 : i32
      %dma_wait3A_45 = tpu.memref_slice %arg15[%dma_wait3A] : memref<144xf32, #tpu.memory_space<vmem>> -> memref<128xf32, #tpu.memory_space<vmem>>
      %dma_wait3A_46 = tpu.memref_slice %arg6[%mul3A_2] : memref<4096xf32, #tpu.memory_space<hbm>> -> memref<128xf32, #tpu.memory_space<hbm>>
      %dma_wait3A_47 = tpu.memref_slice %arg6[%mul3A_2] : memref<4096xf32, #tpu.memory_space<hbm>> -> memref<128xf32, #tpu.memory_space<hbm>>
      %dma_wait3A_48 = arith.constant 0 : i32
      %dma_wait3A_49 = tpu.memref_slice %arg15[%dma_wait3A_48] : memref<144xf32, #tpu.memory_space<vmem>> -> memref<128xf32, #tpu.memory_space<vmem>>
      tpu.wait_dma2 semaphore(%run_scoped3A : memref<!tpu.dma_semaphore, #tpu.memory_space<semaphore_mem>>) src(%dma_wait3A_49 : memref<128xf32, #tpu.memory_space<vmem>>) dst(%dma_wait3A_47 : memref<128xf32, #tpu.memory_space<hbm>>)
      tpu.yield
    }) : () -> ()
    "tpu.region"() ({
      %run_scoped3A = tpu.sem_alloc : memref<!tpu.dma_semaphore, #tpu.memory_space<semaphore_mem>>
      %dma_start3A_39 = arith.constant 0 : i32
      %dma_start3A_40 = tpu.memref_slice %arg16[%dma_start3A_39] : memref<144xi32, #tpu.memory_space<vmem>> -> memref<128xi32, #tpu.memory_space<vmem>>
      %dma_start3A_41 = tpu.memref_slice %arg7[%mul3A_2] : memref<4096xi32, #tpu.memory_space<hbm>> -> memref<128xi32, #tpu.memory_space<hbm>>
      %dma_start3A_42 = tpu.memref_slice %arg7[%mul3A_2] : memref<4096xi32, #tpu.memory_space<hbm>> -> memref<128xi32, #tpu.memory_space<hbm>>
      %dma_start3A_43 = arith.constant 0 : i32
      %dma_start3A_44 = tpu.memref_slice %arg16[%dma_start3A_43] : memref<144xi32, #tpu.memory_space<vmem>> -> memref<128xi32, #tpu.memory_space<vmem>>
      tpu.enqueue_dma source(%dma_start3A_44 : memref<128xi32, #tpu.memory_space<vmem>>) target(%dma_start3A_42 : memref<128xi32, #tpu.memory_space<hbm>>) target_semaphore(%run_scoped3A : memref<!tpu.dma_semaphore, #tpu.memory_space<semaphore_mem>>)
      %dma_wait3A = arith.constant 0 : i32
      %dma_wait3A_45 = tpu.memref_slice %arg16[%dma_wait3A] : memref<144xi32, #tpu.memory_space<vmem>> -> memref<128xi32, #tpu.memory_space<vmem>>
      %dma_wait3A_46 = tpu.memref_slice %arg7[%mul3A_2] : memref<4096xi32, #tpu.memory_space<hbm>> -> memref<128xi32, #tpu.memory_space<hbm>>
      %dma_wait3A_47 = tpu.memref_slice %arg7[%mul3A_2] : memref<4096xi32, #tpu.memory_space<hbm>> -> memref<128xi32, #tpu.memory_space<hbm>>
      %dma_wait3A_48 = arith.constant 0 : i32
      %dma_wait3A_49 = tpu.memref_slice %arg16[%dma_wait3A_48] : memref<144xi32, #tpu.memory_space<vmem>> -> memref<128xi32, #tpu.memory_space<vmem>>
      tpu.wait_dma2 semaphore(%run_scoped3A : memref<!tpu.dma_semaphore, #tpu.memory_space<semaphore_mem>>) src(%dma_wait3A_49 : memref<128xi32, #tpu.memory_space<vmem>>) dst(%dma_wait3A_47 : memref<128xi32, #tpu.memory_space<hbm>>)
      tpu.yield
    }) : () -> ()
    "tpu.region"() ({
      %run_scoped3A = tpu.sem_alloc : memref<!tpu.dma_semaphore, #tpu.memory_space<semaphore_mem>>
      %dma_start3A_39 = arith.constant 0 : i32
      %dma_start3A_40 = tpu.memref_slice %arg8[%add3A, %dma_start3A_39] : memref<32x16xf32, #tpu.memory_space<hbm>> -> memref<1x16xf32, #tpu.memory_space<hbm>>
      %dma_start3A_41 = tpu.memref_squeeze %dma_start3A_40 : memref<1x16xf32, #tpu.memory_space<hbm>> -> memref<16xf32, #tpu.memory_space<hbm>>
      %dma_start3A_42 = arith.constant 0 : i32
      %dma_start3A_43 = tpu.memref_slice %arg8[%add3A, %dma_start3A_42] : memref<32x16xf32, #tpu.memory_space<hbm>> -> memref<1x16xf32, #tpu.memory_space<hbm>>
      %dma_start3A_44 = tpu.memref_squeeze %dma_start3A_43 : memref<1x16xf32, #tpu.memory_space<hbm>> -> memref<16xf32, #tpu.memory_space<hbm>>
      tpu.enqueue_dma source(%arg17 : memref<16xf32, #tpu.memory_space<vmem>>) target(%dma_start3A_44 : memref<16xf32, #tpu.memory_space<hbm>>) target_semaphore(%run_scoped3A : memref<!tpu.dma_semaphore, #tpu.memory_space<semaphore_mem>>)
      %dma_wait3A = arith.constant 0 : i32
      %dma_wait3A_45 = tpu.memref_slice %arg8[%add3A, %dma_wait3A] : memref<32x16xf32, #tpu.memory_space<hbm>> -> memref<1x16xf32, #tpu.memory_space<hbm>>
      %dma_wait3A_46 = tpu.memref_squeeze %dma_wait3A_45 : memref<1x16xf32, #tpu.memory_space<hbm>> -> memref<16xf32, #tpu.memory_space<hbm>>
      %dma_wait3A_47 = arith.constant 0 : i32
      %dma_wait3A_48 = tpu.memref_slice %arg8[%add3A, %dma_wait3A_47] : memref<32x16xf32, #tpu.memory_space<hbm>> -> memref<1x16xf32, #tpu.memory_space<hbm>>
      %dma_wait3A_49 = tpu.memref_squeeze %dma_wait3A_48 : memref<1x16xf32, #tpu.memory_space<hbm>> -> memref<16xf32, #tpu.memory_space<hbm>>
      tpu.wait_dma2 semaphore(%run_scoped3A : memref<!tpu.dma_semaphore, #tpu.memory_space<semaphore_mem>>) src(%arg17 : memref<16xf32, #tpu.memory_space<vmem>>) dst(%dma_wait3A_49 : memref<16xf32, #tpu.memory_space<hbm>>)
      tpu.yield
    }) : () -> ()
    return
  }
}

module attributes {stable_mosaic.version = 14 : i64} {
  func.func @_finalize_body(%arg0: memref<32x128xf32, #tpu.memory_space<vmem>>, %arg1: memref<32x128xi32, #tpu.memory_space<vmem>>, %arg2: memref<32x16xf32, #tpu.memory_space<vmem>>, %arg3: memref<1x1xf32, #tpu.memory_space<smem>>) attributes {dimension_semantics = [], scalar_prefetch = 0 : i64, scratch_operands = 0 : i64, tpu.core_type = #tpu.core_type<tc>} {
    %get3A = arith.constant 0 : index
    %get3A_0 = arith.constant 0 : index
    %get3A_1 = vector.load %arg1[%get3A, %get3A_0] : memref<32x128xi32, #tpu.memory_space<vmem>>, vector<32x128xi32>
    %convert_element_type3A = arith.sitofp %get3A_1 : vector<32x128xi32> to vector<32x128xf32>
    %get3A_2 = arith.constant 0 : index
    %get3A_3 = arith.constant 0 : index
    %get3A_4 = vector.load %arg0[%get3A_2, %get3A_3] : memref<32x128xf32, #tpu.memory_space<vmem>>, vector<32x128xf32>
    %log3A = math.log %get3A_4 : vector<32x128xf32>
    %mul3A = arith.mulf %convert_element_type3A, %log3A : vector<32x128xf32>
    %reduce_sum3A = vector.shape_cast %mul3A : vector<32x128xf32> to vector<1x32x128xf32>
    %reduce_sum3A_5 = arith.constant dense<0.000000e+00> : vector<1xf32>
    %reduce_sum3A_6 = vector.multi_reduction <add>, %reduce_sum3A, %reduce_sum3A_5 [1, 2] : vector<1x32x128xf32> to vector<1xf32>
    %reduce_sum3A_7 = vector.shape_cast %reduce_sum3A_6 : vector<1xf32> to vector<1x1x1xf32>
    %reduce_sum3A_8 = vector.extract %reduce_sum3A_7[0, 0, 0] : f32 from vector<1x1x1xf32>
    %get3A_9 = arith.constant 0 : index
    %get3A_10 = arith.constant 0 : index
    %get3A_11 = vector.load %arg2[%get3A_9, %get3A_10] : memref<32x16xf32, #tpu.memory_space<vmem>>, vector<32x16xf32>
    %reduce_sum3A_12 = vector.shape_cast %get3A_11 : vector<32x16xf32> to vector<1x32x16xf32>
    %reduce_sum3A_13 = arith.constant dense<0.000000e+00> : vector<1xf32>
    %reduce_sum3A_14 = vector.multi_reduction <add>, %reduce_sum3A_12, %reduce_sum3A_13 [1, 2] : vector<1x32x16xf32> to vector<1xf32>
    %reduce_sum3A_15 = vector.shape_cast %reduce_sum3A_14 : vector<1xf32> to vector<1x1x1xf32>
    %reduce_sum3A_16 = vector.extract %reduce_sum3A_15[0, 0, 0] : f32 from vector<1x1x1xf32>
    %sub3A = arith.subf %reduce_sum3A_8, %reduce_sum3A_16 : f32
    %mul3A_17 = arith.constant 6.10351563E-5 : f32
    %mul3A_18 = arith.mulf %sub3A, %mul3A_17 : f32
    %swap3A = arith.constant 0 : index
    %swap3A_19 = arith.constant 0 : index
    %swap3A_20 = memref.load %arg3[%swap3A, %swap3A_19] : memref<1x1xf32, #tpu.memory_space<smem>>
    memref.store %mul3A_18, %arg3[%swap3A, %swap3A_19] : memref<1x1xf32, #tpu.memory_space<smem>>
    return
  }
}

</mosaic_0001>

<sc_bundles>
// kernel: kernel.4.cloned.1.call-start
scs
__scs_entry_jumppad:
0x0: {  	(pc) =	sbr.rel $0x88, $3  }
0x1: {  	(tag) =	ssettag $0x0;
	lr =	simm.s32 $0x1  }
0x2: {  	[smem:$0x3F9E] =	sst lr;
	_ =	strace $0xD0000000  }
0x3: {  	_ = 	snop  }
0x4: {  	_ = 	snop  }
0x5: {  	_ = 	snop  }
0x6: {  	_ = 	snop  }
0x7: {  	_ = 	snop  }
__scs_overlays_trampoline_lowered:
0x8: {  	[smem:$0x3FAD] =	sst s0  }
0x9: {  	[smem:$0x3FAE] =	sst s1  }
0xa: {  	[smem:$0x3FAF] =	sst s2  }
0xb: {  	[smem:$0x3FB0] =	sst s3  }
0xc: {  	[smem:$0x3FB1] =	sst s4  }
0xd: {  	[smem:$0x3FB2] =	sst s5  }
0xe: {  	[smem:$0x3FB3] =	sst s6  }
0xf: {  	[smem:$0x3FB4] =	sst s7  }
0x10: {  	[smem:$0x3FB5] =	sst s8  }
0x11: {  	[smem:$0x3FB6] =	sst s9;
	s0 =	simm.s32 @!p0 $0x0  }
0x12: {  	s1 =	sld [smem:$0x3F9C];
	s0 =	simm.s32 @p0 $0x1  }
0x13: {  	[smem:$0x3FB7] =	sst s0;
	s0 =	simm.s32 @!p1 $0x0  }
0x14: {  	s2 =	sld [smem:$0x3F9B];
	s0 =	simm.s32 @p1 $0x1  }
0x15: {  	[smem:$0x3FB8] =	sst s0;
	s0 =	simm.s32 @!p2 $0x0  }
0x16: {  	s3 =	sld [smem:$0x3FDB];
	s0 =	simm.s32 @p2 $0x1  }
0x17: {  	s4 =	simm.s32 $0x1BF5;
	[smem:$0x3FBA] =	sst s0  }
0x18: {  	s0 =	sld [smem:$0x3F9D];
	_ =	swait.ge [sflag:s4], $0x0  }
0x19: {  	s7 =	sld [smem:$0x3F9E]  }
0x1a: {  	s8 =	sadd.s32 $0xFFFFE003, lr  }
0x1b: {  	s9 =	sadd.s32 $0xFFFFFEF7, lr;
	s5 =	simm.s32 $0xFFFFFFFF;
	p2 =	slt.u32 s8, $0xFFFFF086  }
0x1c: {  	p1 =	slt.u32 s9, $0xF7A;
	s5 =	simm.s32 @!p2 $0x0  }
0x1d: {  	s5 =	simm.s32 @p1 $0x1;
	p0 =	seq.s32 s7, s2  }
0x1e: {  	s7 =	smul.u32 @!p0 $0xF7A, s2;
	p2 =	seq.s32 @!p0 s5, $0x0  }
0x1f: {  	s9 =	smul.u32 $0xF7A, s1;
	s8 =	simm.s32 @!p0 $0x1BF5;
	p2 =	por !p2, p0  }
0x20: {  	[sflag:s8] =	ssyncset.s32 @!p0 $0xFFFFF086;
	s6 =	sadd.s32 @!p0 s3, s7;
	s7 =	simm.s32 @!p0 $0x108  }
0x21: {  	s3 =	sadd.s32 s3, s9;
	s6 =	sadd.s32 @!p0 $0x88, s6;
	s7 =	simm.s32 @p2 $0x1082  }
0x22: {  	[simem:s7], [sflag:s8] =	dma.local @!p0 [hbm:s6], $0xF7A  }
0x23: {  	s9 =	sor.u32 $0xD0000000, s2;
	s6 =	simm.s32 $0x108;
	_ =	swait.ge @!p0 [sflag:s8], $0x0  }
0x24: {  	s3 =	sadd.s32 $0x88, s3;
	s6 =	simm.s32 @!p1 $0x1082;
	[sflag:s4] =	ssyncset.s32 $0xFFFFF086  }
0x25: {  	[simem:s6], [sflag:s4] =	dma.local [hbm:s3], $0xF7A  }
0x26: {  	[smem:$0x3F9E] =	sst s1;
	(tag) =	ssettag s2;
	_ =	strace s9  }
0x27: {  	s1 =	sld [smem:$0x3FAE]  }
0x28: {  	s2 =	sld [smem:$0x3FAF]  }
0x29: {  	s4 =	sld [smem:$0x3FB1]  }
0x2a: {  	p0 =	seq.s32 s5, $0x0;
	s5 =	sld [smem:$0x3FB2]  }
0x2b: {  	s6 =	sld [smem:$0x3FB3]  }
0x2c: {  	s7 =	sld [smem:$0x3FB4]  }
0x2d: {  	s3 =	simm.s32 $0x108;
	s8 =	sld [smem:$0x3FB5]  }
0x2e: {  	s3 =	simm.s32 @!p0 $0x1082;
	s9 =	sld [smem:$0x3FB6]  }
0x2f: {  	lr =	sadd.s32 s0, s3;
	s0 =	sld [smem:$0x3FAD]  }
0x30: {  	s3 =	sld [smem:$0x3FB0]  }
0x31: {  	[smem:$0x3FB9] =	sst s10  }
0x32: {  	s10 =	sld [smem:$0x3FB7];
	_ =	sdelay $0x3  }
0x33: {  	p0 =	seq.s32 s10, $0x1;
	s10 =	sld [smem:$0x3FB9];
	_ =	sdelay $0x3  }
0x34: {  	[smem:$0x3FB9] =	sst s10  }
0x35: {  	s10 =	sld [smem:$0x3FB8];
	_ =	sdelay $0x3  }
0x36: {  	p1 =	seq.s32 s10, $0x1;
	s10 =	sld [smem:$0x3FB9];
	_ =	sdelay $0x3  }
0x37: {  	[smem:$0x3FB9] =	sst s10  }
0x38: {  	s10 =	sld [smem:$0x3FBA]  }
0x39: {  	_ = 	snop;
	(pc) =	sbr.ind lr, $3  }
0x3a: {  	_ = 	snop  }
0x3b: {  	_ = 	snop  }
0x3c: {  	p2 =	seq.s32 s10, $0x1;
	s10 =	sld [smem:$0x3FB9]  }
0x3d: {  	_ =	shalt  }
0x3e: {  	_ =	shalt  }
0x3f: {  	_ =	shalt  }
0x40: {  	_ =	shalt  }
0x41: {  	_ =	shalt  }
0x42: {  	_ =	shalt  }
0x43: {  	_ =	shalt  }
0x44: {  	_ =	shalt  }
0x45: {  	_ =	shalt  }
0x46: {  	_ =	shalt  }
0x47: {  	_ =	shalt  }
0x48: {  	_ =	shalt  }
0x49: {  	_ =	shalt  }
0x4a: {  	_ =	shalt  }
0x4b: {  	_ =	shalt  }
0x4c: {  	_ =	shalt  }
0x4d: {  	_ =	shalt  }
0x4e: {  	_ =	shalt  }
0x4f: {  	_ =	shalt  }
0x50: {  	_ =	shalt  }
0x51: {  	_ =	shalt  }
0x52: {  	_ =	shalt  }
0x53: {  	_ =	shalt  }
0x54: {  	_ =	shalt  }
0x55: {  	_ =	shalt  }
0x56: {  	_ =	shalt  }
0x57: {  	_ =	shalt  }
0x58: {  	_ =	shalt  }
0x59: {  	_ =	shalt  }
0x5a: {  	_ =	shalt  }
0x5b: {  	_ =	shalt  }
0x5c: {  	_ =	shalt  }
0x5d: {  	_ =	shalt  }
0x5e: {  	_ =	shalt  }
0x5f: {  	_ =	shalt  }
0x60: {  	_ =	shalt  }
0x61: {  	_ =	shalt  }
0x62: {  	_ =	shalt  }
0x63: {  	_ =	shalt  }
0x64: {  	_ =	shalt  }
0x65: {  	_ =	shalt  }
0x66: {  	_ =	shalt  }
0x67: {  	_ =	shalt  }
0x68: {  	_ =	shalt  }
0x69: {  	_ =	shalt  }
0x6a: {  	_ =	shalt  }
0x6b: {  	_ =	shalt  }
0x6c: {  	_ =	shalt  }
0x6d: {  	_ =	shalt  }
0x6e: {  	_ =	shalt  }
0x6f: {  	_ =	shalt  }
0x70: {  	_ =	shalt  }
0x71: {  	_ =	shalt  }
0x72: {  	_ =	shalt  }
0x73: {  	_ =	shalt  }
0x74: {  	_ =	shalt  }
0x75: {  	_ =	shalt  }
0x76: {  	_ =	shalt  }
0x77: {  	_ =	shalt  }
0x78: {  	_ =	shalt  }
0x79: {  	_ =	shalt  }
0x7a: {  	_ =	shalt  }
0x7b: {  	_ =	shalt  }
0x7c: {  	_ =	shalt  }
0x7d: {  	_ =	shalt  }
0x7e: {  	_ =	shalt  }
0x7f: {  	_ =	shalt  }
0x80: {  	_ =	shalt  }
0x81: {  	_ =	shalt  }
0x82: {  	_ =	shalt  }
0x83: {  	_ =	shalt  }
0x84: {  	_ =	shalt  }
0x85: {  	_ =	shalt  }
0x86: {  	_ =	shalt  }
0x87: {  	_ =	shalt  }
.Lfunc_end0:
.L_simem_size_0:
called_computation_lowered:
.L_overlay_start_0:
0x88: {  	s2 =	sld [smem:$0x3FD9]  }
0x89: {  	s3 =	sld [smem:$0x3FFE];
	_ =	sdelay $0x1  }
0x8a: {  	s1 =	srdreg.scid  }
0x8b: {  	s0 =	sand.u32 $0x1, s1  }
0x8c: {  	s14 =	sshll.u32 s0, $0xA;
	s2 =	sadd.s32 s3, s2  }
0x8d: {  	s2 =	sadd.s32 s2, s14  }
0x8e: {  	[smem:$0x3FC5] =	sst s2  }
0x8f: {  	_ = 	snop  }
0x90: {  	s2 =	sld [smem:$0x3FD0];
	_ =	sdelay $0x2  }
0x91: {  	s4 =	simm.s32 $0xA;
	s5 =	simm.s32 $0x10;
	s15 =	sld [smem:$0x3FC7]  }
0x92: {  	[smem:s5], [sflag:s4] =	dma.local [hbm:s2], $0x1  }
0x93: {  	_ =	swait.eq [sflag:s4], $0x1  }
0x94: {  	[sflag:s4] =	ssyncset.done $0x0  }
0x95: {  	[sflag:s4] =	ssyncadd.s32 $0xFFFFFFFF  }
0x96: {  	s16 =	sld [smem:$0x10];
	(tm) =	ssettm $0x1  }
0x97: {  	s17 =	sld [smem:$0x3FFB];
	_ =	sdelay $0x3  }
0x98: {  	_ =	strace s17  }
0x99: {  	s4 =	sld [smem:$0x3FFC];
	_ =	sdelay $0x3  }
0x9a: {  	_ =	strace s4  }
0x9b: {  	s4 =	sld [smem:$0x3FFD];
	_ =	sdelay $0x3  }
0x9c: {  	_ =	strace s4  }
0x9d: {  	_ =	strace $0x8FFFFFFF  }
0x9e: {  	s18 =	sld [smem:$0x3FDB];
	_ =	sdelay $0x1  }
0x9f: {  	s19 =	simm.s32 $_scs_section_size  }
0xa0: {  	s6 =	simm.s32 $_size__tile_overlayer_lowered;
	s7 =	simm.s32 $_tile_overlayer_lowered  }
0xa1: {  	s22 =	simm.s32 $0x1BFF;
	s21 =	sshll.u32 s7, $0x1;
	s4 =	sadd.s32 s19, s18  }
0xa2: {  	s8 =	simm.s32 $0x0;
	s20 =	sshll.u32 s6, $0x1;
	s6 =	sadd.s32 s21, s4  }
0xa3: {  	[timem:s8], [sflag:s22] =	dma.local [hbm:s6], s20  }
0xa4: {  	_ =	swait.ge [sflag:s22], s20  }
0xa5: {  	s5 =	ssub.s32 $0x0, s20;
	[sflag:s22] =	ssyncset.done $0x0  }
0xa6: {  	[sflag:s22] =	ssyncadd.s32 s5;
	_ =	sdelay $0x1  }
0xa7: {  	s23 =	simm.s32 $0x1B8B  }
0xa8: {  	_ =	swait.ge [sflag:s23], $0x1  }
0xa9: {  	[sflag:s23] =	ssyncset.done $0x0  }
0xaa: {  	s25 =	simm.s32 $0x1B8E;
	s24 =	sld [smem:$0x3FFE];
	[sflag:s23] =	ssyncadd.s32 $0xFFFFFFFF  }
0xab: {  	s26 =	simm.s32 $execute0_lowered;
	[smem:$0x3FD2] =	sst s25  }
0xac: {  	s6 =	sshll.u32 s26, $0x1;
	_ =	strace $0x80000046;
	[dreg:$0x1] =	wrdreg $0xFFFFFFFF  }
0xad: {  	s28 =	simm.s32 $_size_execute0_lowered;
	s4 =	sadd.s32 s4, s6;
	[dreg:$0x0] =	wrdreg $0x0  }
0xae: {  	s6 =	sshll.u32 s28, $0x1;
	[dreg:$0x2] =	wrdreg s4  }
0xaf: {  	[dreg:$0x3] =	wrdreg s6  }
0xb0: {  	[dreg:$0x4] =	wrdreg $0xC0  }
0xb1: {  	_ =	task [dreg:s8], $0x5FFFF  }
0xb2: {  	[dreg:$0x1] =	wrdreg $0xFFFFFFFF  }
0xb3: {  	[dreg:$0x0] =	wrdreg $0x60  }
0xb4: {  	[dreg:$0x2] =	wrdreg s24  }
0xb5: {  	[dreg:$0x3] =	wrdreg s15  }
0xb6: {  	[dreg:$0x4] =	wrdreg s16  }
0xb7: {  	[dreg:$0x5] =	wrdreg $0x9  }
0xb8: {  	_ =	task.clear_ibuf [dreg:s8], $0x6FFFF;
	_ =	strace $0x90000046  }
0xb9: {  	s29 =	simm.s32 $0x9;
	_ =	strace $0x80000048  }
0xba: {  	_ =	swait.ge [sflag:s29], $0x1  }
0xbb: {  	[sflag:s29] =	ssyncadd.s32 $0xFFFFFFFF  }
0xbc: {  	_ =	strace $0x90000048  }
0xbd: {  	_ =	sfence  }
0xbe: {  	s30 =	sld [smem:$0x0];
	_ =	sdelay $0x2  }
0xbf: {  	s31 =	sshll.u32 s1, $0xD;
	s1 =	sshrl.u32 s1, $0x2  }
0xc0: {  	s3 =	sand.u32 $0x4000, s31;
	s1 =	sadd.s32 s1, s30  }
0xc1: {  	s0 =	sor.u32 s3, s0;
	s1 =	sshll.u32 s1, $0x11  }
0xc2: {  	s0 =	sor.u32 s1, s0  }
0xc3: {  	s0 =	sadd.s32 $0x8F2B, s0  }
0xc4: {  	[sflag:s0] =	ssyncadd.remote.s32 $0x1  }
0xc5: {  	_ =	sfence.sel $0xFFFF  }
0xc6: {  	[dreg:$0x0] =	wrdreg $0xFFFFFFFF;
	(pc) =	sbr.abs _section_cstart, $3  }
0xc7: {  	[dreg:$0x1] =	wrdreg $0xFFFFFFFF  }
0xc8: {  	_ =	task.clear_ibuf [dreg:s8], $0x2FFFF;
	_ =	strace $0x9FFFFFFF  }
0xc9: {  	(tm) =	ssettm $0x7FFFFFFF  }
tec
execute0_lowered:
.L_overlay_start_1:
0x0: {  	(tag) =	ssettag $0x1  }
0x1: {  	s0 =	rddreg [dreg:$0x0]  }
0x2: {  	s28 =	rddreg [dreg:$0x1]  }
0x3: {  	s3 =	rddreg [dreg:$0x2]  }
0x4: {  	s1 =	srdreg.scid;
	s2 =	stileid.u32  }
0x5: {  	s4 =	simm.s32 $0x0;
	s14 =	simm.s32 $0x800;
	s15 =	simm.s32 $0x5  }
0x6: {  	s16 =	simm.s32 $0x4800;
	s17 =	simm.s32 $0xC800;
	s18 =	simm.s32 $0x1  }
0x7: {  	s19 =	simm.s32 $0x8800;
	s20 =	simm.s32 $0x4;
	s21 =	simm.s32 $0x14800  }
0x8: {  	s22 =	simm.s32 $0x2;
	s1 =	sand.u32 $0x1, s1;
	s2 =	sshll.u32 s2, $0x1  }
0x9: {  	[smem:$0x7FF] =	sst s4;
	s7 =	sadd.s32 $0xE00, s0;
	s6 =	sadd.s32 $0x1600, s0  }
0xa: {  	s2 =	sor.u32 s1, s2;
	_ =	strace $0x80000047;
	[dreg:$0x5] =	wrdreg s6  }
0xb: {  	s5 =	sshll.u32 s2, $0x4;
	s25 =	sshll.u32 s2, $0x7;
	s2 =	sshll.u32 s2, $0x10  }
0xc: {  	s1 =	ssub.s32 $0x2, s1;
	[dreg:$0x4] =	wrdreg s7;
	s2 =	sadd.s32 s28, s2  }
0xd: {  	s0 =	sadd.s32 s5, s0;
	s26 =	sor.u32 $0x10, s25;
	[dreg:$0x6] =	wrdreg s2  }
.Ltmp0:
0xe: {  	v1 =	vimm.s32 $0x0;
	[dreg:$0x7] =	wrdreg s26;
	s29 =	sadd.s32 $0x1E00, s0;
	(pc) =	sbr.rel .LBB2_1-.Ltmp0, $4  }
0xf: {  	v2 =	vlaneseq.u32;
	vm0 =	vmmov $0x7fff;
	v3 =	vimm.f32 $0.0e+00;
	s24 =	sshrl.u32 s1, $0x1;
	s30 =	sadd.s32 $0x2000, s0;
	[dreg:$0x8] =	wrdreg s29  }
0x10: {  	vm1 =	vmmov $0x1;
	vm2 =	vcmask $0x704;
	vm3 =	vcmask $0xB08;
	s1 =	ssub.s32 s1, s24;
	s0 =	sadd.s32 $0x2200, s0;
	[dreg:$0x9] =	wrdreg s30  }
0x11: {  	vm4 =	vcmask $0xF0C;
	vm5 =	vcmask $0x1310;
	s23 =	simm.s32 $0x3;
	vm6 =	vcmask $0x1714;
	s31 =	smax.u32 s1, $0x1;
	[dreg:$0xa] =	wrdreg s0  }
0x12: {  	vm7 =	vcmask $0x1B18;
	vm8 =	vcmask $0x1F1C;
	s9 =	smov.u32 s25;
	v0 =	vmov s25;
	s2 =	simm.s32 $0x0;
	[dreg:$0xb] =	wrdreg s31  }
.LBB2_51:
0x13: {  	[sflag:s20] =	ssyncadd.s32 $0xFFFFF000;
	s2 =	rddreg [dreg:$0xc]  }
.LBB2_52:
0x14: {  	s0 =	rddreg [dreg:$0x8];
	s1 =	simm.s32 $0x1C800  }
0x15: {  	[hbm4b:s0+s4] =	stream.linear.scatter [tilespmem:s1], [sflag:$0x5], $0x80, $0x38;
	[tilespmem:$0x1CA80] =	vst v63  }
0x16: {  	_ =	swait.ge [sflag:s15], $0x80  }
0x17: {  	[sflag:s15] =	ssyncset.done $0x0  }
0x18: {  	s26 =	simm.s32 $0x1C900;
	s25 =	rddreg [dreg:$0x9];
	[sflag:s15] =	ssyncadd.s32 $0xFFFFFF80  }
0x19: {  	[hbm4b:s25+s4] =	stream.linear.scatter [tilespmem:s26], [sflag:$0x5], $0x80, $0x38;
	[tilespmem:$0x1CA80] =	vst v63  }
0x1a: {  	_ =	swait.ge [sflag:s15], $0x80  }
0x1b: {  	[sflag:s15] =	ssyncset.done $0x0  }
0x1c: {  	s30 =	simm.s32 $0x1CA00;
	s29 =	rddreg [dreg:$0xa];
	[sflag:s15] =	ssyncadd.s32 $0xFFFFFF80  }
0x1d: {  	[hbm4b:s29+s4] =	stream.linear.scatter [tilespmem:s30], [sflag:$0x5], $0x80, $0x38;
	[tilespmem:$0x1CA80] =	vst v63  }
0x1e: {  	_ =	swait.ge [sflag:s15], $0x80  }
0x1f: {  	s2 =	sadd.s32 $0x1, s2;
	s31 =	rddreg [dreg:$0xb]  }
0x20: {  	p0 =	sne.s32 s2, s31  }
.Ltmp1:
0x21: {  	_ = 	snop;
	(pc) =	sbr.rel @!p0 .LBB2_53-.Ltmp1, $3  }
0x22: {  	_ =	sdelay $0x1  }
0x23: {  	[sflag:s15] =	ssyncset.done $0x0  }
0x24: {  	[sflag:s15] =	ssyncadd.s32 $0xFFFFFF80  }
.LBB2_1:
0x25: {  	[dreg:$0xc] =	wrdreg s2  }
0x26: {  	s0 =	rddreg [dreg:$0x5]  }
0x27: {  	[tilespmem:s14], [sflag:$0x5] =	stream.linear.gather [hbm4b:s0+s4], $0x4000, $0x38;
	[tilespmem:$0x1CA80] =	vst v63  }
0x28: {  	_ =	swait.ge [sflag:s15], $0x4000  }
0x29: {  	s6 =	simm.s32 $0x0;
	[sflag:s15] =	ssyncset.done $0x0  }
0x2a: {  	s1 =	simm.s32 $0x0;
	s0 =	simm.s32 $0x0;
	[sflag:s15] =	ssyncadd.s32 $0xFFFFC000  }
.LBB2_2:
0x2b: {  	s2 =	sshll.u32 s1, $0x8  }
0x2c: {  	s5 =	simm.s32 $0x0;
	s2 =	sadd.s32 s7, s2  }
0x2d: {  	[tilespmem:s5], [sflag:$0x5] =	stream.linear.gather [hbm4b:s2+s5], $0x800, $0x38;
	[tilespmem:$0x1CA80] =	vst v63  }
0x2e: {  	_ =	swait.ge [sflag:s15], $0x800  }
0x2f: {  	[sflag:s15] =	ssyncset.done $0x0  }
0x30: {  	s31 =	simm.s32 $0x0;
	[sflag:s15] =	ssyncadd.s32 $0xFFFFF800  }
0x31: {  	v4 =	vld [tilespmem:s31+$0x0];
	_ =	sdelay $0x4  }
0x32: {  	v4 =	vsub.s32 v4, v0  }
0x33: {  	vm9 =	vlt.u32 v4, $0x80  }
0x34: {  	v5 =	vsel vm9, $0x1, v1  }
0x35: {  	(xrf0) =	vadd.scan.msk.s32 $0xffff, v5;
	_ =	sdelay $0x5  }
0x36: {  	v6, _, _ =	vpop (xrf0)  }
0x37: {  	v5 =	vmov s6;
	v7 =	vsel vm0, $0x0, v6  }
0x38: {  	v5 =	vadd.s32 $0xFFFFFFFF, v5;
	(xrf0) =	vadd.scan.msk.s32 $0xffff, v7  }
0x39: {  	v5 =	vbroadcast v5, $0x0;
	_ =	sdelay $0x1  }
0x3a: {  	v5 =	vadd.s32 v6, v5  }
0x3b: {  	v5 =	vnsel vm9, $0x0, v5;
	_ =	sdelay $0x1  }
0x3c: {  	v4 =	vshll.u32 v4, $0xE;
	v63, _, _ =	vpop (xrf0)  }
0x3d: {  	v4 =	vadd.s32 s0, v4;
	(v2sf) =	vpush v63, $0xF  }
0x3e: {  	v4 =	vadd.s32 v2, v4  }
0x3f: {  	s10 =	simm.s32 $0x80;
	s8 =	smov.u32 s0;
	s2 =	simm.s32 $0x10;
	[tilespmem:v5+s16+$0x0] =	vst.idx.msk vm9, v4  }
.LBB2_3:
0x40: {  	p0 =	sne.s32 s10, $0x1FC0;
	v4 =	vld [tilespmem:s2+$0x0];
	_ =	sdelay $0x4  }
0x41: {  	v4 =	vsub.s32 v4, v0  }
0x42: {  	vm9 =	vlt.u32 v4, $0x80;
	v4 =	vshll.u32 v4, $0xE  }
0x43: {  	v5 =	vsel vm9, $0x1, v1  }
0x44: {  	(xrf0) =	vadd.scan.msk.s32 $0xffff, v5;
	_ =	sdelay $0x3  }
0x45: {  	s2 =	spop (v2sf)  }
0x46: {  	s6 =	sadd.s32 s6, s2  }
0x47: {  	v5 =	vmov s6;
	v6, _, _ =	vpop (xrf0)  }
0x48: {  	v5 =	vadd.s32 $0xFFFFFFFF, v5;
	v7 =	vsel vm0, $0x0, v6  }
0x49: {  	v5 =	vbroadcast v5, $0x0;
	(xrf0) =	vadd.scan.msk.s32 $0xffff, v7;
	_ =	sdelay $0x1  }
0x4a: {  	v5 =	vadd.s32 v6, v5  }
0x4b: {  	v5 =	vnsel vm9, $0x0, v5;
	_ =	sdelay $0x1  }
.Ltmp2:
0x4c: {  	s8 =	sadd.s32 $0x10, s8;
	(pc) =	sbr.rel @p0 .LBB2_3-.Ltmp2, $4  }
0x4d: {  	v4 =	vadd.s32 s8, v4;
	v6, _, _ =	vpop (xrf0)  }
0x4e: {  	v4 =	vadd.s32 v2, v4;
	(v2sf) =	vpush v6, $0xF  }
0x4f: {  	[tilespmem:v5+s16+$0x0] =	vst.idx.msk vm9, v4  }
0x50: {  	s2 =	sshra.s32 s10, $0x2;
	s10 =	sadd.s32 $0x40, s10  }
0x51: {  	v4 =	vld [tilespmem:s2+$0x0];
	_ =	sdelay $0x4  }
0x52: {  	v4 =	vsub.s32 v4, v0  }
0x53: {  	vm9 =	vlt.u32 v4, $0x80  }
0x54: {  	v5 =	vsel vm9, $0x1, v1  }
0x55: {  	(xrf0) =	vadd.scan.msk.s32 $0xffff, v5;
	_ =	sdelay $0x5  }
0x56: {  	v5, _, _ =	vpop (xrf0)  }
0x57: {  	v6 =	vsel vm0, $0x0, v5  }
0x58: {  	(xrf0) =	vadd.scan.msk.s32 $0xffff, v6;
	_ =	sdelay $0x5  }
0x59: {  	v6, _, _ =	vpop (xrf0)  }
0x5a: {  	(v2sf) =	vpush v6, $0xF;
	_ =	sdelay $0x3  }
0x5b: {  	s30 =	spop (v2sf)  }
0x5c: {  	s2 =	sadd.s32 s6, s30  }
0x5d: {  	v63 =	vmov s2  }
0x5e: {  	v6 =	vadd.s32 $0xFFFFFFFF, v63  }
0x5f: {  	v6 =	vbroadcast v6, $0x0;
	_ =	sdelay $0x1  }
0x60: {  	s1 =	sadd.s32 $0x1, s1;
	v5 =	vadd.s32 v5, v6  }
0x61: {  	p0 =	sne.s32 s1, $0x8;
	v5 =	vnsel vm9, $0x0, v5  }
.Ltmp3:
0x62: {  	_ = 	snop;
	(pc) =	sbr.rel @p0 .LBB2_2-.Ltmp3, $4  }
0x63: {  	s5 =	sadd.s32 $0x10, s8;
	v4 =	vshll.u32 v4, $0xE  }
0x64: {  	v4 =	vadd.s32 s5, v4  }
0x65: {  	v4 =	vadd.s32 v2, v4;
	s31 =	spop (v2sf)  }
0x66: {  	s0 =	sadd.s32 $0x800, s0;
	[tilespmem:v5+s16+$0x0] =	vst.idx.msk vm9, v4;
	s6 =	sadd.s32 s2, s31  }
.Ltmp4:
0x67: {  	(pc) =	sbr.rel .LBB2_6-.Ltmp4, $4  }
0x68: {  	s0 =	sadd.s32 $0xF, s6;
	[tilespmem:$0x1CA00] =	vst v3;
	s31 =	simm.s32 $0x0;
	s1 =	rddreg [dreg:$0x6]  }
0x69: {  	[tilespmem:s17], [sflag:$0x1] =	stream.linear.gather [hbm4b:s1+s31], $0x8000, $0x38;
	[tilespmem:$0x1CA80] =	vst v63  }
0x6a: {  	s29 =	sshra.s32 s0, $0x4  }
0x6b: {  	v4 =	vmov s6;
	s30 =	simm.s32 $0x0;
	p0 =	slt.s32 s29, $0x1  }
.LBB2_46:
0x6c: {  	v7 =	vimm.s32 $0x0  }
.LBB2_47:
0x6d: {  	s30 =	sadd.s32 $0x1, s30  }
0x6e: {  	p1 =	seq.s32 s30, $0x8  }
.Ltmp5:
0x6f: {  	_ = 	snop;
	(pc) =	sbr.rel @p1 .LBB2_48-.Ltmp5, $3  }
0x70: {  	_ =	sdelay $0x1  }
0x71: {  	[tilespmem:$0x1CA00] =	vst v5  }
0x72: {  	[tilespmem:s1+$0x1C900] =	vst v7  }
.LBB2_6:
.Ltmp6:
0x73: {  	(pc) =	sbr.rel @p0 .LBB2_13-.Ltmp6, $4  }
0x74: {  	_ = 	snop  }
0x75: {  	_ =	swait.ge [sflag:s18], $0x8000  }
0x76: {  	[sflag:s18] =	ssyncset.done $0x0  }
0x77: {  	s1 =	sshll.u32 s30, $0x1;
	s0 =	simm.s32 $0x0;
	[sflag:s18] =	ssyncadd.s32 $0xFFFF8000  }
0x78: {  	p2 =	seq.s32 s29, $0x1  }
.Ltmp7:
0x79: {  	_ = 	snop;
	(pc) =	sbr.rel @p2 .LBB2_8-.Ltmp7, $3  }
0x7a: {  	_ =	sdelay $0x1  }
0x7b: {  	s2 =	simm.s32 $0x4800  }
0x7c: {  	v6 =	vmov s1;
	s0 =	simm.s32 $0x0;
	s6 =	sadd.s32 $0xFFFFFFFF, s29;
	p1 =	por $0x0, $0x0;
	v5 =	vld [tilespmem:s2+$0x0]  }
0x7d: {  	_ =	sdelay $0x3  }
0x7e: {  	v8 =	vor.u32 s0, v2;
	v7 =	vshra.s32 v5, $0x11  }
0x7f: {  	vm10 =	vlt.s32 v8, v4;
	vm9 =	veq.s32 v7, v6  }
0x80: {  	vm9 =	vmand vm10, vm9  }
0x81: {  	v7 =	vsel vm9, $0x1, v1  }
0x82: {  	(xrf0) =	vadd.scan.msk.s32 $0xffff, v7;
	_ =	sdelay $0x5  }
0x83: {  	v7 =	vmov s0;
	v8, _, _ =	vpop (xrf0)  }
0x84: {  	v7 =	vadd.s32 $0xFFFFFFFF, v7;
	v9 =	vsel vm0, $0x0, v8  }
0x85: {  	v7 =	vbroadcast v7, $0x0;
	(xrf0) =	vadd.scan.msk.s32 $0xffff, v9;
	_ =	sdelay $0x1  }
0x86: {  	v7 =	vadd.s32 v8, v7  }
0x87: {  	v7 =	vnsel vm9, $0x0, v7  }
0x88: {  	p2 =	seq.s32 s6, $0x1  }
.Ltmp8:
0x89: {  	_ = 	snop;
	(pc) =	sbr.rel @p2 .LBB2_10-.Ltmp8, $4  }
0x8a: {  	v8, _, _ =	vpop (xrf0)  }
0x8b: {  	(v2sf) =	vpush v8, $0xF  }
0x8c: {  	s24 =	simm.s32 $0x4810;
	s25 =	sadd.s32 $0xFFFFFFFF, s6;
	[tilespmem:v7+s19+$0x0] =	vst.idx.msk vm9, v5  }
0x8d: {  	p1 =	por $0x1, $0x1;
	s8 =	simm.s32 $0x0;
	s6 =	simm.s32 $0x0;
	v5 =	vld [tilespmem:s24+$0x0]  }
.LBB2_11:
0x8e: {  	p2 =	seq.s32 s25, $0x1;
	_ =	sdelay $0x2  }
0x8f: {  	s8 =	sadd.s32 $0x10, s8  }
0x90: {  	v8 =	vor.u32 s8, v2;
	v7 =	vshra.s32 v5, $0x11  }
0x91: {  	vm10 =	vlt.s32 v8, v4;
	vm9 =	veq.s32 v7, v6  }
0x92: {  	vm9 =	vmand vm10, vm9  }
0x93: {  	v7 =	vsel vm9, $0x1, v1  }
0x94: {  	(xrf0) =	vadd.scan.msk.s32 $0xffff, v7;
	_ =	sdelay $0x3  }
0x95: {  	s2 =	spop (v2sf)  }
0x96: {  	s6 =	sadd.s32 s6, s2  }
0x97: {  	v7 =	vmov s6;
	v8, _, _ =	vpop (xrf0)  }
0x98: {  	v7 =	vadd.s32 $0xFFFFFFFF, v7;
	v9 =	vsel vm0, $0x0, v8  }
0x99: {  	v7 =	vbroadcast v7, $0x0;
	(xrf0) =	vadd.scan.msk.s32 $0xffff, v9;
	_ =	sdelay $0x1  }
0x9a: {  	v7 =	vadd.s32 v8, v7  }
0x9b: {  	v7 =	vnsel vm9, $0x0, v7;
	_ =	sdelay $0x1  }
.Ltmp9:
0x9c: {  	(pc) =	sbr.rel @!p2 .LBB2_11-.Ltmp9, $4  }
0x9d: {  	v8, _, _ =	vpop (xrf0)  }
0x9e: {  	(v2sf) =	vpush v8, $0xF  }
0x9f: {  	s24 =	sadd.s32 $0x10, s24;
	[tilespmem:v7+s19+$0x0] =	vst.idx.msk vm9, v5  }
0xa0: {  	s25 =	sadd.s32 $0xFFFFFFFF, s25;
	v5 =	vld [tilespmem:s24+$0x0]  }
.LBB2_12:
0xa1: {  	_ =	sdelay $0x1  }
0xa2: {  	s2 =	sadd.s32 @p1 $0x10, s8;
	s5 =	simm.s32 $0x0  }
0xa3: {  	s5 =	smov.u32 @p1 s2  }
0xa4: {  	v8 =	vor.u32 s5, v2;
	v7 =	vshra.s32 v5, $0x11  }
0xa5: {  	vm10 =	vlt.s32 v8, v4;
	vm9 =	veq.s32 v7, v6  }
0xa6: {  	vm9 =	vmand vm10, vm9  }
0xa7: {  	v6 =	vsel vm9, $0x1, v1  }
0xa8: {  	(xrf0) =	vadd.scan.msk.s32 $0xffff, v6;
	_ =	sdelay $0x5  }
0xa9: {  	v6, _, _ =	vpop (xrf0)  }
0xaa: {  	v7 =	vsel vm0, $0x0, v6  }
0xab: {  	(xrf0) =	vadd.scan.msk.s32 $0xffff, v7;
	_ =	sdelay $0x5  }
0xac: {  	v7, _, _ =	vpop (xrf0)  }
0xad: {  	(v2sf) =	vpush v7, $0xF;
	_ =	sdelay $0x2  }
0xae: {  	s2 =	spop @p1 (v2sf)  }
0xaf: {  	s2 =	sadd.s32 @p1 s6, s2  }
0xb0: {  	s0 =	smov.u32 @p1 s2  }
0xb1: {  	v7 =	vmov s0  }
0xb2: {  	v7 =	vadd.s32 $0xFFFFFFFF, v7  }
0xb3: {  	v7 =	vbroadcast v7, $0x0;
	_ =	sdelay $0x1  }
0xb4: {  	v6 =	vadd.s32 v6, v7  }
0xb5: {  	v6 =	vnsel vm9, $0x0, v6;
	_ =	sdelay $0x3  }
0xb6: {  	s26 =	spop (v2sf)  }
0xb7: {  	[tilespmem:v6+s19+$0x0] =	vst.idx.msk vm9, v5;
	s0 =	sadd.s32 s0, s26  }
.LBB2_13:
0xb8: {  	s24 =	simm.s32 $0x0;
	v5 =	vimm.f32 $0.0e+00;
	s25 =	simm.s32 $0xC840  }
.LBB2_14:
0xb9: {  	v6 =	vmov s25;
	_ =	sdelay $0x3  }
0xba: {  	s2 =	simm.s32 $0x0  }
0xbb: {  	v7 =	vld.idx.msk [tilespmem:v6+s2+$0xFFFFFFC0 ss:$0x1], $0xffff  }
0xbc: {  	v8 =	vld.idx.msk [tilespmem:v6+s2+$0xFFFFFFD0 ss:$0x1], $0xffff  }
0xbd: {  	v9 =	vld.idx.msk [tilespmem:v6+s2+$0xFFFFFFE0 ss:$0x1], $0xffff  }
0xbe: {  	v10 =	vld.idx.msk [tilespmem:v6+s2+$0xFFFFFFF0 ss:$0x1], $0xffff  }
0xbf: {  	v11 =	vld.idx.msk [tilespmem:v6+s2+$0x0 ss:$0x1], $0xffff  }
0xc0: {  	v12 =	vld.idx.msk [tilespmem:v6+s2+$0x10 ss:$0x1], $0xffff  }
0xc1: {  	v13 =	vld.idx.msk [tilespmem:v6+s2+$0x20 ss:$0x1], $0xffff  }
0xc2: {  	s5 =	simm.s32 $0x400;
	v14 =	vld.idx.msk [tilespmem:v6+s2+$0x30 ss:$0x1], $0xffff;
	v7 =	vmul.f32 $1.442695020e+00, v7;
	v8 =	vmul.f32 $1.442695020e+00, v8  }
0xc3: {  	v15 =	vld.idx.msk [tilespmem:v6+s5+$0xFFFFFFC0 ss:$0x1], $0xffff;
	v9 =	vmul.f32 $1.442695020e+00, v9;
	v10 =	vmul.f32 $1.442695020e+00, v10  }
0xc4: {  	v11 =	vmul.f32 $1.442695020e+00, v11;
	(erf) = vpow2.f32 v7;
	v7 =	vld.idx.msk [tilespmem:v6+s5+$0xFFFFFFD0 ss:$0x1], $0xffff  }
0xc5: {  	v16 =	vld.idx.msk [tilespmem:v6+s5+$0xFFFFFFE0 ss:$0x1], $0xffff;
	(erf) = vpow2.f32 v9;
	v9 =	vmul.f32 $1.442695020e+00, v12  }
0xc6: {  	v12 =	vld.idx.msk [tilespmem:v6+s5+$0xFFFFFFF0 ss:$0x1], $0xffff;
	(erf) = vpow2.f32 v8;
	v8 =	vmul.f32 $1.442695020e+00, v13  }
0xc7: {  	v13 =	vld.idx.msk [tilespmem:v6+s5+$0x0 ss:$0x1], $0xffff;
	(erf) = vpow2.f32 v11;
	v11 =	vmul.f32 $1.442695020e+00, v14  }
0xc8: {  	v14 =	vld.idx.msk [tilespmem:v6+s5+$0x10 ss:$0x1], $0xffff;
	(erf) = vpow2.f32 v9;
	v9 =	vmul.f32 $1.442695020e+00, v15  }
0xc9: {  	v15 =	vld.idx.msk [tilespmem:v6+s5+$0x20 ss:$0x1], $0xffff;
	(erf) = vpow2.f32 v8;
	v7 =	vmul.f32 $1.442695020e+00, v7  }
0xca: {  	s26 =	simm.s32 $0x800;
	v8 =	vld.idx.msk [tilespmem:v6+s5+$0x30 ss:$0x1], $0xffff;
	(erf) = vpow2.f32 v11;
	v11 =	vmul.f32 $1.442695020e+00, v16  }
0xcb: {  	v16 =	vld.idx.msk [tilespmem:v6+s26+$0xFFFFFFC0 ss:$0x1], $0xffff;
	v17 =	vmul.f32 $1.442695020e+00, v12;
	(erf) = vpow2.f32 v9  }
0xcc: {  	v19 =	vld.idx.msk [tilespmem:v6+s26+$0x10 ss:$0x1], $0xffff;
	(erf) = vpow2.f32 v10;
	v10 =	vmul.f32 $1.442695020e+00, v13  }
0xcd: {  	v20 =	vld.idx.msk [tilespmem:v6+s26+$0x20 ss:$0x1], $0xffff;
	(erf) = vpow2.f32 v11;
	v11 =	vmul.f32 $1.442695020e+00, v14  }
0xce: {  	v13 =	vld.idx.msk [tilespmem:v6+s26+$0xFFFFFFE0 ss:$0x1], $0xffff;
	v12 =	vpop (erf);
	(erf) = vpow2.f32 v7;
	v7 =	vmul.f32 $1.442695020e+00, v15  }
0xcf: {  	v9 =	vld.idx.msk [tilespmem:v6+s26+$0xFFFFFFD0 ss:$0x1], $0xffff;
	v18 =	vpop (erf);
	v8 =	vmul.f32 $1.442695020e+00, v8;
	(erf) = vpow2.f32 v10  }
0xd0: {  	v15 =	vld.idx.msk [tilespmem:v6+s26+$0x0 ss:$0x1], $0xffff;
	v16 =	vmul.f32 $1.442695020e+00, v16;
	v10 =	vpop (erf);
	(erf) = vpow2.f32 v11  }
0xd1: {  	v19 =	vmul.f32 $1.442695020e+00, v19;
	v14 =	vld.idx.msk [tilespmem:v6+s26+$0xFFFFFFF0 ss:$0x1], $0xffff;
	v11 =	vpop (erf);
	(erf) = vpow2.f32 v7  }
0xd2: {  	v20 =	vmul.f32 $1.442695020e+00, v20;
	v7 =	vpop (erf);
	(erf) = vpow2.f32 v8  }
0xd3: {  	s6 =	simm.s32 $0xC00;
	v22 =	vld.idx.msk [tilespmem:v6+s26+$0x30 ss:$0x1], $0xffff;
	v23 =	vmul.f32 $1.442695020e+00, v13;
	v8 =	vpop (erf);
	(erf) = vpow2.f32 v16  }
0xd4: {  	v24 =	vld.idx.msk [tilespmem:v6+s6+$0xFFFFFFC0 ss:$0x1], $0xffff;
	v21 =	vmul.f32 $1.442695020e+00, v9;
	v16 =	vpop (erf);
	(erf) = vpow2.f32 v17  }
0xd5: {  	v10 =	vadd.f32 v10, v12;
	v12 =	vld.idx.msk [tilespmem:v6+s6+$0xFFFFFFD0 ss:$0x1], $0xffff;
	v17 =	vmul.f32 $1.442695020e+00, v15;
	v25 =	vpop (erf);
	(erf) = vpow2.f32 v23  }
0xd6: {  	v13 =	vld.idx.msk [tilespmem:v6+s6+$0xFFFFFFE0 ss:$0x1], $0xffff;
	v9 =	vmul.f32 $1.442695020e+00, v14;
	v14 =	vadd.f32 v7, v11;
	v15 =	vpop (erf);
	(erf) = vpow2.f32 v21  }
0xd7: {  	v11 =	vld.idx.msk [tilespmem:v6+s6+$0xFFFFFFF0 ss:$0x1], $0xffff;
	v8 =	vadd.f32 v16, v8;
	v7 =	vpop (erf);
	v23 =	vadd.f32 v15, v18;
	(erf) = vpow2.f32 v17  }
0xd8: {  	v16 =	vld.idx.msk [tilespmem:v6+s6+$0x10 ss:$0x1], $0xffff;
	v21 =	vmul.f32 $1.442695020e+00, v22;
	v26 =	vpop (erf);
	(erf) = vpow2.f32 v19  }
0xd9: {  	v15 =	vld.idx.msk [tilespmem:v6+s6+$0x0 ss:$0x1], $0xffff;
	v14 =	vadd.f32 v8, v14;
	v18 =	vpop (erf);
	v19 =	vadd.f32 v23, v10;
	(erf) = vpow2.f32 v20  }
0xda: {  	s8 =	simm.s32 $0x4000;
	v22 =	vmul.f32 $1.442695020e+00, v24;
	v17 =	vld.idx.msk [tilespmem:v6+s6+$0x20 ss:$0x1], $0xffff;
	v8 =	vimm.f32 $0.0e+00;
	v10 =	vadd.f32 v26, v25;
	v20 =	vpop (erf)  }
.LBB2_15:
0xdb: {  	p1 =	sne.s32 s8, $0x1F000;
	v23 =	vmul.f32 $1.442695020e+00, v12;
	v24 =	vld.idx.msk [tilespmem:v6+s6+$0x30 ss:$0x1], $0xffff;
	s6 =	sshra.s32 s8, $0x2;
	s8 =	sadd.s32 $0x1000, s8;
	(erf) = vpow2.f32 v21;
	v21 =	vpop (erf);
	v14 =	vadd.f32 v14, v19  }
0xdc: {  	v19 =	vmul.f32 $1.442695020e+00, v13;
	v18 =	vadd.f32 v20, v18;
	v25 =	vld.idx.msk [tilespmem:v6+s6+$0xFFFFFFC0 ss:$0x1], $0xffff;
	(erf) = vpow2.f32 v22;
	v20 =	vpop (erf)  }
0xdd: {  	v12 =	vld.idx.msk [tilespmem:v6+s6+$0xFFFFFFD0 ss:$0x1], $0xffff;
	v26 =	vpop (erf);
	v8 =	vadd.f32 v14, v8;
	(erf) = vpow2.f32 v9;
	v9 =	vmul.f32 $1.442695020e+00, v11  }
.Ltmp10:
0xde: {  	v14 =	vmul.f32 $1.442695020e+00, v15;
	v13 =	vld.idx.msk [tilespmem:v6+s6+$0xFFFFFFE0 ss:$0x1], $0xffff;
	(erf) = vpow2.f32 v19;
	v19 =	vadd.f32 v20, v21;
	v15 =	vpop (erf);
	(pc) =	sbr.rel @p1 .LBB2_15-.Ltmp10, $4  }
0xdf: {  	v28 =	vmul.f32 $1.442695020e+00, v16;
	v11 =	vld.idx.msk [tilespmem:v6+s6+$0xFFFFFFF0 ss:$0x1], $0xffff;
	(erf) = vpow2.f32 v23;
	v22 =	vadd.f32 v15, v7;
	v7 =	vpop (erf)  }
0xe0: {  	v23 =	vmul.f32 $1.442695020e+00, v17;
	v15 =	vld.idx.msk [tilespmem:v6+s6+$0x0 ss:$0x1], $0xffff;
	(erf) = vpow2.f32 v14;
	v27 =	vpop (erf);
	v14 =	vadd.f32 v19, v18  }
0xe1: {  	v21 =	vmul.f32 $1.442695020e+00, v24;
	v16 =	vld.idx.msk [tilespmem:v6+s6+$0x10 ss:$0x1], $0xffff;
	(erf) = vpow2.f32 v28;
	v18 =	vpop (erf);
	v19 =	vadd.f32 v22, v10  }
0xe2: {  	v22 =	vmul.f32 $1.442695020e+00, v25;
	v10 =	vadd.f32 v27, v26;
	v17 =	vld.idx.msk [tilespmem:v6+s6+$0x20 ss:$0x1], $0xffff;
	(erf) = vpow2.f32 v23;
	v20 =	vpop (erf)  }
0xe3: {  	_ =	sdelay $0x3  }
0xe4: {  	v6 =	vld.idx.msk [tilespmem:v6+s6+$0x30 ss:$0x1], $0xffff  }
0xe5: {  	(erf) = vpow2.f32 v21;
	v41 =	vpop (erf);
	v13 =	vmul.f32 $1.442695020e+00, v13  }
0xe6: {  	v12 =	vmul.f32 $1.442695020e+00, v12;
	(erf) = vpow2.f32 v22;
	v42 =	vpop (erf)  }
0xe7: {  	(erf) = vpow2.f32 v9;
	v43 =	vpop (erf);
	v15 =	vmul.f32 $1.442695020e+00, v15  }
0xe8: {  	(erf) = vpow2.f32 v13;
	v44 =	vpop (erf);
	v16 =	vmul.f32 $1.442695020e+00, v16  }
0xe9: {  	(erf) = vpow2.f32 v12;
	v45 =	vpop (erf);
	v6 =	vmul.f32 $1.442695020e+00, v6  }
0xea: {  	v17 =	vmul.f32 $1.442695020e+00, v17;
	(erf) = vpow2.f32 v15;
	v46 =	vpop (erf)  }
0xeb: {  	(erf) = vpow2.f32 v16;
	v47 =	vpop (erf)  }
0xec: {  	v11 =	vmul.f32 $1.442695020e+00, v11;
	(erf) = vpow2.f32 v17;
	v48 =	vpop (erf)  }
0xed: {  	(erf) = vpow2.f32 v6;
	v6 =	vpop (erf)  }
0xee: {  	(erf) = vpow2.f32 v11;
	v49 =	vpop (erf)  }
0xef: {  	v18 =	vadd.f32 v20, v18;
	v50 =	vpop (erf)  }
0xf0: {  	v21 =	vadd.f32 v42, v41;
	v7 =	vadd.f32 v44, v7;
	v51 =	vpop (erf)  }
0xf1: {  	v14 =	vadd.f32 v14, v19;
	v52 =	vpop (erf)  }
0xf2: {  	v18 =	vadd.f32 v21, v18;
	v7 =	vadd.f32 v7, v10;
	v53 =	vpop (erf)  }
0xf3: {  	v9 =	vadd.f32 v46, v43;
	v54 =	vadd.f32 v48, v47;
	v55 =	vpop (erf)  }
0xf4: {  	v6 =	vadd.f32 v49, v6;
	v56 =	vadd.f32 v51, v45;
	v57 =	vpop (erf)  }
0xf5: {  	v8 =	vadd.f32 v14, v8;
	v7 =	vadd.f32 v18, v7;
	v58 =	vpop (erf)  }
0xf6: {  	v6 =	vadd.f32 v6, v54;
	v9 =	vadd.f32 v56, v9;
	v59 =	vpop (erf)  }
0xf7: {  	v10 =	vadd.f32 v53, v50;
	v12 =	vadd.f32 v57, v55;
	v60 =	vpop (erf)  }
0xf8: {  	v11 =	vadd.f32 v59, v58;
	v61 =	vadd.f32 v60, v52  }
0xf9: {  	v7 =	vadd.f32 v7, v8;
	v6 =	vadd.f32 v6, v9  }
0xfa: {  	v62 =	vadd.f32 v11, v12;
	v63 =	vadd.f32 v61, v10;
	_ =	sdelay $0x1  }
0xfb: {  	v6 =	vadd.f32 v6, v7;
	v7 =	vadd.f32 v62, v63;
	_ =	sdelay $0x1  }
0xfc: {  	v6 =	vadd.f32 v7, v6;
	_ =	sdelay $0x1  }
0xfd: {  	(xrf2) =	vadd.scan.msk.f32 $0xffff, v6;
	_ =	sdelay $0x6  }
0xfe: {  	v6 =	vmov s24;
	s24 =	sadd.s32 $0x1, s24  }
0xff: {  	p1 =	sne.s32 s24, $0x8  }
.Ltmp11:
0x100: {  	_ = 	snop;
	(pc) =	sbr.rel @p1 .LBB2_14-.Ltmp11, $4  }
0x101: {  	v7, _, _ =	vpop (xrf2)  }
0x102: {  	v7 =	vbroadcast v7, $0xF  }
0x103: {  	vm9 =	veq.s32 v6, v2  }
0x104: {  	s25 =	sadd.s32 $0x80, s25;
	v5 =	vsel vm9, v7, v5  }
0x105: {  	p1 =	slt.s32 s31, $0x1  }
.Ltmp12:
0x106: {  	_ = 	snop;
	(pc) =	sbr.rel @p1 .LBB2_21-.Ltmp12, $3  }
0x107: {  	_ =	sdelay $0x1  }
0x108: {  	s24 =	sshll.u32 s30, $0x4  }
0x109: {  	[tilespmem:s24+$0x1C800] =	vst v5  }
0x10a: {  	p1 =	sne.s32 s31, $0x1  }
.Ltmp13:
0x10b: {  	_ = 	snop;
	(pc) =	sbr.rel @!p1 .LBB2_20-.Ltmp13, $3  }
0x10c: {  	_ =	sdelay $0x1  }
0x10d: {  	_ =	swait.ge [sflag:s20], $0x1000  }
0x10e: {  	s6 =	sadd.s32 $0xFFFFFFFF, s31;
	[sflag:s20] =	ssyncset.done $0x0  }
.LBB2_19:
0x10f: {  	p1 =	sne.s32 s6, $0x1;
	s6 =	sadd.s32 $0xFFFFFFFF, s6;
	[sflag:s20] =	ssyncadd.s32 $0xFFFFF000  }
.Ltmp14:
0x110: {  	(pc) =	sbr.rel @p1 .LBB2_19-.Ltmp14, $3  }
0x111: {  	_ =	sdelay $0x1  }
0x112: {  	_ =	swait.ge [sflag:s20], $0x1000  }
0x113: {  	[sflag:s20] =	ssyncset.done $0x0  }
.LBB2_20:
0x114: {  	[sflag:s20] =	ssyncadd.s32 $0xFFFFF000  }
.LBB2_21:
0x115: {  	s31 =	sadd.s32 $0xF, s0  }
0x116: {  	s26 =	sor.u32 $0x1, s1;
	s25 =	sshra.s32 s31, $0x4  }
0x117: {  	s1 =	sshll.u32 s26, $0x3;
	p1 =	slt.s32 s25, $0x1  }
.Ltmp15:
0x118: {  	s2 =	sadd.s32 s9, s1;
	(pc) =	sbr.rel @p1 .LBB2_22-.Ltmp15, $4  }
0x119: {  	s2 =	sshll.u32 s2, $0x9  }
0x11a: {  	s2 =	sadd.s32 s28, s2  }
0x11b: {  	[tilespmem:s21], [sflag:$0x2] =	stream.linear.gather [hbm4b:s2+s4], $0x8000, $0x38;
	[tilespmem:$0x1CA80] =	vst v63  }
0x11c: {  	s7 =	smov.u32 s28;
	v5 =	vld [tilespmem:$0x1CA00]  }
.Ltmp16:
0x11d: {  	(pc) =	sbr.rel .LBB2_28-.Ltmp16, $2  }
0x11e: {  	_ =	sdelay $0x2  }
0x11f: {  	v6 =	vmov s0;
	s31 =	simm.s32 $0x0;
	v7 =	vimm.s32 $0x0;
	s6 =	simm.s32 $0x10  }
.LBB2_27:
0x120: {  	v8 =	vbroadcast v11, $0xF  }
0x121: {  	v9 =	vbroadcast v16, $0xF  }
0x122: {  	v58 =	vbroadcast v17, $0xF;
	v8 =	vnsel vm1, $0x0, v8  }
0x123: {  	v59 =	vbroadcast v18, $0xF;
	v7 =	vadd.s32 v7, v8;
	v8 =	vnsel vm2, $0x0, v9  }
0x124: {  	v60 =	vbroadcast v15, $0xF;
	v7 =	vadd.s32 v8, v7;
	v8 =	vnsel vm3, $0x0, v58  }
0x125: {  	v61 =	vbroadcast v14, $0xF;
	p1 =	seq.s32 s31, s25;
	v7 =	vadd.s32 v8, v7;
	v8 =	vnsel vm4, $0x0, v59  }
.Ltmp17:
0x126: {  	v62 =	vbroadcast v12, $0xF;
	v7 =	vadd.s32 v8, v7;
	v8 =	vnsel vm5, $0x0, v60;
	(pc) =	sbr.rel @p1 .LBB2_23-.Ltmp17, $4  }
0x127: {  	v63 =	vbroadcast v13, $0xF;
	v7 =	vadd.s32 v8, v7;
	v8 =	vnsel vm6, $0x0, v61  }
0x128: {  	v7 =	vadd.s32 v8, v7;
	v8 =	vnsel vm7, $0x0, v62  }
0x129: {  	v10 =	vnsel vm9, $0x0, v10;
	v7 =	vadd.s32 v8, v7;
	v8 =	vnsel vm8, $0x0, v63  }
0x12a: {  	s6 =	sadd.s32 $0x10, s6;
	v5 =	vadd.f32 v10, v5;
	v7 =	vadd.s32 v8, v7  }
.LBB2_28:
0x12b: {  	s11 =	sshll.u32 s31, $0x4  }
0x12c: {  	v9 =	vld [tilespmem:s11+$0x8800];
	_ =	sdelay $0x4  }
0x12d: {  	v8 =	vand.u32 $0x3FFF, v9  }
0x12e: {  	v9 =	vshrl.u32 v9, $0xE  }
0x12f: {  	v10 =	vor.u32 s11, v2;
	v9 =	vand.u32 $0x7, v9  }
0x130: {  	vm9 =	vlt.s32 v10, v6;
	vm10 =	veq.s32 v9, $0x0  }
0x131: {  	vm11 =	veq.s32 v9, $0x1;
	vm10 =	vmand vm9, vm10  }
0x132: {  	v10 =	vsel vm10, $0x1, v1;
	vm10 =	vmand vm9, vm11;
	vm11 =	veq.s32 v9, $0x2;
	v12 =	vld.idx.msk [tilespmem:v8+s14+$0x0], $0xffff  }
0x133: {  	(xrf0) =	vadd.scan.msk.s32 $0xffff, v10;
	v10 =	vsel vm10, $0x1, v1;
	vm10 =	vmand vm9, vm11;
	vm11 =	veq.s32 v9, $0x3  }
0x134: {  	(xrf0) =	vadd.scan.msk.s32 $0xffff, v10;
	v10 =	vsel vm10, $0x1, v1;
	vm10 =	vmand vm9, vm11;
	vm11 =	veq.s32 v9, $0x4  }
0x135: {  	(xrf0) =	vadd.scan.msk.s32 $0xffff, v10;
	v10 =	vsel vm10, $0x1, v1;
	vm10 =	vmand vm9, vm11  }
0x136: {  	vm11 =	veq.s32 v9, $0x5;
	(xrf0) =	vadd.scan.msk.s32 $0xffff, v10;
	v10 =	vsel vm10, $0x1, v1  }
0x137: {  	vm10 =	vmand vm9, vm11;
	vm11 =	veq.s32 v9, $0x6;
	v11 =	vshll.u32 v12, $0x3  }
0x138: {  	s31 =	sadd.s32 $0x1, s31;
	(xrf0) =	vadd.scan.msk.s32 $0xffff, v10;
	v10 =	vsel vm10, $0x1, v1;
	vm10 =	vmand vm9, vm11;
	vm11 =	veq.s32 v9, $0x7  }
0x139: {  	s2 =	sshll.u32 s31, $0x4;
	v13 =	vsel vm10, $0x1, v1;
	(xrf0) =	vadd.scan.msk.s32 $0xffff, v10;
	vm10 =	vmand vm9, vm11  }
0x13a: {  	p1 =	slt.s32 s0, s2;
	v14 =	vshll.u32 v9, $0x7;
	v10 =	vand.u32 $0xFFFFFC00, v11;
	v11, _, _ =	vpop (xrf0);
	(xrf0) =	vadd.scan.msk.s32 $0xffff, v13;
	v13 =	vsel vm10, $0x1, v1  }
0x13b: {  	s2 =	smov.u32 @p1 s0;
	v12 =	vand.u32 $0x7F, v12;
	v10 =	vor.u32 v14, v10;
	v16, _, _ =	vpop (xrf0);
	(xrf0) =	vadd.scan.msk.s32 $0xffff, v13  }
0x13c: {  	p1 =	sge.s32 s11, s2;
	v10 =	vor.u32 v12, v10;
	v17, _, _ =	vpop (xrf0)  }
.Ltmp18:
0x13d: {  	v18, _, _ =	vpop (xrf0);
	(pc) =	sbr.rel @p1 .LBB2_27-.Ltmp18, $4  }
0x13e: {  	v15, _, _ =	vpop (xrf0)  }
0x13f: {  	v14, _, _ =	vpop (xrf0)  }
0x140: {  	v12, _, _ =	vpop (xrf0)  }
0x141: {  	v10 =	vld.idx.msk [tilespmem:v10+s17+$0x0], $0xffff;
	v13, _, _ =	vpop (xrf0)  }
0x142: {  	p1 =	slt.s32 s0, s6;
	s10 =	smov.u32 s6  }
0x143: {  	s8 =	smov.u32 s11;
	s10 =	smov.u32 @p1 s0  }
.LBB2_30:
0x144: {  	s2 =	ssub.s32 s8, s11  }
0x145: {  	v19 =	vmov s2  }
0x146: {  	vm10 =	veq.s32 v19, v2  }
0x147: {  	v19 =	vnsel vm10, $0x0, v9  }
0x148: {  	(xrf0) =	vadd.scan.msk.s32 $0xffff, v19;
	v19 =	vnsel vm10, $0x0, v8  }
0x149: {  	(xrf0) =	vadd.scan.msk.s32 $0xffff, v19;
	_ =	sdelay $0x4  }
0x14a: {  	v19, _, _ =	vpop (xrf0)  }
0x14b: {  	(v2sf) =	vpush v19, $0xF;
	v19, _, _ =	vpop (xrf0)  }
0x14c: {  	(v2sf) =	vpush v19, $0xF;
	_ =	sdelay $0xd  }
0x14d: {  	s2 =	spop (v2sf)  }
0x14e: {  	s5 =	spop (v2sf)  }
0x14f: {  	s12 =	sshll.u32 s2, $0xC;
	s13 =	sshll.u32 s5, $0xC;
	s5 =	sshll.u32 s5, $0x7  }
0x150: {  	s2 =	sshll.u32 s2, $0x7;
	s13 =	sand.u32 $0xFFFF8000, s13;
	s5 =	sand.u32 $0x380, s5  }
0x151: {  	s12 =	sand.u32 $0xFFFF8000, s12;
	s2 =	sand.u32 $0x380, s2;
	s5 =	sor.u32 s5, s13  }
0x152: {  	s2 =	sor.u32 s2, s12;
	s5 =	sshrl.u32 s5, $0x3  }
0x153: {  	s12 =	sadd.s32 $0xC800, s2;
	s13 =	sadd.s32 s3, s5  }
0x154: {  	s28 =	simm.s32 $0x80;
	s2 =	sadd.s32 $0x400, s12;
	s5 =	sadd.s32 $0x0, s13  }
.LBB2_31:
0x155: {  	[hbm4b:s5+s4] =	stream.linear.scatter [tilespmem:s12], [sflag:$0x3], $0x80, $0x38;
	[tilespmem:$0x1CA80] =	vst v63  }
0x156: {  	s5 =	smov.u32 s28;
	s12 =	smov.u32 s2;
	p1 =	sne.s32 s28, $0xF80  }
.Ltmp19:
0x157: {  	s28 =	sadd.s32 $0x80, s28;
	(pc) =	sbr.rel @p1 .LBB2_31-.Ltmp19, $2  }
0x158: {  	_ =	sdelay $0x2  }
0x159: {  	s2 =	sadd.s32 $0x400, s2;
	s5 =	sadd.s32 s5, s13  }
0x15a: {  	s8 =	sadd.s32 $0x1, s8  }
0x15b: {  	p1 =	seq.s32 s8, s10  }
.Ltmp20:
0x15c: {  	_ = 	snop;
	(pc) =	sbr.rel @!p1 .LBB2_30-.Ltmp20, $4  }
.Ltmp21:
0x15d: {  	_ = 	snop;
	(pc) =	sbr.rel @p1 .LBB2_27-.Ltmp21, $4  }
0x15e: {  	_ = 	snop  }
0x15f: {  	_ = 	snop  }
0x160: {  	[hbm4b:s5+s4] =	stream.linear.scatter [tilespmem:s12], [sflag:$0x3], $0x80, $0x38;
	[tilespmem:$0x1CA80] =	vst v63  }
0x161: {  	_ = 	snop  }
.LBB2_22:
0x162: {  	v7 =	vimm.s32 $0x0  }
.LBB2_23:
0x163: {  	_ =	sdelay $0x2  }
.Ltmp22:
0x164: {  	[tilespmem:$0x1CA00] =	vst v5;
	(pc) =	sbr.rel @p0 .LBB2_37-.Ltmp22, $4  }
0x165: {  	[tilespmem:s24+$0x1C900] =	vst v7  }
0x166: {  	_ =	swait.ge [sflag:s22], $0x8000  }
0x167: {  	s25 =	simm.s32 $0x0;
	[sflag:s22] =	ssyncset.done $0x0  }
0x168: {  	s31 =	simm.s32 $0x0;
	s28 =	smov.u32 s7;
	[sflag:s22] =	ssyncadd.s32 $0xFFFF8000  }
0x169: {  	p2 =	seq.s32 s29, $0x1  }
.Ltmp23:
0x16a: {  	_ = 	snop;
	(pc) =	sbr.rel @p2 .LBB2_25-.Ltmp23, $3  }
0x16b: {  	_ =	sdelay $0x1  }
0x16c: {  	s2 =	simm.s32 $0x4800  }
0x16d: {  	v6 =	vmov s26;
	s6 =	simm.s32 $0x0;
	s8 =	sadd.s32 $0xFFFFFFFF, s29;
	p1 =	por $0x0, $0x0;
	v5 =	vld [tilespmem:s2+$0x0]  }
0x16e: {  	_ =	sdelay $0x3  }
0x16f: {  	v8 =	vor.u32 s6, v2;
	v7 =	vshra.s32 v5, $0x11  }
0x170: {  	vm10 =	vlt.s32 v8, v4;
	vm9 =	veq.s32 v7, v6  }
0x171: {  	vm9 =	vmand vm10, vm9  }
0x172: {  	v7 =	vsel vm9, $0x1, v1  }
0x173: {  	(xrf0) =	vadd.scan.msk.s32 $0xffff, v7;
	_ =	sdelay $0x5  }
0x174: {  	v7 =	vmov s6;
	v8, _, _ =	vpop (xrf0)  }
0x175: {  	v7 =	vadd.s32 $0xFFFFFFFF, v7;
	v9 =	vsel vm0, $0x0, v8  }
0x176: {  	v7 =	vbroadcast v7, $0x0;
	(xrf0) =	vadd.scan.msk.s32 $0xffff, v9;
	_ =	sdelay $0x1  }
0x177: {  	v7 =	vadd.s32 v8, v7  }
0x178: {  	v7 =	vnsel vm9, $0x0, v7  }
0x179: {  	p2 =	seq.s32 s8, $0x1  }
.Ltmp24:
0x17a: {  	_ = 	snop;
	(pc) =	sbr.rel @p2 .LBB2_34-.Ltmp24, $4  }
0x17b: {  	v8, _, _ =	vpop (xrf0)  }
0x17c: {  	(v2sf) =	vpush v8, $0xF  }
0x17d: {  	s31 =	simm.s32 $0x4810;
	s10 =	sadd.s32 $0xFFFFFFFF, s8;
	[tilespmem:v7+s19+$0x0] =	vst.idx.msk vm9, v5  }
0x17e: {  	p1 =	por $0x1, $0x1;
	s26 =	simm.s32 $0x0;
	s8 =	simm.s32 $0x0;
	v5 =	vld [tilespmem:s31+$0x0]  }
.LBB2_35:
0x17f: {  	p2 =	seq.s32 s10, $0x1;
	_ =	sdelay $0x2  }
0x180: {  	s26 =	sadd.s32 $0x10, s26  }
0x181: {  	v8 =	vor.u32 s26, v2;
	v7 =	vshra.s32 v5, $0x11  }
0x182: {  	vm10 =	vlt.s32 v8, v4;
	vm9 =	veq.s32 v7, v6  }
0x183: {  	vm9 =	vmand vm10, vm9  }
0x184: {  	v7 =	vsel vm9, $0x1, v1  }
0x185: {  	(xrf0) =	vadd.scan.msk.s32 $0xffff, v7;
	_ =	sdelay $0x3  }
0x186: {  	s2 =	spop (v2sf)  }
0x187: {  	s8 =	sadd.s32 s8, s2  }
0x188: {  	v7 =	vmov s8;
	v8, _, _ =	vpop (xrf0)  }
0x189: {  	v7 =	vadd.s32 $0xFFFFFFFF, v7;
	v9 =	vsel vm0, $0x0, v8  }
0x18a: {  	v7 =	vbroadcast v7, $0x0;
	(xrf0) =	vadd.scan.msk.s32 $0xffff, v9;
	_ =	sdelay $0x1  }
0x18b: {  	v7 =	vadd.s32 v8, v7  }
0x18c: {  	v7 =	vnsel vm9, $0x0, v7;
	_ =	sdelay $0x1  }
.Ltmp25:
0x18d: {  	(pc) =	sbr.rel @!p2 .LBB2_35-.Ltmp25, $4  }
0x18e: {  	v8, _, _ =	vpop (xrf0)  }
0x18f: {  	(v2sf) =	vpush v8, $0xF  }
0x190: {  	s31 =	sadd.s32 $0x10, s31;
	[tilespmem:v7+s19+$0x0] =	vst.idx.msk vm9, v5  }
0x191: {  	s10 =	sadd.s32 $0xFFFFFFFF, s10;
	v5 =	vld [tilespmem:s31+$0x0]  }
.LBB2_36:
0x192: {  	_ =	sdelay $0x1  }
0x193: {  	s2 =	sadd.s32 @p1 $0x10, s26;
	s5 =	simm.s32 $0x0  }
0x194: {  	s5 =	smov.u32 @p1 s2  }
0x195: {  	v8 =	vor.u32 s5, v2;
	v7 =	vshra.s32 v5, $0x11  }
0x196: {  	vm10 =	vlt.s32 v8, v4;
	vm9 =	veq.s32 v7, v6  }
0x197: {  	vm9 =	vmand vm10, vm9  }
0x198: {  	v6 =	vsel vm9, $0x1, v1  }
0x199: {  	(xrf0) =	vadd.scan.msk.s32 $0xffff, v6;
	_ =	sdelay $0x5  }
0x19a: {  	v6, _, _ =	vpop (xrf0)  }
0x19b: {  	v7 =	vsel vm0, $0x0, v6  }
0x19c: {  	(xrf0) =	vadd.scan.msk.s32 $0xffff, v7;
	_ =	sdelay $0x5  }
0x19d: {  	v7, _, _ =	vpop (xrf0)  }
0x19e: {  	(v2sf) =	vpush v7, $0xF;
	_ =	sdelay $0x2  }
0x19f: {  	s2 =	spop @p1 (v2sf)  }
0x1a0: {  	s2 =	sadd.s32 @p1 s8, s2  }
0x1a1: {  	s6 =	smov.u32 @p1 s2  }
0x1a2: {  	v7 =	vmov s6  }
0x1a3: {  	v7 =	vadd.s32 $0xFFFFFFFF, v7  }
0x1a4: {  	v7 =	vbroadcast v7, $0x0;
	_ =	sdelay $0x1  }
0x1a5: {  	v6 =	vadd.s32 v6, v7  }
0x1a6: {  	v6 =	vnsel vm9, $0x0, v6;
	_ =	sdelay $0x3  }
0x1a7: {  	s26 =	spop (v2sf)  }
0x1a8: {  	[tilespmem:v6+s19+$0x0] =	vst.idx.msk vm9, v5;
	s31 =	sadd.s32 s6, s26  }
.LBB2_37:
0x1a9: {  	v5 =	vimm.f32 $0.0e+00;
	s26 =	simm.s32 $0x14840  }
.LBB2_38:
0x1aa: {  	v6 =	vmov s26;
	_ =	sdelay $0x3  }
0x1ab: {  	s2 =	simm.s32 $0x0  }
0x1ac: {  	v7 =	vld.idx.msk [tilespmem:v6+s2+$0xFFFFFFC0 ss:$0x1], $0xffff  }
0x1ad: {  	v8 =	vld.idx.msk [tilespmem:v6+s2+$0xFFFFFFD0 ss:$0x1], $0xffff  }
0x1ae: {  	v9 =	vld.idx.msk [tilespmem:v6+s2+$0xFFFFFFE0 ss:$0x1], $0xffff  }
0x1af: {  	v10 =	vld.idx.msk [tilespmem:v6+s2+$0xFFFFFFF0 ss:$0x1], $0xffff  }
0x1b0: {  	v11 =	vld.idx.msk [tilespmem:v6+s2+$0x0 ss:$0x1], $0xffff  }
0x1b1: {  	v12 =	vld.idx.msk [tilespmem:v6+s2+$0x10 ss:$0x1], $0xffff  }
0x1b2: {  	v13 =	vld.idx.msk [tilespmem:v6+s2+$0x20 ss:$0x1], $0xffff  }
0x1b3: {  	s5 =	simm.s32 $0x400;
	v14 =	vld.idx.msk [tilespmem:v6+s2+$0x30 ss:$0x1], $0xffff;
	v7 =	vmul.f32 $1.442695020e+00, v7;
	v8 =	vmul.f32 $1.442695020e+00, v8  }
0x1b4: {  	v15 =	vld.idx.msk [tilespmem:v6+s5+$0xFFFFFFC0 ss:$0x1], $0xffff;
	v9 =	vmul.f32 $1.442695020e+00, v9;
	v10 =	vmul.f32 $1.442695020e+00, v10  }
0x1b5: {  	v11 =	vmul.f32 $1.442695020e+00, v11;
	(erf) = vpow2.f32 v7;
	v7 =	vld.idx.msk [tilespmem:v6+s5+$0xFFFFFFD0 ss:$0x1], $0xffff  }
0x1b6: {  	v16 =	vld.idx.msk [tilespmem:v6+s5+$0xFFFFFFE0 ss:$0x1], $0xffff;
	(erf) = vpow2.f32 v9;
	v9 =	vmul.f32 $1.442695020e+00, v12  }
0x1b7: {  	v12 =	vld.idx.msk [tilespmem:v6+s5+$0xFFFFFFF0 ss:$0x1], $0xffff;
	(erf) = vpow2.f32 v8;
	v8 =	vmul.f32 $1.442695020e+00, v13  }
0x1b8: {  	v13 =	vld.idx.msk [tilespmem:v6+s5+$0x0 ss:$0x1], $0xffff;
	(erf) = vpow2.f32 v11;
	v11 =	vmul.f32 $1.442695020e+00, v14  }
0x1b9: {  	v14 =	vld.idx.msk [tilespmem:v6+s5+$0x10 ss:$0x1], $0xffff;
	(erf) = vpow2.f32 v9;
	v9 =	vmul.f32 $1.442695020e+00, v15  }
0x1ba: {  	v15 =	vld.idx.msk [tilespmem:v6+s5+$0x20 ss:$0x1], $0xffff;
	(erf) = vpow2.f32 v8;
	v7 =	vmul.f32 $1.442695020e+00, v7  }
0x1bb: {  	s13 =	simm.s32 $0x800;
	v8 =	vld.idx.msk [tilespmem:v6+s5+$0x30 ss:$0x1], $0xffff;
	(erf) = vpow2.f32 v11;
	v11 =	vmul.f32 $1.442695020e+00, v16  }
0x1bc: {  	v16 =	vld.idx.msk [tilespmem:v6+s13+$0xFFFFFFC0 ss:$0x1], $0xffff;
	v17 =	vmul.f32 $1.442695020e+00, v12;
	(erf) = vpow2.f32 v9  }
0x1bd: {  	v19 =	vld.idx.msk [tilespmem:v6+s13+$0x10 ss:$0x1], $0xffff;
	(erf) = vpow2.f32 v10;
	v10 =	vmul.f32 $1.442695020e+00, v13  }
0x1be: {  	v20 =	vld.idx.msk [tilespmem:v6+s13+$0x20 ss:$0x1], $0xffff;
	(erf) = vpow2.f32 v11;
	v11 =	vmul.f32 $1.442695020e+00, v14  }
0x1bf: {  	v13 =	vld.idx.msk [tilespmem:v6+s13+$0xFFFFFFE0 ss:$0x1], $0xffff;
	v12 =	vpop (erf);
	(erf) = vpow2.f32 v7;
	v7 =	vmul.f32 $1.442695020e+00, v15  }
0x1c0: {  	v9 =	vld.idx.msk [tilespmem:v6+s13+$0xFFFFFFD0 ss:$0x1], $0xffff;
	v18 =	vpop (erf);
	v8 =	vmul.f32 $1.442695020e+00, v8;
	(erf) = vpow2.f32 v10  }
0x1c1: {  	v15 =	vld.idx.msk [tilespmem:v6+s13+$0x0 ss:$0x1], $0xffff;
	v16 =	vmul.f32 $1.442695020e+00, v16;
	v10 =	vpop (erf);
	(erf) = vpow2.f32 v11  }
0x1c2: {  	v19 =	vmul.f32 $1.442695020e+00, v19;
	v14 =	vld.idx.msk [tilespmem:v6+s13+$0xFFFFFFF0 ss:$0x1], $0xffff;
	v11 =	vpop (erf);
	(erf) = vpow2.f32 v7  }
0x1c3: {  	v20 =	vmul.f32 $1.442695020e+00, v20;
	v7 =	vpop (erf);
	(erf) = vpow2.f32 v8  }
0x1c4: {  	s6 =	simm.s32 $0xC00;
	v22 =	vld.idx.msk [tilespmem:v6+s13+$0x30 ss:$0x1], $0xffff;
	v23 =	vmul.f32 $1.442695020e+00, v13;
	v8 =	vpop (erf);
	(erf) = vpow2.f32 v16  }
0x1c5: {  	v24 =	vld.idx.msk [tilespmem:v6+s6+$0xFFFFFFC0 ss:$0x1], $0xffff;
	v21 =	vmul.f32 $1.442695020e+00, v9;
	v16 =	vpop (erf);
	(erf) = vpow2.f32 v17  }
0x1c6: {  	v10 =	vadd.f32 v10, v12;
	v12 =	vld.idx.msk [tilespmem:v6+s6+$0xFFFFFFD0 ss:$0x1], $0xffff;
	v17 =	vmul.f32 $1.442695020e+00, v15;
	v25 =	vpop (erf);
	(erf) = vpow2.f32 v23  }
0x1c7: {  	v13 =	vld.idx.msk [tilespmem:v6+s6+$0xFFFFFFE0 ss:$0x1], $0xffff;
	v9 =	vmul.f32 $1.442695020e+00, v14;
	v14 =	vadd.f32 v7, v11;
	v15 =	vpop (erf);
	(erf) = vpow2.f32 v21  }
0x1c8: {  	v11 =	vld.idx.msk [tilespmem:v6+s6+$0xFFFFFFF0 ss:$0x1], $0xffff;
	v8 =	vadd.f32 v16, v8;
	v7 =	vpop (erf);
	v23 =	vadd.f32 v15, v18;
	(erf) = vpow2.f32 v17  }
0x1c9: {  	v16 =	vld.idx.msk [tilespmem:v6+s6+$0x10 ss:$0x1], $0xffff;
	v21 =	vmul.f32 $1.442695020e+00, v22;
	v26 =	vpop (erf);
	(erf) = vpow2.f32 v19  }
0x1ca: {  	v15 =	vld.idx.msk [tilespmem:v6+s6+$0x0 ss:$0x1], $0xffff;
	v14 =	vadd.f32 v8, v14;
	v18 =	vpop (erf);
	v19 =	vadd.f32 v23, v10;
	(erf) = vpow2.f32 v20  }
0x1cb: {  	s8 =	simm.s32 $0x4000;
	v22 =	vmul.f32 $1.442695020e+00, v24;
	v17 =	vld.idx.msk [tilespmem:v6+s6+$0x20 ss:$0x1], $0xffff;
	v8 =	vimm.f32 $0.0e+00;
	v10 =	vadd.f32 v26, v25;
	v20 =	vpop (erf)  }
.LBB2_39:
0x1cc: {  	p1 =	sne.s32 s8, $0x1F000;
	v23 =	vmul.f32 $1.442695020e+00, v12;
	v24 =	vld.idx.msk [tilespmem:v6+s6+$0x30 ss:$0x1], $0xffff;
	s6 =	sshra.s32 s8, $0x2;
	s8 =	sadd.s32 $0x1000, s8;
	(erf) = vpow2.f32 v21;
	v21 =	vpop (erf);
	v14 =	vadd.f32 v14, v19  }
0x1cd: {  	v19 =	vmul.f32 $1.442695020e+00, v13;
	v18 =	vadd.f32 v20, v18;
	v25 =	vld.idx.msk [tilespmem:v6+s6+$0xFFFFFFC0 ss:$0x1], $0xffff;
	(erf) = vpow2.f32 v22;
	v20 =	vpop (erf)  }
0x1ce: {  	v12 =	vld.idx.msk [tilespmem:v6+s6+$0xFFFFFFD0 ss:$0x1], $0xffff;
	v26 =	vpop (erf);
	v8 =	vadd.f32 v14, v8;
	(erf) = vpow2.f32 v9;
	v9 =	vmul.f32 $1.442695020e+00, v11  }
.Ltmp26:
0x1cf: {  	v14 =	vmul.f32 $1.442695020e+00, v15;
	v13 =	vld.idx.msk [tilespmem:v6+s6+$0xFFFFFFE0 ss:$0x1], $0xffff;
	(erf) = vpow2.f32 v19;
	v19 =	vadd.f32 v20, v21;
	v15 =	vpop (erf);
	(pc) =	sbr.rel @p1 .LBB2_39-.Ltmp26, $4  }
0x1d0: {  	v28 =	vmul.f32 $1.442695020e+00, v16;
	v11 =	vld.idx.msk [tilespmem:v6+s6+$0xFFFFFFF0 ss:$0x1], $0xffff;
	(erf) = vpow2.f32 v23;
	v22 =	vadd.f32 v15, v7;
	v7 =	vpop (erf)  }
0x1d1: {  	v23 =	vmul.f32 $1.442695020e+00, v17;
	v15 =	vld.idx.msk [tilespmem:v6+s6+$0x0 ss:$0x1], $0xffff;
	(erf) = vpow2.f32 v14;
	v27 =	vpop (erf);
	v14 =	vadd.f32 v19, v18  }
0x1d2: {  	v21 =	vmul.f32 $1.442695020e+00, v24;
	v16 =	vld.idx.msk [tilespmem:v6+s6+$0x10 ss:$0x1], $0xffff;
	(erf) = vpow2.f32 v28;
	v18 =	vpop (erf);
	v19 =	vadd.f32 v22, v10  }
0x1d3: {  	v22 =	vmul.f32 $1.442695020e+00, v25;
	v10 =	vadd.f32 v27, v26;
	v17 =	vld.idx.msk [tilespmem:v6+s6+$0x20 ss:$0x1], $0xffff;
	(erf) = vpow2.f32 v23;
	v20 =	vpop (erf)  }
0x1d4: {  	_ =	sdelay $0x3  }
0x1d5: {  	v6 =	vld.idx.msk [tilespmem:v6+s6+$0x30 ss:$0x1], $0xffff  }
0x1d6: {  	(erf) = vpow2.f32 v21;
	v41 =	vpop (erf);
	v13 =	vmul.f32 $1.442695020e+00, v13  }
0x1d7: {  	v12 =	vmul.f32 $1.442695020e+00, v12;
	(erf) = vpow2.f32 v22;
	v42 =	vpop (erf)  }
0x1d8: {  	(erf) = vpow2.f32 v9;
	v43 =	vpop (erf);
	v15 =	vmul.f32 $1.442695020e+00, v15  }
0x1d9: {  	(erf) = vpow2.f32 v13;
	v44 =	vpop (erf);
	v16 =	vmul.f32 $1.442695020e+00, v16  }
0x1da: {  	(erf) = vpow2.f32 v12;
	v45 =	vpop (erf);
	v6 =	vmul.f32 $1.442695020e+00, v6  }
0x1db: {  	v17 =	vmul.f32 $1.442695020e+00, v17;
	(erf) = vpow2.f32 v15;
	v46 =	vpop (erf)  }
0x1dc: {  	(erf) = vpow2.f32 v16;
	v47 =	vpop (erf)  }
0x1dd: {  	v11 =	vmul.f32 $1.442695020e+00, v11;
	(erf) = vpow2.f32 v17;
	v48 =	vpop (erf)  }
0x1de: {  	(erf) = vpow2.f32 v6;
	v6 =	vpop (erf)  }
0x1df: {  	(erf) = vpow2.f32 v11;
	v49 =	vpop (erf)  }
0x1e0: {  	v18 =	vadd.f32 v20, v18;
	v50 =	vpop (erf)  }
0x1e1: {  	v21 =	vadd.f32 v42, v41;
	v7 =	vadd.f32 v44, v7;
	v51 =	vpop (erf)  }
0x1e2: {  	v14 =	vadd.f32 v14, v19;
	v52 =	vpop (erf)  }
0x1e3: {  	v18 =	vadd.f32 v21, v18;
	v7 =	vadd.f32 v7, v10;
	v53 =	vpop (erf)  }
0x1e4: {  	v9 =	vadd.f32 v46, v43;
	v54 =	vadd.f32 v48, v47;
	v55 =	vpop (erf)  }
0x1e5: {  	v6 =	vadd.f32 v49, v6;
	v56 =	vadd.f32 v51, v45;
	v57 =	vpop (erf)  }
0x1e6: {  	v8 =	vadd.f32 v14, v8;
	v7 =	vadd.f32 v18, v7;
	v58 =	vpop (erf)  }
0x1e7: {  	v6 =	vadd.f32 v6, v54;
	v9 =	vadd.f32 v56, v9;
	v59 =	vpop (erf)  }
0x1e8: {  	v10 =	vadd.f32 v53, v50;
	v12 =	vadd.f32 v57, v55;
	v60 =	vpop (erf)  }
0x1e9: {  	v11 =	vadd.f32 v59, v58;
	v61 =	vadd.f32 v60, v52  }
0x1ea: {  	v7 =	vadd.f32 v7, v8;
	v6 =	vadd.f32 v6, v9  }
0x1eb: {  	v62 =	vadd.f32 v11, v12;
	v63 =	vadd.f32 v61, v10;
	_ =	sdelay $0x1  }
0x1ec: {  	v6 =	vadd.f32 v6, v7;
	v7 =	vadd.f32 v62, v63;
	_ =	sdelay $0x1  }
0x1ed: {  	v6 =	vadd.f32 v7, v6;
	_ =	sdelay $0x1  }
0x1ee: {  	(xrf2) =	vadd.scan.msk.f32 $0xffff, v6;
	_ =	sdelay $0x6  }
0x1ef: {  	v6 =	vmov s25;
	s25 =	sadd.s32 $0x1, s25  }
0x1f0: {  	p1 =	sne.s32 s25, $0x8  }
.Ltmp27:
0x1f1: {  	_ = 	snop;
	(pc) =	sbr.rel @p1 .LBB2_38-.Ltmp27, $4  }
0x1f2: {  	v7, _, _ =	vpop (xrf2)  }
0x1f3: {  	v7 =	vbroadcast v7, $0xF  }
0x1f4: {  	vm9 =	veq.s32 v6, v2  }
0x1f5: {  	s26 =	sadd.s32 $0x80, s26;
	v5 =	vsel vm9, v7, v5  }
0x1f6: {  	p1 =	slt.s32 s0, $0x1  }
.Ltmp28:
0x1f7: {  	_ = 	snop;
	(pc) =	sbr.rel @p1 .LBB2_45-.Ltmp28, $2  }
0x1f8: {  	_ =	sdelay $0x2  }
0x1f9: {  	[tilespmem:s1+$0x1C800] =	vst v5  }
0x1fa: {  	p1 =	sne.s32 s0, $0x1  }
.Ltmp29:
0x1fb: {  	_ = 	snop;
	(pc) =	sbr.rel @!p1 .LBB2_44-.Ltmp29, $3  }
0x1fc: {  	_ =	sdelay $0x1  }
0x1fd: {  	_ =	swait.ge [sflag:s23], $0x1000  }
0x1fe: {  	s0 =	sadd.s32 $0xFFFFFFFF, s0;
	[sflag:s23] =	ssyncset.done $0x0  }
.LBB2_43:
0x1ff: {  	p1 =	sne.s32 s0, $0x1;
	s0 =	sadd.s32 $0xFFFFFFFF, s0;
	[sflag:s23] =	ssyncadd.s32 $0xFFFFF000  }
.Ltmp30:
0x200: {  	(pc) =	sbr.rel @p1 .LBB2_43-.Ltmp30, $3  }
0x201: {  	_ =	sdelay $0x1  }
0x202: {  	_ =	swait.ge [sflag:s23], $0x1000  }
0x203: {  	[sflag:s23] =	ssyncset.done $0x0  }
.LBB2_44:
0x204: {  	[sflag:s23] =	ssyncadd.s32 $0xFFFFF000  }
.LBB2_45:
0x205: {  	p1 =	seq.s32 s30, $0x7;
	s0 =	rddreg [dreg:$0x7]  }
0x206: {  	s0 =	sadd.s32 @!p1 s24, s0  }
0x207: {  	s26 =	sadd.s32 $0xF, s31;
	s0 =	sshll.u32 @!p1 s0, $0x9  }
0x208: {  	s2 =	simm.s32 @!p1 $0x0;
	s5 =	simm.s32 @!p1 $0xC800;
	s0 =	sadd.s32 @!p1 s28, s0  }
0x209: {  	[tilespmem:s5], [sflag:$0x1] =	stream.linear.gather @!p1 [hbm4b:s0+s2], $0x8000, $0x38;
	[tilespmem:$0x1CA80] =	vst v63  }
0x20a: {  	s0 =	sshra.s32 s26, $0x4  }
0x20b: {  	p1 =	slt.s32 s0, $0x1  }
.Ltmp31:
0x20c: {  	_ = 	snop;
	(pc) =	sbr.rel @p1 .LBB2_46-.Ltmp31, $2  }
0x20d: {  	_ =	sdelay $0x2  }
0x20e: {  	v5 =	vld [tilespmem:$0x1CA00]  }
.Ltmp32:
0x20f: {  	(pc) =	sbr.rel .LBB2_56-.Ltmp32, $2  }
0x210: {  	_ =	sdelay $0x2  }
0x211: {  	v6 =	vmov s31;
	s24 =	simm.s32 $0x0;
	v7 =	vimm.s32 $0x0;
	s6 =	simm.s32 $0x10  }
.LBB2_55:
0x212: {  	v8 =	vbroadcast v11, $0xF  }
0x213: {  	v9 =	vbroadcast v16, $0xF  }
0x214: {  	v58 =	vbroadcast v17, $0xF;
	v8 =	vnsel vm1, $0x0, v8  }
0x215: {  	v59 =	vbroadcast v18, $0xF;
	v7 =	vadd.s32 v7, v8;
	v8 =	vnsel vm2, $0x0, v9  }
0x216: {  	v60 =	vbroadcast v15, $0xF;
	v7 =	vadd.s32 v8, v7;
	v8 =	vnsel vm3, $0x0, v58  }
0x217: {  	v61 =	vbroadcast v14, $0xF;
	p1 =	seq.s32 s24, s0;
	v7 =	vadd.s32 v8, v7;
	v8 =	vnsel vm4, $0x0, v59  }
.Ltmp33:
0x218: {  	v62 =	vbroadcast v12, $0xF;
	v7 =	vadd.s32 v8, v7;
	v8 =	vnsel vm5, $0x0, v60;
	(pc) =	sbr.rel @p1 .LBB2_47-.Ltmp33, $4  }
0x219: {  	v63 =	vbroadcast v13, $0xF;
	v7 =	vadd.s32 v8, v7;
	v8 =	vnsel vm6, $0x0, v61  }
0x21a: {  	v7 =	vadd.s32 v8, v7;
	v8 =	vnsel vm7, $0x0, v62  }
0x21b: {  	v10 =	vnsel vm9, $0x0, v10;
	v7 =	vadd.s32 v8, v7;
	v8 =	vnsel vm8, $0x0, v63  }
0x21c: {  	s6 =	sadd.s32 $0x10, s6;
	v5 =	vadd.f32 v10, v5;
	v7 =	vadd.s32 v8, v7  }
.LBB2_56:
0x21d: {  	s8 =	sshll.u32 s24, $0x4  }
0x21e: {  	v9 =	vld [tilespmem:s8+$0x8800];
	_ =	sdelay $0x4  }
0x21f: {  	v8 =	vand.u32 $0x3FFF, v9  }
0x220: {  	v9 =	vshrl.u32 v9, $0xE  }
0x221: {  	v10 =	vor.u32 s8, v2;
	v9 =	vand.u32 $0x7, v9  }
0x222: {  	vm9 =	vlt.s32 v10, v6;
	vm10 =	veq.s32 v9, $0x0  }
0x223: {  	vm11 =	veq.s32 v9, $0x1;
	vm10 =	vmand vm9, vm10  }
0x224: {  	v10 =	vsel vm10, $0x1, v1;
	vm10 =	vmand vm9, vm11;
	vm11 =	veq.s32 v9, $0x2;
	v12 =	vld.idx.msk [tilespmem:v8+s14+$0x0], $0xffff  }
0x225: {  	(xrf0) =	vadd.scan.msk.s32 $0xffff, v10;
	v10 =	vsel vm10, $0x1, v1;
	vm10 =	vmand vm9, vm11;
	vm11 =	veq.s32 v9, $0x3  }
0x226: {  	(xrf0) =	vadd.scan.msk.s32 $0xffff, v10;
	v10 =	vsel vm10, $0x1, v1;
	vm10 =	vmand vm9, vm11;
	vm11 =	veq.s32 v9, $0x4  }
0x227: {  	(xrf0) =	vadd.scan.msk.s32 $0xffff, v10;
	v10 =	vsel vm10, $0x1, v1;
	vm10 =	vmand vm9, vm11  }
0x228: {  	vm11 =	veq.s32 v9, $0x5;
	(xrf0) =	vadd.scan.msk.s32 $0xffff, v10;
	v10 =	vsel vm10, $0x1, v1  }
0x229: {  	vm10 =	vmand vm9, vm11;
	vm11 =	veq.s32 v9, $0x6;
	v11 =	vshll.u32 v12, $0x3  }
0x22a: {  	s24 =	sadd.s32 $0x1, s24;
	(xrf0) =	vadd.scan.msk.s32 $0xffff, v10;
	v10 =	vsel vm10, $0x1, v1;
	vm10 =	vmand vm9, vm11;
	vm11 =	veq.s32 v9, $0x7  }
0x22b: {  	s2 =	sshll.u32 s24, $0x4;
	v13 =	vsel vm10, $0x1, v1;
	(xrf0) =	vadd.scan.msk.s32 $0xffff, v10;
	vm10 =	vmand vm9, vm11  }
0x22c: {  	p1 =	slt.s32 s31, s2;
	v14 =	vshll.u32 v9, $0x7;
	v10 =	vand.u32 $0xFFFFFC00, v11;
	v11, _, _ =	vpop (xrf0);
	(xrf0) =	vadd.scan.msk.s32 $0xffff, v13;
	v13 =	vsel vm10, $0x1, v1  }
0x22d: {  	s2 =	smov.u32 @p1 s31;
	v12 =	vand.u32 $0x7F, v12;
	v10 =	vor.u32 v14, v10;
	v16, _, _ =	vpop (xrf0);
	(xrf0) =	vadd.scan.msk.s32 $0xffff, v13  }
0x22e: {  	p1 =	sge.s32 s8, s2;
	v10 =	vor.u32 v12, v10;
	v17, _, _ =	vpop (xrf0)  }
.Ltmp34:
0x22f: {  	v18, _, _ =	vpop (xrf0);
	(pc) =	sbr.rel @p1 .LBB2_55-.Ltmp34, $4  }
0x230: {  	v15, _, _ =	vpop (xrf0)  }
0x231: {  	v14, _, _ =	vpop (xrf0)  }
0x232: {  	v12, _, _ =	vpop (xrf0)  }
0x233: {  	v10 =	vld.idx.msk [tilespmem:v10+s21+$0x0], $0xffff;
	v13, _, _ =	vpop (xrf0)  }
0x234: {  	p1 =	slt.s32 s31, s6;
	s10 =	smov.u32 s6  }
0x235: {  	s11 =	smov.u32 s8;
	s10 =	smov.u32 @p1 s31  }
.LBB2_58:
0x236: {  	s2 =	ssub.s32 s11, s8  }
0x237: {  	v19 =	vmov s2  }
0x238: {  	vm10 =	veq.s32 v19, v2  }
0x239: {  	v19 =	vnsel vm10, $0x0, v9  }
0x23a: {  	(xrf0) =	vadd.scan.msk.s32 $0xffff, v19;
	v19 =	vnsel vm10, $0x0, v8  }
0x23b: {  	(xrf0) =	vadd.scan.msk.s32 $0xffff, v19;
	_ =	sdelay $0x4  }
0x23c: {  	v19, _, _ =	vpop (xrf0)  }
0x23d: {  	(v2sf) =	vpush v19, $0xF;
	v19, _, _ =	vpop (xrf0)  }
0x23e: {  	(v2sf) =	vpush v19, $0xF;
	_ =	sdelay $0xd  }
0x23f: {  	s26 =	spop (v2sf)  }
0x240: {  	s5 =	spop (v2sf)  }
0x241: {  	s12 =	sshll.u32 s26, $0xC;
	s13 =	sshll.u32 s5, $0xC;
	s5 =	sshll.u32 s5, $0x7  }
0x242: {  	s2 =	sshll.u32 s26, $0x7;
	s13 =	sand.u32 $0xFFFF8000, s13;
	s5 =	sand.u32 $0x380, s5  }
0x243: {  	s12 =	sand.u32 $0xFFFF8000, s12;
	s2 =	sand.u32 $0x380, s2;
	s5 =	sor.u32 s5, s13  }
0x244: {  	s2 =	sor.u32 s2, s12;
	s5 =	sshrl.u32 s5, $0x3  }
0x245: {  	s12 =	sadd.s32 $0x14800, s2;
	s13 =	sadd.s32 s3, s5  }
0x246: {  	s25 =	simm.s32 $0x80;
	s2 =	sadd.s32 $0x400, s12;
	s5 =	sadd.s32 $0x0, s13  }
.LBB2_59:
0x247: {  	[hbm4b:s5+s4] =	stream.linear.scatter [tilespmem:s12], [sflag:$0x4], $0x80, $0x38;
	[tilespmem:$0x1CA80] =	vst v63  }
0x248: {  	s5 =	smov.u32 s25;
	s12 =	smov.u32 s2;
	p1 =	sne.s32 s25, $0xF80  }
.Ltmp35:
0x249: {  	s25 =	sadd.s32 $0x80, s25;
	(pc) =	sbr.rel @p1 .LBB2_59-.Ltmp35, $2  }
0x24a: {  	_ =	sdelay $0x2  }
0x24b: {  	s2 =	sadd.s32 $0x400, s2;
	s5 =	sadd.s32 s5, s13  }
0x24c: {  	s11 =	sadd.s32 $0x1, s11  }
0x24d: {  	p1 =	seq.s32 s11, s10  }
.Ltmp36:
0x24e: {  	_ = 	snop;
	(pc) =	sbr.rel @!p1 .LBB2_58-.Ltmp36, $4  }
.Ltmp37:
0x24f: {  	_ = 	snop;
	(pc) =	sbr.rel @p1 .LBB2_55-.Ltmp37, $4  }
0x250: {  	_ = 	snop  }
0x251: {  	_ = 	snop  }
0x252: {  	[hbm4b:s5+s4] =	stream.linear.scatter [tilespmem:s12], [sflag:$0x4], $0x80, $0x38;
	[tilespmem:$0x1CA80] =	vst v63  }
0x253: {  	_ = 	snop  }
.LBB2_8:
.Ltmp38:
0x254: {  	(pc) =	sbr.rel .LBB2_12-.Ltmp38, $2  }
0x255: {  	_ =	sdelay $0x2  }
0x256: {  	s8 =	simm.s32 $0x0;
	s6 =	simm.s32 $0x0  }
.LBB2_25:
.Ltmp39:
0x257: {  	(pc) =	sbr.rel .LBB2_36-.Ltmp39, $2  }
0x258: {  	_ =	sdelay $0x2  }
0x259: {  	s26 =	simm.s32 $0x0;
	s8 =	simm.s32 $0x0  }
.LBB2_10:
.Ltmp40:
0x25a: {  	(pc) =	sbr.rel .LBB2_12-.Ltmp40, $2  }
0x25b: {  	_ =	sdelay $0x2  }
0x25c: {  	s8 =	simm.s32 $0x0;
	s6 =	simm.s32 $0x0  }
.LBB2_34:
.Ltmp41:
0x25d: {  	(pc) =	sbr.rel .LBB2_36-.Ltmp41, $2  }
0x25e: {  	_ =	sdelay $0x2  }
0x25f: {  	s26 =	simm.s32 $0x0;
	s8 =	simm.s32 $0x0  }
.LBB2_48:
0x260: {  	p0 =	sgt.s32 s31, $0x0  }
.Ltmp42:
0x261: {  	_ = 	snop;
	(pc) =	sbr.rel @!p0 .LBB2_52-.Ltmp42, $3  }
0x262: {  	_ =	sdelay $0x1  }
0x263: {  	s7 =	rddreg [dreg:$0x4]  }
0x264: {  	s2 =	rddreg [dreg:$0xc]  }
0x265: {  	p0 =	sne.s32 s31, $0x1  }
.Ltmp43:
0x266: {  	_ = 	snop;
	(pc) =	sbr.rel @!p0 .LBB2_51-.Ltmp43, $3  }
0x267: {  	_ =	sdelay $0x1  }
0x268: {  	_ =	swait.ge [sflag:s20], $0x1000  }
0x269: {  	s0 =	sadd.s32 $0xFFFFFFFF, s31;
	[sflag:s20] =	ssyncset.done $0x0  }
.LBB2_50:
0x26a: {  	p0 =	sne.s32 s0, $0x1;
	s0 =	sadd.s32 $0xFFFFFFFF, s0;
	[sflag:s20] =	ssyncadd.s32 $0xFFFFF000  }
.Ltmp44:
0x26b: {  	(pc) =	sbr.rel @p0 .LBB2_50-.Ltmp44, $3  }
0x26c: {  	_ =	sdelay $0x1  }
0x26d: {  	_ =	swait.ge [sflag:s20], $0x1000  }
0x26e: {  	[sflag:s20] =	ssyncset.done $0x0  }
.Ltmp45:
0x26f: {  	_ = 	snop;
	(pc) =	sbr.rel .LBB2_51-.Ltmp45, $1  }
0x270: {  	_ =	sdelay $0x3  }
.LBB2_53:
0x271: {  	_ =	sfence.sel $0x180000  }
0x272: {  	[bflag:$0x0] =	sbarrier.arrive $0xFFFF  }
0x273: {  	_ =	strace $0x90000047  }
0x274: {  	s0 =	stileid.u32;
	[bflag:$0x2] =	sbarrier.arrive $0xFFFF  }
0x275: {  	p0 =	sne.s32 s0, $0x0;
	s0 =	rddreg [dreg:$0x3]  }
0x276: {  	s0 =	sadd.s32 @!p0 $0x100000, s0  }
0x277: {  	[sflag:s0] =	ssyncadd.tile.s32 @!p0 $0x1;
	_ =	shalt  }
.Lfunc_end2:
_tile_overlayer_lowered:
.L_overlay_start_2:
0x278: {  	(tag) =	ssettag $0x2  }
0x279: {  	s0 =	rddreg [dreg:$0x0];
	s2 =	stileid.u32  }
0x27a: {  	s1 =	rddreg [dreg:$0x1];
	p0 =	sne.s32 s2, $0x0  }
0x27b: {  	s3 =	rddreg [dreg:$0x2];
	[bflag:$0x3] =	sbarrier.arrive $0xFFFF;
	s2 =	simm.s32 @!p0 $0x1C05  }
0x27c: {  	[timem:s3], [sflag:s2] =	dma.local @!p0 [hbm:s0], s1  }
0x27d: {  	s0 =	simm.s32 @!p0 $0x5  }
0x27e: {  	_ =	swait.ge @!p0 [sflag:s0], s1  }
0x27f: {  	s1 =	ssub.s32 @!p0 $0x0, s1;
	[sflag:s0] =	ssyncset.done @!p0 $0x0  }
0x280: {  	[sflag:s0] =	ssyncadd.s32 @!p0 s1  }
0x281: {  	[bflag:$0x3] =	sbarrier.arrive $0xFFFF  }
0x282: {  	_ =	shalt  }

</sc_bundles>
